<compile_context>
chip_gen: v7x
topology: tpu7x:2x2x1
jax: 0.10.2.dev20260603
libtpu: 0.0.44.dev20260713+nightly
codegen_flags: <defaults>
</compile_context>

<pallas_src>
import functools

import jax
import jax.numpy as jnp
from jax import lax
from jax.experimental import pallas as pl
from jax.experimental.pallas import tpu as pltpu
from jax.experimental.pallas import tpu_sc as plsc

L = 16


def _rsqrt(v):
    i = lax.bitcast_convert_type(v, jnp.int32)
    i = jnp.full((L,), 0x5F3759DF, jnp.int32) - lax.shift_right_logical(i, 1)
    y = lax.bitcast_convert_type(i, jnp.float32)
    half = v * 0.5
    for _ in range(2):
        y = y * (1.5 - half * y * y)
    return y


def _make_kernel(B, S, V, D, NC, NS):
    NW = NC * NS
    N = B * S
    CHUNK = 256
    per_w = N // NW
    n_chunks = per_w // CHUNK
    assert N % NW == 0 and per_w % CHUNK == 0 and D % L == 0
    KD = D // L

    mesh = plsc.VectorSubcoreMesh(core_axis_name="c", subcore_axis_name="s")

    @functools.partial(
        pl.kernel,
        mesh=mesh,
        compiler_params=pltpu.CompilerParams(use_tc_tiling_on_sc=False),
        out_type=jax.ShapeDtypeStruct((N // 2, 2 * D), jnp.float32),
        scratch_types=[
            pltpu.VMEM((n_chunks, CHUNK), jnp.int32),
            pltpu.VMEM((CHUNK, 2 * D), jnp.float32),
            pltpu.VMEM((CHUNK, 2 * D), jnp.float32),
            pltpu.VMEM((CHUNK // 2, 2 * D), jnp.float32),
            pltpu.VMEM((S, D), jnp.float32),
            pltpu.VMEM((D,), jnp.float32),
            pltpu.VMEM((D,), jnp.float32),
            pltpu.SemaphoreType.DMA,
            pltpu.SemaphoreType.DMA,
            pltpu.SemaphoreType.DMA,
            pltpu.SemaphoreType.DMA,
        ],
    )
    def k(x_hbm, table_hbm, gamma_hbm, beta_hbm, pos_hbm, out_hbm,
          idx_v, rows0, rows1, st, pos_v, gam_v, bet_v,
          gsem0, gsem1, ssem0, ssem1):
        wid = lax.axis_index("s") * NC + lax.axis_index("c")
        wbase = wid * per_w

        pltpu.sync_copy(x_hbm.at[wid], idx_v)
        pltpu.sync_copy(pos_hbm, pos_v)
        pltpu.sync_copy(gamma_hbm, gam_v)
        pltpu.sync_copy(beta_hbm, bet_v)

        gvs = [gam_v[pl.ds(L * t, L)] for t in range(KD)]
        bvs = [bet_v[pl.ds(L * t, L)] for t in range(KD)]
        inv_d = jnp.float32(1.0 / D)

        lane_ids = lax.iota(jnp.int32, L)
        _dnums = lax.GatherDimensionNumbers(
            offset_dims=(), collapsed_slice_dims=(0,), start_index_map=(0,))

        def P(v, idx):
            return lax.gather(v, idx, _dnums, slice_sizes=(1,),
                              unique_indices=True,
                              mode=lax.GatherScatterMode.PROMISE_IN_BOUNDS)

        perm8i, perm4i, perm2i, perm1i = (
            jnp.reshape(lane_ids ^ sh, (L, 1)) for sh in (8, 4, 2, 1))
        m8 = lane_ids < 8
        m4 = (lane_ids & 4) == 0
        lo2 = lane_ids & 3
        bidx = [jnp.reshape(lo2 + off, (L, 1)) for off in (0, 8, 4, 12)]

        def pack4(x0, x1, x2, x3):
            t0, t1, t2, t3 = (x + P(x, perm8i) for x in (x0, x1, x2, x3))
            u01 = jnp.where(m8, t0, t1)
            u23 = jnp.where(m8, t2, t3)
            v01 = u01 + P(u01, perm4i)
            v23 = u23 + P(u23, perm4i)
            w = jnp.where(m4, v01, v23)
            w = w + P(w, perm2i)
            return w + P(w, perm1i)

        def start_gather(c, rows, gsem):
            pltpu.async_copy(table_hbm.at[idx_v.at[c]], rows, gsem)

        def wait_gather(rows, gsem):
            pltpu.make_async_copy(table_hbm.at[pl.ds(0, CHUNK)], rows,
                                  gsem).wait()

        def wait_store(st, ssem):
            pltpu.make_async_copy(st, out_hbm.at[pl.ds(0, CHUNK // 2)],
                                  ssem).wait()

        start_gather(0, rows0, gsem0)

        def do_chunk(c, rows, gsem, ssem, n_rows, n_gsem):
            base = wbase + c * CHUNK
            wait_gather(rows, gsem)
            @pl.when(c + 1 < n_chunks)
            def _():
                start_gather(c + 1, n_rows, n_gsem)
            @pl.when(c >= 1)
            def _():
                wait_store(st, ssem)

            p0 = lax.rem(base, S)

            def blk_body(jj, _):
                j = jj * 4
                pj = p0 + j
                hs = []
                ss = []
                qs = []
                for r in range(4):
                    pr = pj + r
                    pr = jnp.where(pr < S, pr, pr - S)
                    pr = jnp.where(pr < S, pr, pr - S)
                    h = [rows[j + r, pl.ds(L * t, L)]
                         + pos_v[pr, pl.ds(L * t, L)] for t in range(KD)]
                    hs.append(h)
                    ss.append((h[0] + h[1]) + (h[2] + h[3]))
                    qs.append((h[0] * h[0] + h[1] * h[1])
                              + (h[2] * h[2] + h[3] * h[3]))
                s4 = pack4(*ss)
                q4 = pack4(*qs)
                mean4 = s4 * inv_d
                var4 = q4 * inv_d - mean4 * mean4 + 1e-5
                inv4 = _rsqrt(var4)
                for r in range(4):
                    mean_r = P(mean4, bidx[r])
                    inv_r = P(inv4, bidx[r])
                    for t in range(KD):
                        st[jj * 2 + r // 2,
                           pl.ds(D * (r % 2) + L * t, L)] = (
                            (hs[r][t] - mean_r) * inv_r * gvs[t] + bvs[t])
                return 0

            lax.fori_loop(0, CHUNK // 4, blk_body, 0, unroll=2)
            pltpu.async_copy(st, out_hbm.at[pl.ds(base // 2, CHUNK // 2)],
                             ssem)

        def outer(go, _):
            for b in range(2):
                c = go * 2 + b
                if b == 0:
                    do_chunk(c, rows0, gsem0, ssem0, rows1, gsem1)
                else:
                    do_chunk(c, rows1, gsem1, ssem0, rows0, gsem0)
            return 0

        lax.fori_loop(0, n_chunks // 2, outer, 0)
        wait_store(st, ssem0)

    return k


def kernel(x, tok_table, gamma, beta, pos_embed):
    B, S = x.shape
    V, D = tok_table.shape
    info = plsc.get_sparse_core_info()
    NC, NS = info.num_cores, info.num_subcores
    NW = NC * NS
    N = B * S
    CHUNK = 256
    per_w = N // NW
    k = _make_kernel(B, S, V, D, NC, NS)
    x_resh = x.reshape(NW, per_w // CHUNK, CHUNK)
    table128 = jnp.pad(tok_table, ((0, 0), (0, 128 - D)))
    out = k(x_resh, table128, gamma, beta, pos_embed)
    return out.reshape(B, S, D)

# --- scband reference (transcript-rebuilt; emitter-appended) ---
"""Pipeline reference for scband-embedding-24086176596667 (READ-ONLY COPY).

The authoritative reference and input builder live on the scoring server;
editing this copy changes nothing except your own understanding.
"""

import jax, jax.numpy as jnp
import numpy as np

VOCAB = 1000000
D_MODEL = 64
MAX_LEN = 200
BATCH = 4096
SEQ = 200


def position_encoding(max_len, d_model):
    b = 1000.0
    pos = np.arange(max_len, dtype=np.float64)[:, None]
    i = np.arange(0, d_model, 2, dtype=np.float64)
    angle = pos / (b ** (2.0 * i / d_model))
    pe = np.zeros((max_len, d_model), dtype=np.float64)
    pe[:, 0::2] = np.sin(angle)
    pe[:, 1::2] = np.cos(angle)
    return jnp.asarray(pe, dtype=jnp.float32)


def setup_inputs(seed: int = 0) -> dict:
    key = jax.random.key(seed)
    k1, k2 = jax.random.split(key, 2)
    x = jax.random.randint(k1, (BATCH, SEQ), 0, VOCAB, dtype=jnp.int32)
    tok_table = jax.random.normal(k2, (VOCAB, D_MODEL), dtype=jnp.float32)
    gamma = jnp.ones((D_MODEL,), dtype=jnp.float32)
    beta = jnp.zeros((D_MODEL,), dtype=jnp.float32)
    pos_embed = position_encoding(MAX_LEN, D_MODEL)
    return {"x": x, "tok_table": tok_table, "gamma": gamma, "beta": beta, "pos_embed": pos_embed}


def reference(x, tok_table, gamma, beta, pos_embed):
    seq_len = x.shape[1]
    pos = jnp.arange(seq_len, dtype=jnp.int32)
    tok = jnp.take(tok_table, x, axis=0)  # [B, S, D] gather
    p = jnp.take(pos_embed, pos, axis=0)[None, :, :]  # [1, S, D]
    h = tok + p
    mean = jnp.mean(h, axis=-1, keepdims=True)
    var = jnp.var(h, axis=-1, keepdims=True)
    y = (h - mean) / jnp.sqrt(var + 1e-5) * gamma + beta
    return y

if __name__ == "__main__":
    import jax
    _d = setup_inputs()
    print(jax.jit(kernel)(*tuple(_d.values())))

</pallas_src>

<mosaic_0001>
#map = affine_map<(d0, d1) -> (0, 0, 0)>
#map1 = affine_map<(d0, d1) -> (0, 0)>
#map2 = affine_map<(d0, d1) -> (0)>
module attributes {stable_mosaic.version = 14 : i64} {
  func.func @k(%arg0: i32, %arg1: i32, %arg2: memref<32x100x256xi32, #tpu.memory_space<hbm>>, %arg3: memref<1000000x128xf32, #tpu.memory_space<hbm>>, %arg4: memref<64xf32, #tpu.memory_space<hbm>>, %arg5: memref<64xf32, #tpu.memory_space<hbm>>, %arg6: memref<200x64xf32, #tpu.memory_space<hbm>>, %arg7: memref<409600x128xf32, #tpu.memory_space<hbm>>, %arg8: memref<100x256xi32, #tpu.memory_space<vmem>>, %arg9: memref<256x128xf32, #tpu.memory_space<vmem>>, %arg10: memref<256x128xf32, #tpu.memory_space<vmem>>, %arg11: memref<128x128xf32, #tpu.memory_space<vmem>>, %arg12: memref<200x64xf32, #tpu.memory_space<vmem>>, %arg13: memref<64xf32, #tpu.memory_space<vmem>>, %arg14: memref<64xf32, #tpu.memory_space<vmem>>, %arg15: memref<!tpu.dma_semaphore, #tpu.memory_space<semaphore_mem>>, %arg16: memref<!tpu.dma_semaphore, #tpu.memory_space<semaphore_mem>>, %arg17: memref<!tpu.dma_semaphore, #tpu.memory_space<semaphore_mem>>, %arg18: memref<!tpu.dma_semaphore, #tpu.memory_space<semaphore_mem>>) attributes {dimension_semantics = [#tpu.dimension_semantics<core_parallel>, #tpu.dimension_semantics<subcore_parallel>], iteration_bounds = array<i64: 2, 16>, scalar_prefetch = 0 : i64, scratch_operands = 11 : i64, tpu.core_type = #tpu.core_type<sc_vector_subcore>, window_params = [{transform_indices = #map}, {transform_indices = #map1}, {transform_indices = #map2}, {transform_indices = #map2}, {transform_indices = #map1}, {transform_indices = #map1}]} {
    %mul3A = arith.constant 2 : i32
    %mul3A_0 = arith.muli %arg1, %mul3A : i32
    %add3A = arith.addi %mul3A_0, %arg0 : i32
    %mul3A_1 = arith.constant 25600 : i32
    %mul3A_2 = arith.muli %add3A, %mul3A_1 : i32
    "tpu.region"() ({
      %run_scoped3A = tpu.sem_alloc : memref<!tpu.dma_semaphore, #tpu.memory_space<semaphore_mem>>
      %dma_start3A_83 = arith.constant 0 : i32
      %dma_start3A_84 = arith.constant 0 : i32
      %dma_start3A_85 = tpu.memref_slice %arg2[%add3A, %dma_start3A_83, %dma_start3A_84] : memref<32x100x256xi32, #tpu.memory_space<hbm>> -> memref<1x100x256xi32, #tpu.memory_space<hbm>>
      %dma_start3A_86 = tpu.memref_squeeze %dma_start3A_85 : memref<1x100x256xi32, #tpu.memory_space<hbm>> -> memref<100x256xi32, #tpu.memory_space<hbm>>
      %dma_start3A_87 = arith.constant 0 : i32
      %dma_start3A_88 = arith.constant 0 : i32
      %dma_start3A_89 = tpu.memref_slice %arg2[%add3A, %dma_start3A_87, %dma_start3A_88] : memref<32x100x256xi32, #tpu.memory_space<hbm>> -> memref<1x100x256xi32, #tpu.memory_space<hbm>>
      %dma_start3A_90 = tpu.memref_squeeze %dma_start3A_89 : memref<1x100x256xi32, #tpu.memory_space<hbm>> -> memref<100x256xi32, #tpu.memory_space<hbm>>
      tpu.enqueue_dma source(%dma_start3A_90 : memref<100x256xi32, #tpu.memory_space<hbm>>) target(%arg8 : memref<100x256xi32, #tpu.memory_space<vmem>>) target_semaphore(%run_scoped3A : memref<!tpu.dma_semaphore, #tpu.memory_space<semaphore_mem>>)
      %dma_wait3A_91 = arith.constant 0 : i32
      %dma_wait3A_92 = arith.constant 0 : i32
      %dma_wait3A_93 = tpu.memref_slice %arg2[%add3A, %dma_wait3A_91, %dma_wait3A_92] : memref<32x100x256xi32, #tpu.memory_space<hbm>> -> memref<1x100x256xi32, #tpu.memory_space<hbm>>
      %dma_wait3A_94 = tpu.memref_squeeze %dma_wait3A_93 : memref<1x100x256xi32, #tpu.memory_space<hbm>> -> memref<100x256xi32, #tpu.memory_space<hbm>>
      %dma_wait3A_95 = arith.constant 0 : i32
      %dma_wait3A_96 = arith.constant 0 : i32
      %dma_wait3A_97 = tpu.memref_slice %arg2[%add3A, %dma_wait3A_95, %dma_wait3A_96] : memref<32x100x256xi32, #tpu.memory_space<hbm>> -> memref<1x100x256xi32, #tpu.memory_space<hbm>>
      %dma_wait3A_98 = tpu.memref_squeeze %dma_wait3A_97 : memref<1x100x256xi32, #tpu.memory_space<hbm>> -> memref<100x256xi32, #tpu.memory_space<hbm>>
      tpu.wait_dma2 semaphore(%run_scoped3A : memref<!tpu.dma_semaphore, #tpu.memory_space<semaphore_mem>>) src(%dma_wait3A_98 : memref<100x256xi32, #tpu.memory_space<hbm>>) dst(%arg8 : memref<100x256xi32, #tpu.memory_space<vmem>>)
      tpu.yield
    }) : () -> ()
    "tpu.region"() ({
      %run_scoped3A = tpu.sem_alloc : memref<!tpu.dma_semaphore, #tpu.memory_space<semaphore_mem>>
      tpu.enqueue_dma source(%arg6 : memref<200x64xf32, #tpu.memory_space<hbm>>) target(%arg12 : memref<200x64xf32, #tpu.memory_space<vmem>>) target_semaphore(%run_scoped3A : memref<!tpu.dma_semaphore, #tpu.memory_space<semaphore_mem>>)
      tpu.wait_dma2 semaphore(%run_scoped3A : memref<!tpu.dma_semaphore, #tpu.memory_space<semaphore_mem>>) src(%arg6 : memref<200x64xf32, #tpu.memory_space<hbm>>) dst(%arg12 : memref<200x64xf32, #tpu.memory_space<vmem>>)
      tpu.yield
    }) : () -> ()
    "tpu.region"() ({
      %run_scoped3A = tpu.sem_alloc : memref<!tpu.dma_semaphore, #tpu.memory_space<semaphore_mem>>
      tpu.enqueue_dma source(%arg4 : memref<64xf32, #tpu.memory_space<hbm>>) target(%arg13 : memref<64xf32, #tpu.memory_space<vmem>>) target_semaphore(%run_scoped3A : memref<!tpu.dma_semaphore, #tpu.memory_space<semaphore_mem>>)
      tpu.wait_dma2 semaphore(%run_scoped3A : memref<!tpu.dma_semaphore, #tpu.memory_space<semaphore_mem>>) src(%arg4 : memref<64xf32, #tpu.memory_space<hbm>>) dst(%arg13 : memref<64xf32, #tpu.memory_space<vmem>>)
      tpu.yield
    }) : () -> ()
    "tpu.region"() ({
      %run_scoped3A = tpu.sem_alloc : memref<!tpu.dma_semaphore, #tpu.memory_space<semaphore_mem>>
      tpu.enqueue_dma source(%arg5 : memref<64xf32, #tpu.memory_space<hbm>>) target(%arg14 : memref<64xf32, #tpu.memory_space<vmem>>) target_semaphore(%run_scoped3A : memref<!tpu.dma_semaphore, #tpu.memory_space<semaphore_mem>>)
      tpu.wait_dma2 semaphore(%run_scoped3A : memref<!tpu.dma_semaphore, #tpu.memory_space<semaphore_mem>>) src(%arg5 : memref<64xf32, #tpu.memory_space<hbm>>) dst(%arg14 : memref<64xf32, #tpu.memory_space<vmem>>)
      tpu.yield
    }) : () -> ()
    %get3A = arith.constant 0 : index
    %get3A_3 = tpu.vector_load %arg13[%get3A] {strides = array<i32>} : memref<64xf32, #tpu.memory_space<vmem>>, vector<16xf32>,
    %get3A_4 = vector.shape_cast %get3A_3 : vector<16xf32> to vector<16xf32>
    %get3A_5 = arith.constant 16 : index
    %get3A_6 = tpu.vector_load %arg13[%get3A_5] {strides = array<i32>} : memref<64xf32, #tpu.memory_space<vmem>>, vector<16xf32>,
    %get3A_7 = vector.shape_cast %get3A_6 : vector<16xf32> to vector<16xf32>
    %get3A_8 = arith.constant 32 : index
    %get3A_9 = tpu.vector_load %arg13[%get3A_8] {strides = array<i32>} : memref<64xf32, #tpu.memory_space<vmem>>, vector<16xf32>,
    %get3A_10 = vector.shape_cast %get3A_9 : vector<16xf32> to vector<16xf32>
    %get3A_11 = arith.constant 48 : index
    %get3A_12 = tpu.vector_load %arg13[%get3A_11] {strides = array<i32>} : memref<64xf32, #tpu.memory_space<vmem>>, vector<16xf32>,
    %get3A_13 = vector.shape_cast %get3A_12 : vector<16xf32> to vector<16xf32>
    %get3A_14 = arith.constant 0 : index
    %get3A_15 = tpu.vector_load %arg14[%get3A_14] {strides = array<i32>} : memref<64xf32, #tpu.memory_space<vmem>>, vector<16xf32>,
    %get3A_16 = vector.shape_cast %get3A_15 : vector<16xf32> to vector<16xf32>
    %get3A_17 = arith.constant 16 : index
    %get3A_18 = tpu.vector_load %arg14[%get3A_17] {strides = array<i32>} : memref<64xf32, #tpu.memory_space<vmem>>, vector<16xf32>,
    %get3A_19 = vector.shape_cast %get3A_18 : vector<16xf32> to vector<16xf32>
    %get3A_20 = arith.constant 32 : index
    %get3A_21 = tpu.vector_load %arg14[%get3A_20] {strides = array<i32>} : memref<64xf32, #tpu.memory_space<vmem>>, vector<16xf32>,
    %get3A_22 = vector.shape_cast %get3A_21 : vector<16xf32> to vector<16xf32>
    %get3A_23 = arith.constant 48 : index
    %get3A_24 = tpu.vector_load %arg14[%get3A_23] {strides = array<i32>} : memref<64xf32, #tpu.memory_space<vmem>>, vector<16xf32>,
    %get3A_25 = vector.shape_cast %get3A_24 : vector<16xf32> to vector<16xf32>
    %iota3A = tpu.iota {dimensions = array<i32: 0>} : vector<16xi32>
    %xor3A = arith.constant 8 : i32
    %xor3A_26 = vector.broadcast %xor3A : i32 to vector<16xi32>
    %xor3A_27 = arith.xori %iota3A, %xor3A_26 : vector<16xi32>
    %reshape3A = vector.shape_cast %xor3A_27 : vector<16xi32> to vector<16x1xi32>
    %xor3A_28 = arith.constant 4 : i32
    %xor3A_29 = vector.broadcast %xor3A_28 : i32 to vector<16xi32>
    %xor3A_30 = arith.xori %iota3A, %xor3A_29 : vector<16xi32>
    %reshape3A_31 = vector.shape_cast %xor3A_30 : vector<16xi32> to vector<16x1xi32>
    %xor3A_32 = arith.constant 2 : i32
    %xor3A_33 = vector.broadcast %xor3A_32 : i32 to vector<16xi32>
    %xor3A_34 = arith.xori %iota3A, %xor3A_33 : vector<16xi32>
    %reshape3A_35 = vector.shape_cast %xor3A_34 : vector<16xi32> to vector<16x1xi32>
    %xor3A_36 = arith.constant 1 : i32
    %xor3A_37 = vector.broadcast %xor3A_36 : i32 to vector<16xi32>
    %xor3A_38 = arith.xori %iota3A, %xor3A_37 : vector<16xi32>
    %reshape3A_39 = vector.shape_cast %xor3A_38 : vector<16xi32> to vector<16x1xi32>
    %lt3A = arith.constant 8 : i32
    %lt3A_40 = vector.broadcast %lt3A : i32 to vector<16xi32>
    %lt3A_41 = arith.cmpi slt, %iota3A, %lt3A_40 : vector<16xi32>
    %and3A = arith.constant 4 : i32
    %and3A_42 = vector.broadcast %and3A : i32 to vector<16xi32>
    %and3A_43 = arith.andi %iota3A, %and3A_42 : vector<16xi32>
    %eq3A = arith.constant 0 : i32
    %eq3A_44 = vector.broadcast %eq3A : i32 to vector<16xi32>
    %eq3A_45 = arith.cmpi eq, %and3A_43, %eq3A_44 : vector<16xi32>
    %and3A_46 = arith.constant 3 : i32
    %and3A_47 = vector.broadcast %and3A_46 : i32 to vector<16xi32>
    %and3A_48 = arith.andi %iota3A, %and3A_47 : vector<16xi32>
    %add3A_49 = arith.constant 0 : i32
    %add3A_50 = vector.broadcast %add3A_49 : i32 to vector<16xi32>
    %add3A_51 = arith.addi %and3A_48, %add3A_50 : vector<16xi32>
    %reshape3A_52 = vector.shape_cast %add3A_51 : vector<16xi32> to vector<16x1xi32>
    %add3A_53 = arith.constant 8 : i32
    %add3A_54 = vector.broadcast %add3A_53 : i32 to vector<16xi32>
    %add3A_55 = arith.addi %and3A_48, %add3A_54 : vector<16xi32>
    %reshape3A_56 = vector.shape_cast %add3A_55 : vector<16xi32> to vector<16x1xi32>
    %add3A_57 = arith.constant 4 : i32
    %add3A_58 = vector.broadcast %add3A_57 : i32 to vector<16xi32>
    %add3A_59 = arith.addi %and3A_48, %add3A_58 : vector<16xi32>
    %reshape3A_60 = vector.shape_cast %add3A_59 : vector<16xi32> to vector<16x1xi32>
    %add3A_61 = arith.constant 12 : i32
    %add3A_62 = vector.broadcast %add3A_61 : i32 to vector<16xi32>
    %add3A_63 = arith.addi %and3A_48, %add3A_62 : vector<16xi32>
    %reshape3A_64 = vector.shape_cast %add3A_63 : vector<16xi32> to vector<16x1xi32>
    %dma_start3A = arith.constant 0 : i32
    %dma_start3A_65 = arith.constant 0 : i32
    %dma_start3A_66 = tpu.memref_slice %arg8[%dma_start3A, %dma_start3A_65] : memref<100x256xi32, #tpu.memory_space<vmem>> -> memref<1x256xi32, #tpu.memory_space<vmem>>
    %dma_start3A_67 = tpu.memref_squeeze %dma_start3A_66 : memref<1x256xi32, #tpu.memory_space<vmem>> -> memref<256xi32, #tpu.memory_space<vmem>>
    %dma_start3A_68 = arith.constant 0 : i32
    %dma_start3A_69 = arith.constant 0 : i32
    %dma_start3A_70 = tpu.memref_slice %arg3[%dma_start3A_68, %dma_start3A_69] : memref<1000000x128xf32, #tpu.memory_space<hbm>> -> memref<1000000x128xf32, #tpu.memory_space<hbm>>
    tpu.enqueue_indirect_dma source(%dma_start3A_70 : memref<1000000x128xf32, #tpu.memory_space<hbm>>) target(%arg9 : memref<256x128xf32, #tpu.memory_space<vmem>>) offsets(%dma_start3A_67 : memref<256xi32, #tpu.memory_space<vmem>>) semaphore(%arg15 : memref<!tpu.dma_semaphore, #tpu.memory_space<semaphore_mem>>)
    %scan3A = arith.constant 1.562500e-02 : f32
    %scan3A_71 = arith.constant 0 : i32
    %scan3A_72 = arith.constant 0 : i32
    %scan3A_73 = arith.constant 50 : i32
    %scan3A_74 = arith.addi %scan3A_72, %scan3A_73 : i32
    %scan3A_75 = arith.constant 1 : i32
    %scan3A_76 = scf.for %scan3A_83 = %scan3A_72 to %scan3A_74 step %scan3A_75 iter_args(%scan3A_84 = %scan3A_71) -> (i32)  : i32 {
      %mul3A_85 = arith.constant 2 : i32
      %mul3A_86 = arith.muli %scan3A_83, %mul3A_85 : i32
      %add3A_87 = arith.constant 0 : i32
      %add3A_88 = arith.addi %mul3A_86, %add3A_87 : i32
      %mul3A_89 = arith.constant 256 : i32
      %mul3A_90 = arith.muli %add3A_88, %mul3A_89 : i32
      %add3A_91 = arith.addi %mul3A_2, %mul3A_90 : i32
      %dma_wait3A_92 = arith.constant 0 : i32
      %dma_wait3A_93 = arith.constant 0 : i32
      %dma_wait3A_94 = tpu.memref_slice %arg3[%dma_wait3A_92, %dma_wait3A_93] : memref<1000000x128xf32, #tpu.memory_space<hbm>> -> memref<256x128xf32, #tpu.memory_space<hbm>>
      %dma_wait3A_95 = arith.constant 0 : i32
      %dma_wait3A_96 = arith.constant 0 : i32
      %dma_wait3A_97 = tpu.memref_slice %arg3[%dma_wait3A_95, %dma_wait3A_96] : memref<1000000x128xf32, #tpu.memory_space<hbm>> -> memref<256x128xf32, #tpu.memory_space<hbm>>
      tpu.wait_dma2 semaphore(%arg15 : memref<!tpu.dma_semaphore, #tpu.memory_space<semaphore_mem>>) src(%dma_wait3A_97 : memref<256x128xf32, #tpu.memory_space<hbm>>) dst(%arg9 : memref<256x128xf32, #tpu.memory_space<vmem>>)
      %add3A_98 = arith.constant 1 : i32
      %add3A_99 = arith.addi %add3A_88, %add3A_98 : i32
      %lt3A_100 = arith.constant 100 : i32
      %lt3A_101 = arith.cmpi slt, %add3A_99, %lt3A_100 : i32
      %convert_element_type3A = arith.extui %lt3A_101 : i1 to i32
      %cond3A = arith.constant 0 : i32
      %cond3A_102 = arith.cmpi ne, %convert_element_type3A, %cond3A : i32
      scf.if %cond3A_102 {
        %add3A_200 = arith.constant 1 : i32
        %add3A_201 = arith.addi %add3A_88, %add3A_200 : i32
        %dma_start3A_202 = arith.constant 0 : i32
        %dma_start3A_203 = tpu.memref_slice %arg8[%add3A_201, %dma_start3A_202] : memref<100x256xi32, #tpu.memory_space<vmem>> -> memref<1x256xi32, #tpu.memory_space<vmem>>
        %dma_start3A_204 = tpu.memref_squeeze %dma_start3A_203 : memref<1x256xi32, #tpu.memory_space<vmem>> -> memref<256xi32, #tpu.memory_space<vmem>>
        %dma_start3A_205 = arith.constant 0 : i32
        %dma_start3A_206 = arith.constant 0 : i32
        %dma_start3A_207 = tpu.memref_slice %arg3[%dma_start3A_205, %dma_start3A_206] : memref<1000000x128xf32, #tpu.memory_space<hbm>> -> memref<1000000x128xf32, #tpu.memory_space<hbm>>
        tpu.enqueue_indirect_dma source(%dma_start3A_207 : memref<1000000x128xf32, #tpu.memory_space<hbm>>) target(%arg10 : memref<256x128xf32, #tpu.memory_space<vmem>>) offsets(%dma_start3A_204 : memref<256xi32, #tpu.memory_space<vmem>>) semaphore(%arg16 : memref<!tpu.dma_semaphore, #tpu.memory_space<semaphore_mem>>)
      } else {
      }
      %ge3A = arith.constant 1 : i32
      %ge3A_103 = arith.cmpi sge, %add3A_88, %ge3A : i32
      %convert_element_type3A_104 = arith.extui %ge3A_103 : i1 to i32
      %cond3A_105 = arith.constant 0 : i32
      %cond3A_106 = arith.cmpi ne, %convert_element_type3A_104, %cond3A_105 : i32
      scf.if %cond3A_106 {
        %dma_wait3A_200 = arith.constant 0 : i32
        %dma_wait3A_201 = arith.constant 0 : i32
        %dma_wait3A_202 = tpu.memref_slice %arg7[%dma_wait3A_200, %dma_wait3A_201] : memref<409600x128xf32, #tpu.memory_space<hbm>> -> memref<128x128xf32, #tpu.memory_space<hbm>>
        %dma_wait3A_203 = arith.constant 0 : i32
        %dma_wait3A_204 = arith.constant 0 : i32
        %dma_wait3A_205 = tpu.memref_slice %arg7[%dma_wait3A_203, %dma_wait3A_204] : memref<409600x128xf32, #tpu.memory_space<hbm>> -> memref<128x128xf32, #tpu.memory_space<hbm>>
        tpu.wait_dma2 semaphore(%arg17 : memref<!tpu.dma_semaphore, #tpu.memory_space<semaphore_mem>>) src(%arg11 : memref<128x128xf32, #tpu.memory_space<vmem>>) dst(%dma_wait3A_205 : memref<128x128xf32, #tpu.memory_space<hbm>>)
      } else {
      }
      %rem3A = arith.constant 200 : i32
      %rem3A_107 = arith.remsi %add3A_91, %rem3A : i32
      %scan3A_108 = arith.constant 0 : i32
      %scan3A_109 = arith.constant 0 : i32
      %scan3A_110 = arith.constant 64 : i32
      %scan3A_111 = arith.addi %scan3A_109, %scan3A_110 : i32
      %scan3A_112 = arith.constant 2 : i32
      %scan3A_113 = scf.for %scan3A_200 = %scan3A_109 to %scan3A_111 step %scan3A_112 iter_args(%scan3A_201 = %scan3A_108) -> (i32)  : i32 {
        %mul3A_202 = arith.constant 4 : i32
        %mul3A_203 = arith.muli %scan3A_200, %mul3A_202 : i32
        %add3A_204 = arith.addi %rem3A_107, %mul3A_203 : i32
        %add3A_205 = arith.constant 0 : i32
        %add3A_206 = arith.addi %add3A_204, %add3A_205 : i32
        %lt3A_207 = arith.constant 200 : i32
        %lt3A_208 = arith.cmpi slt, %add3A_206, %lt3A_207 : i32
        %sub3A_209 = arith.constant 200 : i32
        %sub3A_210 = arith.subi %add3A_206, %sub3A_209 : i32
        %select_n3A_211 = arith.select %lt3A_208, %add3A_206, %sub3A_210 : i32
        %lt3A_212 = arith.constant 200 : i32
        %lt3A_213 = arith.cmpi slt, %select_n3A_211, %lt3A_212 : i32
        %sub3A_214 = arith.constant 200 : i32
        %sub3A_215 = arith.subi %select_n3A_211, %sub3A_214 : i32
        %select_n3A_216 = arith.select %lt3A_213, %select_n3A_211, %sub3A_215 : i32
        %add3A_217 = arith.constant 0 : i32
        %add3A_218 = arith.addi %mul3A_203, %add3A_217 : i32
        %get3A_219 = arith.index_cast %add3A_218 : i32 to index
        %get3A_220 = arith.constant 0 : index
        %get3A_221 = tpu.vector_load %arg9[%get3A_219, %get3A_220] {strides = array<i32>} : memref<256x128xf32, #tpu.memory_space<vmem>>, vector<1x16xf32>,
        %get3A_222 = vector.shape_cast %get3A_221 : vector<1x16xf32> to vector<16xf32>
        %get3A_223 = arith.index_cast %select_n3A_216 : i32 to index
        %get3A_224 = arith.constant 0 : index
        %get3A_225 = tpu.vector_load %arg12[%get3A_223, %get3A_224] {strides = array<i32>} : memref<200x64xf32, #tpu.memory_space<vmem>>, vector<1x16xf32>,
        %get3A_226 = vector.shape_cast %get3A_225 : vector<1x16xf32> to vector<16xf32>
        %add3A_227 = arith.addf %get3A_222, %get3A_226 : vector<16xf32>
        %add3A_228 = arith.constant 0 : i32
        %add3A_229 = arith.addi %mul3A_203, %add3A_228 : i32
        %get3A_230 = arith.index_cast %add3A_229 : i32 to index
        %get3A_231 = arith.constant 16 : index
        %get3A_232 = tpu.vector_load %arg9[%get3A_230, %get3A_231] {strides = array<i32>} : memref<256x128xf32, #tpu.memory_space<vmem>>, vector<1x16xf32>,
        %get3A_233 = vector.shape_cast %get3A_232 : vector<1x16xf32> to vector<16xf32>
        %get3A_234 = arith.index_cast %select_n3A_216 : i32 to index
        %get3A_235 = arith.constant 16 : index
        %get3A_236 = tpu.vector_load %arg12[%get3A_234, %get3A_235] {strides = array<i32>} : memref<200x64xf32, #tpu.memory_space<vmem>>, vector<1x16xf32>,
        %get3A_237 = vector.shape_cast %get3A_236 : vector<1x16xf32> to vector<16xf32>
        %add3A_238 = arith.addf %get3A_233, %get3A_237 : vector<16xf32>
        %add3A_239 = arith.constant 0 : i32
        %add3A_240 = arith.addi %mul3A_203, %add3A_239 : i32
        %get3A_241 = arith.index_cast %add3A_240 : i32 to index
        %get3A_242 = arith.constant 32 : index
        %get3A_243 = tpu.vector_load %arg9[%get3A_241, %get3A_242] {strides = array<i32>} : memref<256x128xf32, #tpu.memory_space<vmem>>, vector<1x16xf32>,
        %get3A_244 = vector.shape_cast %get3A_243 : vector<1x16xf32> to vector<16xf32>
        %get3A_245 = arith.index_cast %select_n3A_216 : i32 to index
        %get3A_246 = arith.constant 32 : index
        %get3A_247 = tpu.vector_load %arg12[%get3A_245, %get3A_246] {strides = array<i32>} : memref<200x64xf32, #tpu.memory_space<vmem>>, vector<1x16xf32>,
        %get3A_248 = vector.shape_cast %get3A_247 : vector<1x16xf32> to vector<16xf32>
        %add3A_249 = arith.addf %get3A_244, %get3A_248 : vector<16xf32>
        %add3A_250 = arith.constant 0 : i32
        %add3A_251 = arith.addi %mul3A_203, %add3A_250 : i32
        %get3A_252 = arith.index_cast %add3A_251 : i32 to index
        %get3A_253 = arith.constant 48 : index
        %get3A_254 = tpu.vector_load %arg9[%get3A_252, %get3A_253] {strides = array<i32>} : memref<256x128xf32, #tpu.memory_space<vmem>>, vector<1x16xf32>,
        %get3A_255 = vector.shape_cast %get3A_254 : vector<1x16xf32> to vector<16xf32>
        %get3A_256 = arith.index_cast %select_n3A_216 : i32 to index
        %get3A_257 = arith.constant 48 : index
        %get3A_258 = tpu.vector_load %arg12[%get3A_256, %get3A_257] {strides = array<i32>} : memref<200x64xf32, #tpu.memory_space<vmem>>, vector<1x16xf32>,
        %get3A_259 = vector.shape_cast %get3A_258 : vector<1x16xf32> to vector<16xf32>
        %add3A_260 = arith.addf %get3A_255, %get3A_259 : vector<16xf32>
        %add3A_261 = arith.addf %add3A_227, %add3A_238 : vector<16xf32>
        %add3A_262 = arith.addf %add3A_249, %add3A_260 : vector<16xf32>
        %add3A_263 = arith.addf %add3A_261, %add3A_262 : vector<16xf32>
        %mul3A_264 = arith.mulf %add3A_227, %add3A_227 : vector<16xf32>
        %mul3A_265 = arith.mulf %add3A_238, %add3A_238 : vector<16xf32>
        %add3A_266 = arith.addf %mul3A_264, %mul3A_265 : vector<16xf32>
        %mul3A_267 = arith.mulf %add3A_249, %add3A_249 : vector<16xf32>
        %mul3A_268 = arith.mulf %add3A_260, %add3A_260 : vector<16xf32>
        %add3A_269 = arith.addf %mul3A_267, %mul3A_268 : vector<16xf32>
        %add3A_270 = arith.addf %add3A_266, %add3A_269 : vector<16xf32>
        %add3A_271 = arith.constant 1 : i32
        %add3A_272 = arith.addi %add3A_204, %add3A_271 : i32
        %lt3A_273 = arith.constant 200 : i32
        %lt3A_274 = arith.cmpi slt, %add3A_272, %lt3A_273 : i32
        %sub3A_275 = arith.constant 200 : i32
        %sub3A_276 = arith.subi %add3A_272, %sub3A_275 : i32
        %select_n3A_277 = arith.select %lt3A_274, %add3A_272, %sub3A_276 : i32
        %lt3A_278 = arith.constant 200 : i32
        %lt3A_279 = arith.cmpi slt, %select_n3A_277, %lt3A_278 : i32
        %sub3A_280 = arith.constant 200 : i32
        %sub3A_281 = arith.subi %select_n3A_277, %sub3A_280 : i32
        %select_n3A_282 = arith.select %lt3A_279, %select_n3A_277, %sub3A_281 : i32
        %add3A_283 = arith.constant 1 : i32
        %add3A_284 = arith.addi %mul3A_203, %add3A_283 : i32
        %get3A_285 = arith.index_cast %add3A_284 : i32 to index
        %get3A_286 = arith.constant 0 : index
        %get3A_287 = tpu.vector_load %arg9[%get3A_285, %get3A_286] {strides = array<i32>} : memref<256x128xf32, #tpu.memory_space<vmem>>, vector<1x16xf32>,
        %get3A_288 = vector.shape_cast %get3A_287 : vector<1x16xf32> to vector<16xf32>
        %get3A_289 = arith.index_cast %select_n3A_282 : i32 to index
        %get3A_290 = arith.constant 0 : index
        %get3A_291 = tpu.vector_load %arg12[%get3A_289, %get3A_290] {strides = array<i32>} : memref<200x64xf32, #tpu.memory_space<vmem>>, vector<1x16xf32>,
        %get3A_292 = vector.shape_cast %get3A_291 : vector<1x16xf32> to vector<16xf32>
        %add3A_293 = arith.addf %get3A_288, %get3A_292 : vector<16xf32>
        %add3A_294 = arith.constant 1 : i32
        %add3A_295 = arith.addi %mul3A_203, %add3A_294 : i32
        %get3A_296 = arith.index_cast %add3A_295 : i32 to index
        %get3A_297 = arith.constant 16 : index
        %get3A_298 = tpu.vector_load %arg9[%get3A_296, %get3A_297] {strides = array<i32>} : memref<256x128xf32, #tpu.memory_space<vmem>>, vector<1x16xf32>,
        %get3A_299 = vector.shape_cast %get3A_298 : vector<1x16xf32> to vector<16xf32>
        %get3A_300 = arith.index_cast %select_n3A_282 : i32 to index
        %get3A_301 = arith.constant 16 : index
        %get3A_302 = tpu.vector_load %arg12[%get3A_300, %get3A_301] {strides = array<i32>} : memref<200x64xf32, #tpu.memory_space<vmem>>, vector<1x16xf32>,
        %get3A_303 = vector.shape_cast %get3A_302 : vector<1x16xf32> to vector<16xf32>
        %add3A_304 = arith.addf %get3A_299, %get3A_303 : vector<16xf32>
        %add3A_305 = arith.constant 1 : i32
        %add3A_306 = arith.addi %mul3A_203, %add3A_305 : i32
        %get3A_307 = arith.index_cast %add3A_306 : i32 to index
        %get3A_308 = arith.constant 32 : index
        %get3A_309 = tpu.vector_load %arg9[%get3A_307, %get3A_308] {strides = array<i32>} : memref<256x128xf32, #tpu.memory_space<vmem>>, vector<1x16xf32>,
        %get3A_310 = vector.shape_cast %get3A_309 : vector<1x16xf32> to vector<16xf32>
        %get3A_311 = arith.index_cast %select_n3A_282 : i32 to index
        %get3A_312 = arith.constant 32 : index
        %get3A_313 = tpu.vector_load %arg12[%get3A_311, %get3A_312] {strides = array<i32>} : memref<200x64xf32, #tpu.memory_space<vmem>>, vector<1x16xf32>,
        %get3A_314 = vector.shape_cast %get3A_313 : vector<1x16xf32> to vector<16xf32>
        %add3A_315 = arith.addf %get3A_310, %get3A_314 : vector<16xf32>
        %add3A_316 = arith.constant 1 : i32
        %add3A_317 = arith.addi %mul3A_203, %add3A_316 : i32
        %get3A_318 = arith.index_cast %add3A_317 : i32 to index
        %get3A_319 = arith.constant 48 : index
        %get3A_320 = tpu.vector_load %arg9[%get3A_318, %get3A_319] {strides = array<i32>} : memref<256x128xf32, #tpu.memory_space<vmem>>, vector<1x16xf32>,
        %get3A_321 = vector.shape_cast %get3A_320 : vector<1x16xf32> to vector<16xf32>
        %get3A_322 = arith.index_cast %select_n3A_282 : i32 to index
        %get3A_323 = arith.constant 48 : index
        %get3A_324 = tpu.vector_load %arg12[%get3A_322, %get3A_323] {strides = array<i32>} : memref<200x64xf32, #tpu.memory_space<vmem>>, vector<1x16xf32>,
        %get3A_325 = vector.shape_cast %get3A_324 : vector<1x16xf32> to vector<16xf32>
        %add3A_326 = arith.addf %get3A_321, %get3A_325 : vector<16xf32>
        %add3A_327 = arith.addf %add3A_293, %add3A_304 : vector<16xf32>
        %add3A_328 = arith.addf %add3A_315, %add3A_326 : vector<16xf32>
        %add3A_329 = arith.addf %add3A_327, %add3A_328 : vector<16xf32>
        %mul3A_330 = arith.mulf %add3A_293, %add3A_293 : vector<16xf32>
        %mul3A_331 = arith.mulf %add3A_304, %add3A_304 : vector<16xf32>
        %add3A_332 = arith.addf %mul3A_330, %mul3A_331 : vector<16xf32>
        %mul3A_333 = arith.mulf %add3A_315, %add3A_315 : vector<16xf32>
        %mul3A_334 = arith.mulf %add3A_326, %add3A_326 : vector<16xf32>
        %add3A_335 = arith.addf %mul3A_333, %mul3A_334 : vector<16xf32>
        %add3A_336 = arith.addf %add3A_332, %add3A_335 : vector<16xf32>
        %add3A_337 = arith.constant 2 : i32
        %add3A_338 = arith.addi %add3A_204, %add3A_337 : i32
        %lt3A_339 = arith.constant 200 : i32
        %lt3A_340 = arith.cmpi slt, %add3A_338, %lt3A_339 : i32
        %sub3A_341 = arith.constant 200 : i32
        %sub3A_342 = arith.subi %add3A_338, %sub3A_341 : i32
        %select_n3A_343 = arith.select %lt3A_340, %add3A_338, %sub3A_342 : i32
        %lt3A_344 = arith.constant 200 : i32
        %lt3A_345 = arith.cmpi slt, %select_n3A_343, %lt3A_344 : i32
        %sub3A_346 = arith.constant 200 : i32
        %sub3A_347 = arith.subi %select_n3A_343, %sub3A_346 : i32
        %select_n3A_348 = arith.select %lt3A_345, %select_n3A_343, %sub3A_347 : i32
        %add3A_349 = arith.constant 2 : i32
        %add3A_350 = arith.addi %mul3A_203, %add3A_349 : i32
        %get3A_351 = arith.index_cast %add3A_350 : i32 to index
        %get3A_352 = arith.constant 0 : index
        %get3A_353 = tpu.vector_load %arg9[%get3A_351, %get3A_352] {strides = array<i32>} : memref<256x128xf32, #tpu.memory_space<vmem>>, vector<1x16xf32>,
        %get3A_354 = vector.shape_cast %get3A_353 : vector<1x16xf32> to vector<16xf32>
        %get3A_355 = arith.index_cast %select_n3A_348 : i32 to index
        %get3A_356 = arith.constant 0 : index
        %get3A_357 = tpu.vector_load %arg12[%get3A_355, %get3A_356] {strides = array<i32>} : memref<200x64xf32, #tpu.memory_space<vmem>>, vector<1x16xf32>,
        %get3A_358 = vector.shape_cast %get3A_357 : vector<1x16xf32> to vector<16xf32>
        %add3A_359 = arith.addf %get3A_354, %get3A_358 : vector<16xf32>
        %add3A_360 = arith.constant 2 : i32
        %add3A_361 = arith.addi %mul3A_203, %add3A_360 : i32
        %get3A_362 = arith.index_cast %add3A_361 : i32 to index
        %get3A_363 = arith.constant 16 : index
        %get3A_364 = tpu.vector_load %arg9[%get3A_362, %get3A_363] {strides = array<i32>} : memref<256x128xf32, #tpu.memory_space<vmem>>, vector<1x16xf32>,
        %get3A_365 = vector.shape_cast %get3A_364 : vector<1x16xf32> to vector<16xf32>
        %get3A_366 = arith.index_cast %select_n3A_348 : i32 to index
        %get3A_367 = arith.constant 16 : index
        %get3A_368 = tpu.vector_load %arg12[%get3A_366, %get3A_367] {strides = array<i32>} : memref<200x64xf32, #tpu.memory_space<vmem>>, vector<1x16xf32>,
        %get3A_369 = vector.shape_cast %get3A_368 : vector<1x16xf32> to vector<16xf32>
        %add3A_370 = arith.addf %get3A_365, %get3A_369 : vector<16xf32>
        %add3A_371 = arith.constant 2 : i32
        %add3A_372 = arith.addi %mul3A_203, %add3A_371 : i32
        %get3A_373 = arith.index_cast %add3A_372 : i32 to index
        %get3A_374 = arith.constant 32 : index
        %get3A_375 = tpu.vector_load %arg9[%get3A_373, %get3A_374] {strides = array<i32>} : memref<256x128xf32, #tpu.memory_space<vmem>>, vector<1x16xf32>,
        %get3A_376 = vector.shape_cast %get3A_375 : vector<1x16xf32> to vector<16xf32>
        %get3A_377 = arith.index_cast %select_n3A_348 : i32 to index
        %get3A_378 = arith.constant 32 : index
        %get3A_379 = tpu.vector_load %arg12[%get3A_377, %get3A_378] {strides = array<i32>} : memref<200x64xf32, #tpu.memory_space<vmem>>, vector<1x16xf32>,
        %get3A_380 = vector.shape_cast %get3A_379 : vector<1x16xf32> to vector<16xf32>
        %add3A_381 = arith.addf %get3A_376, %get3A_380 : vector<16xf32>
        %add3A_382 = arith.constant 2 : i32
        %add3A_383 = arith.addi %mul3A_203, %add3A_382 : i32
        %get3A_384 = arith.index_cast %add3A_383 : i32 to index
        %get3A_385 = arith.constant 48 : index
        %get3A_386 = tpu.vector_load %arg9[%get3A_384, %get3A_385] {strides = array<i32>} : memref<256x128xf32, #tpu.memory_space<vmem>>, vector<1x16xf32>,
        %get3A_387 = vector.shape_cast %get3A_386 : vector<1x16xf32> to vector<16xf32>
        %get3A_388 = arith.index_cast %select_n3A_348 : i32 to index
        %get3A_389 = arith.constant 48 : index
        %get3A_390 = tpu.vector_load %arg12[%get3A_388, %get3A_389] {strides = array<i32>} : memref<200x64xf32, #tpu.memory_space<vmem>>, vector<1x16xf32>,
        %get3A_391 = vector.shape_cast %get3A_390 : vector<1x16xf32> to vector<16xf32>
        %add3A_392 = arith.addf %get3A_387, %get3A_391 : vector<16xf32>
        %add3A_393 = arith.addf %add3A_359, %add3A_370 : vector<16xf32>
        %add3A_394 = arith.addf %add3A_381, %add3A_392 : vector<16xf32>
        %add3A_395 = arith.addf %add3A_393, %add3A_394 : vector<16xf32>
        %mul3A_396 = arith.mulf %add3A_359, %add3A_359 : vector<16xf32>
        %mul3A_397 = arith.mulf %add3A_370, %add3A_370 : vector<16xf32>
        %add3A_398 = arith.addf %mul3A_396, %mul3A_397 : vector<16xf32>
        %mul3A_399 = arith.mulf %add3A_381, %add3A_381 : vector<16xf32>
        %mul3A_400 = arith.mulf %add3A_392, %add3A_392 : vector<16xf32>
        %add3A_401 = arith.addf %mul3A_399, %mul3A_400 : vector<16xf32>
        %add3A_402 = arith.addf %add3A_398, %add3A_401 : vector<16xf32>
        %add3A_403 = arith.constant 3 : i32
        %add3A_404 = arith.addi %add3A_204, %add3A_403 : i32
        %lt3A_405 = arith.constant 200 : i32
        %lt3A_406 = arith.cmpi slt, %add3A_404, %lt3A_405 : i32
        %sub3A_407 = arith.constant 200 : i32
        %sub3A_408 = arith.subi %add3A_404, %sub3A_407 : i32
        %select_n3A_409 = arith.select %lt3A_406, %add3A_404, %sub3A_408 : i32
        %lt3A_410 = arith.constant 200 : i32
        %lt3A_411 = arith.cmpi slt, %select_n3A_409, %lt3A_410 : i32
        %sub3A_412 = arith.constant 200 : i32
        %sub3A_413 = arith.subi %select_n3A_409, %sub3A_412 : i32
        %select_n3A_414 = arith.select %lt3A_411, %select_n3A_409, %sub3A_413 : i32
        %add3A_415 = arith.constant 3 : i32
        %add3A_416 = arith.addi %mul3A_203, %add3A_415 : i32
        %get3A_417 = arith.index_cast %add3A_416 : i32 to index
        %get3A_418 = arith.constant 0 : index
        %get3A_419 = tpu.vector_load %arg9[%get3A_417, %get3A_418] {strides = array<i32>} : memref<256x128xf32, #tpu.memory_space<vmem>>, vector<1x16xf32>,
        %get3A_420 = vector.shape_cast %get3A_419 : vector<1x16xf32> to vector<16xf32>
        %get3A_421 = arith.index_cast %select_n3A_414 : i32 to index
        %get3A_422 = arith.constant 0 : index
        %get3A_423 = tpu.vector_load %arg12[%get3A_421, %get3A_422] {strides = array<i32>} : memref<200x64xf32, #tpu.memory_space<vmem>>, vector<1x16xf32>,
        %get3A_424 = vector.shape_cast %get3A_423 : vector<1x16xf32> to vector<16xf32>
        %add3A_425 = arith.addf %get3A_420, %get3A_424 : vector<16xf32>
        %add3A_426 = arith.constant 3 : i32
        %add3A_427 = arith.addi %mul3A_203, %add3A_426 : i32
        %get3A_428 = arith.index_cast %add3A_427 : i32 to index
        %get3A_429 = arith.constant 16 : index
        %get3A_430 = tpu.vector_load %arg9[%get3A_428, %get3A_429] {strides = array<i32>} : memref<256x128xf32, #tpu.memory_space<vmem>>, vector<1x16xf32>,
        %get3A_431 = vector.shape_cast %get3A_430 : vector<1x16xf32> to vector<16xf32>
        %get3A_432 = arith.index_cast %select_n3A_414 : i32 to index
        %get3A_433 = arith.constant 16 : index
        %get3A_434 = tpu.vector_load %arg12[%get3A_432, %get3A_433] {strides = array<i32>} : memref<200x64xf32, #tpu.memory_space<vmem>>, vector<1x16xf32>,
        %get3A_435 = vector.shape_cast %get3A_434 : vector<1x16xf32> to vector<16xf32>
        %add3A_436 = arith.addf %get3A_431, %get3A_435 : vector<16xf32>
        %add3A_437 = arith.constant 3 : i32
        %add3A_438 = arith.addi %mul3A_203, %add3A_437 : i32
        %get3A_439 = arith.index_cast %add3A_438 : i32 to index
        %get3A_440 = arith.constant 32 : index
        %get3A_441 = tpu.vector_load %arg9[%get3A_439, %get3A_440] {strides = array<i32>} : memref<256x128xf32, #tpu.memory_space<vmem>>, vector<1x16xf32>,
        %get3A_442 = vector.shape_cast %get3A_441 : vector<1x16xf32> to vector<16xf32>
        %get3A_443 = arith.index_cast %select_n3A_414 : i32 to index
        %get3A_444 = arith.constant 32 : index
        %get3A_445 = tpu.vector_load %arg12[%get3A_443, %get3A_444] {strides = array<i32>} : memref<200x64xf32, #tpu.memory_space<vmem>>, vector<1x16xf32>,
        %get3A_446 = vector.shape_cast %get3A_445 : vector<1x16xf32> to vector<16xf32>
        %add3A_447 = arith.addf %get3A_442, %get3A_446 : vector<16xf32>
        %add3A_448 = arith.constant 3 : i32
        %add3A_449 = arith.addi %mul3A_203, %add3A_448 : i32
        %get3A_450 = arith.index_cast %add3A_449 : i32 to index
        %get3A_451 = arith.constant 48 : index
        %get3A_452 = tpu.vector_load %arg9[%get3A_450, %get3A_451] {strides = array<i32>} : memref<256x128xf32, #tpu.memory_space<vmem>>, vector<1x16xf32>,
        %get3A_453 = vector.shape_cast %get3A_452 : vector<1x16xf32> to vector<16xf32>
        %get3A_454 = arith.index_cast %select_n3A_414 : i32 to index
        %get3A_455 = arith.constant 48 : index
        %get3A_456 = tpu.vector_load %arg12[%get3A_454, %get3A_455] {strides = array<i32>} : memref<200x64xf32, #tpu.memory_space<vmem>>, vector<1x16xf32>,
        %get3A_457 = vector.shape_cast %get3A_456 : vector<1x16xf32> to vector<16xf32>
        %add3A_458 = arith.addf %get3A_453, %get3A_457 : vector<16xf32>
        %add3A_459 = arith.addf %add3A_425, %add3A_436 : vector<16xf32>
        %add3A_460 = arith.addf %add3A_447, %add3A_458 : vector<16xf32>
        %add3A_461 = arith.addf %add3A_459, %add3A_460 : vector<16xf32>
        %mul3A_462 = arith.mulf %add3A_425, %add3A_425 : vector<16xf32>
        %mul3A_463 = arith.mulf %add3A_436, %add3A_436 : vector<16xf32>
        %add3A_464 = arith.addf %mul3A_462, %mul3A_463 : vector<16xf32>
        %mul3A_465 = arith.mulf %add3A_447, %add3A_447 : vector<16xf32>
        %mul3A_466 = arith.mulf %add3A_458, %add3A_458 : vector<16xf32>
        %add3A_467 = arith.addf %mul3A_465, %mul3A_466 : vector<16xf32>
        %add3A_468 = arith.addf %add3A_464, %add3A_467 : vector<16xf32>
        %gather3A = vector.shape_cast %reshape3A : vector<16x1xi32> to vector<16xi32>
        %gather3A_469 = tpu.dynamic_gather %add3A_263[%gather3A] in [0] : vector<16xf32>, vector<16xi32> -> vector<16xf32>
        %add3A_470 = arith.addf %add3A_263, %gather3A_469 : vector<16xf32>
        %gather3A_471 = vector.shape_cast %reshape3A : vector<16x1xi32> to vector<16xi32>
        %gather3A_472 = tpu.dynamic_gather %add3A_329[%gather3A_471] in [0] : vector<16xf32>, vector<16xi32> -> vector<16xf32>
        %add3A_473 = arith.addf %add3A_329, %gather3A_472 : vector<16xf32>
        %gather3A_474 = vector.shape_cast %reshape3A : vector<16x1xi32> to vector<16xi32>
        %gather3A_475 = tpu.dynamic_gather %add3A_395[%gather3A_474] in [0] : vector<16xf32>, vector<16xi32> -> vector<16xf32>
        %add3A_476 = arith.addf %add3A_395, %gather3A_475 : vector<16xf32>
        %gather3A_477 = vector.shape_cast %reshape3A : vector<16x1xi32> to vector<16xi32>
        %gather3A_478 = tpu.dynamic_gather %add3A_461[%gather3A_477] in [0] : vector<16xf32>, vector<16xi32> -> vector<16xf32>
        %add3A_479 = arith.addf %add3A_461, %gather3A_478 : vector<16xf32>
        %select_n3A_480 = arith.select %lt3A_41, %add3A_470, %add3A_473 : vector<16xi1>, vector<16xf32>
        %select_n3A_481 = arith.select %lt3A_41, %add3A_476, %add3A_479 : vector<16xi1>, vector<16xf32>
        %gather3A_482 = vector.shape_cast %reshape3A_31 : vector<16x1xi32> to vector<16xi32>
        %gather3A_483 = tpu.dynamic_gather %select_n3A_480[%gather3A_482] in [0] : vector<16xf32>, vector<16xi32> -> vector<16xf32>
        %add3A_484 = arith.addf %select_n3A_480, %gather3A_483 : vector<16xf32>
        %gather3A_485 = vector.shape_cast %reshape3A_31 : vector<16x1xi32> to vector<16xi32>
        %gather3A_486 = tpu.dynamic_gather %select_n3A_481[%gather3A_485] in [0] : vector<16xf32>, vector<16xi32> -> vector<16xf32>
        %add3A_487 = arith.addf %select_n3A_481, %gather3A_486 : vector<16xf32>
        %select_n3A_488 = arith.select %eq3A_45, %add3A_484, %add3A_487 : vector<16xi1>, vector<16xf32>
        %gather3A_489 = vector.shape_cast %reshape3A_35 : vector<16x1xi32> to vector<16xi32>
        %gather3A_490 = tpu.dynamic_gather %select_n3A_488[%gather3A_489] in [0] : vector<16xf32>, vector<16xi32> -> vector<16xf32>
        %add3A_491 = arith.addf %select_n3A_488, %gather3A_490 : vector<16xf32>
        %gather3A_492 = vector.shape_cast %reshape3A_39 : vector<16x1xi32> to vector<16xi32>
        %gather3A_493 = tpu.dynamic_gather %add3A_491[%gather3A_492] in [0] : vector<16xf32>, vector<16xi32> -> vector<16xf32>
        %add3A_494 = arith.addf %add3A_491, %gather3A_493 : vector<16xf32>
        %gather3A_495 = vector.shape_cast %reshape3A : vector<16x1xi32> to vector<16xi32>
        %gather3A_496 = tpu.dynamic_gather %add3A_270[%gather3A_495] in [0] : vector<16xf32>, vector<16xi32> -> vector<16xf32>
        %add3A_497 = arith.addf %add3A_270, %gather3A_496 : vector<16xf32>
        %gather3A_498 = vector.shape_cast %reshape3A : vector<16x1xi32> to vector<16xi32>
        %gather3A_499 = tpu.dynamic_gather %add3A_336[%gather3A_498] in [0] : vector<16xf32>, vector<16xi32> -> vector<16xf32>
        %add3A_500 = arith.addf %add3A_336, %gather3A_499 : vector<16xf32>
        %gather3A_501 = vector.shape_cast %reshape3A : vector<16x1xi32> to vector<16xi32>
        %gather3A_502 = tpu.dynamic_gather %add3A_402[%gather3A_501] in [0] : vector<16xf32>, vector<16xi32> -> vector<16xf32>
        %add3A_503 = arith.addf %add3A_402, %gather3A_502 : vector<16xf32>
        %gather3A_504 = vector.shape_cast %reshape3A : vector<16x1xi32> to vector<16xi32>
        %gather3A_505 = tpu.dynamic_gather %add3A_468[%gather3A_504] in [0] : vector<16xf32>, vector<16xi32> -> vector<16xf32>
        %add3A_506 = arith.addf %add3A_468, %gather3A_505 : vector<16xf32>
        %select_n3A_507 = arith.select %lt3A_41, %add3A_497, %add3A_500 : vector<16xi1>, vector<16xf32>
        %select_n3A_508 = arith.select %lt3A_41, %add3A_503, %add3A_506 : vector<16xi1>, vector<16xf32>
        %gather3A_509 = vector.shape_cast %reshape3A_31 : vector<16x1xi32> to vector<16xi32>
        %gather3A_510 = tpu.dynamic_gather %select_n3A_507[%gather3A_509] in [0] : vector<16xf32>, vector<16xi32> -> vector<16xf32>
        %add3A_511 = arith.addf %select_n3A_507, %gather3A_510 : vector<16xf32>
        %gather3A_512 = vector.shape_cast %reshape3A_31 : vector<16x1xi32> to vector<16xi32>
        %gather3A_513 = tpu.dynamic_gather %select_n3A_508[%gather3A_512] in [0] : vector<16xf32>, vector<16xi32> -> vector<16xf32>
        %add3A_514 = arith.addf %select_n3A_508, %gather3A_513 : vector<16xf32>
        %select_n3A_515 = arith.select %eq3A_45, %add3A_511, %add3A_514 : vector<16xi1>, vector<16xf32>
        %gather3A_516 = vector.shape_cast %reshape3A_35 : vector<16x1xi32> to vector<16xi32>
        %gather3A_517 = tpu.dynamic_gather %select_n3A_515[%gather3A_516] in [0] : vector<16xf32>, vector<16xi32> -> vector<16xf32>
        %add3A_518 = arith.addf %select_n3A_515, %gather3A_517 : vector<16xf32>
        %gather3A_519 = vector.shape_cast %reshape3A_39 : vector<16x1xi32> to vector<16xi32>
        %gather3A_520 = tpu.dynamic_gather %add3A_518[%gather3A_519] in [0] : vector<16xf32>, vector<16xi32> -> vector<16xf32>
        %add3A_521 = arith.addf %add3A_518, %gather3A_520 : vector<16xf32>
        %mul3A_522 = vector.broadcast %scan3A : f32 to vector<16xf32>
        %mul3A_523 = arith.mulf %add3A_494, %mul3A_522 : vector<16xf32>
        %mul3A_524 = vector.broadcast %scan3A : f32 to vector<16xf32>
        %mul3A_525 = arith.mulf %add3A_521, %mul3A_524 : vector<16xf32>
        %mul3A_526 = arith.mulf %mul3A_523, %mul3A_523 : vector<16xf32>
        %sub3A_527 = arith.subf %mul3A_525, %mul3A_526 : vector<16xf32>
        %add3A_528 = arith.constant 9.99999974E-6 : f32
        %add3A_529 = vector.broadcast %add3A_528 : f32 to vector<16xf32>
        %add3A_530 = arith.addf %sub3A_527, %add3A_529 : vector<16xf32>
        %bitcast_convert_type3A = tpu.bitcast %add3A_530 : vector<16xf32> -> vector<16xi32>
        %broadcast_in_dim3A = arith.constant 1597463007 : i32
        %broadcast_in_dim3A_531 = vector.broadcast %broadcast_in_dim3A : i32 to vector<16xi32>
        %shift_right_logical3A = arith.constant 1 : i32
        %shift_right_logical3A_532 = vector.broadcast %shift_right_logical3A : i32 to vector<16xi32>
        %shift_right_logical3A_533 = arith.shrui %bitcast_convert_type3A, %shift_right_logical3A_532 : vector<16xi32>
        %sub3A_534 = arith.subi %broadcast_in_dim3A_531, %shift_right_logical3A_533 : vector<16xi32>
        %bitcast_convert_type3A_535 = tpu.bitcast %sub3A_534 : vector<16xi32> -> vector<16xf32>
        %mul3A_536 = arith.constant 5.000000e-01 : f32
        %mul3A_537 = vector.broadcast %mul3A_536 : f32 to vector<16xf32>
        %mul3A_538 = arith.mulf %add3A_530, %mul3A_537 : vector<16xf32>
        %mul3A_539 = arith.mulf %mul3A_538, %bitcast_convert_type3A_535 : vector<16xf32>
        %mul3A_540 = arith.mulf %mul3A_539, %bitcast_convert_type3A_535 : vector<16xf32>
        %sub3A_541 = arith.constant 1.500000e+00 : f32
        %sub3A_542 = vector.broadcast %sub3A_541 : f32 to vector<16xf32>
        %sub3A_543 = arith.subf %sub3A_542, %mul3A_540 : vector<16xf32>
        %mul3A_544 = arith.mulf %bitcast_convert_type3A_535, %sub3A_543 : vector<16xf32>
        %mul3A_545 = arith.mulf %mul3A_538, %mul3A_544 : vector<16xf32>
        %mul3A_546 = arith.mulf %mul3A_545, %mul3A_544 : vector<16xf32>
        %sub3A_547 = arith.constant 1.500000e+00 : f32
        %sub3A_548 = vector.broadcast %sub3A_547 : f32 to vector<16xf32>
        %sub3A_549 = arith.subf %sub3A_548, %mul3A_546 : vector<16xf32>
        %mul3A_550 = arith.mulf %mul3A_544, %sub3A_549 : vector<16xf32>
        %gather3A_551 = vector.shape_cast %reshape3A_52 : vector<16x1xi32> to vector<16xi32>
        %gather3A_552 = tpu.dynamic_gather %mul3A_523[%gather3A_551] in [0] : vector<16xf32>, vector<16xi32> -> vector<16xf32>
        %gather3A_553 = vector.shape_cast %reshape3A_52 : vector<16x1xi32> to vector<16xi32>
        %gather3A_554 = tpu.dynamic_gather %mul3A_550[%gather3A_553] in [0] : vector<16xf32>, vector<16xi32> -> vector<16xf32>
        %sub3A_555 = arith.subf %add3A_227, %gather3A_552 : vector<16xf32>
        %mul3A_556 = arith.mulf %sub3A_555, %gather3A_554 : vector<16xf32>
        %mul3A_557 = arith.mulf %mul3A_556, %get3A_4 : vector<16xf32>
        %add3A_558 = arith.addf %mul3A_557, %get3A_16 : vector<16xf32>
        %mul3A_559 = arith.constant 2 : i32
        %mul3A_560 = arith.muli %scan3A_200, %mul3A_559 : i32
        %add3A_561 = arith.constant 0 : i32
        %add3A_562 = arith.addi %mul3A_560, %add3A_561 : i32
        %swap3A = arith.index_cast %add3A_562 : i32 to index
        %swap3A_563 = arith.constant 0 : index
        %swap3A_564 = tpu.vector_load %arg11[%swap3A, %swap3A_563] {strides = array<i32>} : memref<128x128xf32, #tpu.memory_space<vmem>>, vector<1x16xf32>,
        %swap3A_565 = vector.shape_cast %swap3A_564 : vector<1x16xf32> to vector<16xf32>
        %swap3A_566 = vector.shape_cast %add3A_558 : vector<16xf32> to vector<1x16xf32>
        tpu.vector_store %arg11[%swap3A, %swap3A_563], %swap3A_566 {strides = array<i32>} : memref<128x128xf32, #tpu.memory_space<vmem>>, vector<1x16xf32>,
        %sub3A_567 = arith.subf %add3A_238, %gather3A_552 : vector<16xf32>
        %mul3A_568 = arith.mulf %sub3A_567, %gather3A_554 : vector<16xf32>
        %mul3A_569 = arith.mulf %mul3A_568, %get3A_7 : vector<16xf32>
        %add3A_570 = arith.addf %mul3A_569, %get3A_19 : vector<16xf32>
        %mul3A_571 = arith.constant 2 : i32
        %mul3A_572 = arith.muli %scan3A_200, %mul3A_571 : i32
        %add3A_573 = arith.constant 0 : i32
        %add3A_574 = arith.addi %mul3A_572, %add3A_573 : i32
        %swap3A_575 = arith.index_cast %add3A_574 : i32 to index
        %swap3A_576 = arith.constant 16 : index
        %swap3A_577 = tpu.vector_load %arg11[%swap3A_575, %swap3A_576] {strides = array<i32>} : memref<128x128xf32, #tpu.memory_space<vmem>>, vector<1x16xf32>,
        %swap3A_578 = vector.shape_cast %swap3A_577 : vector<1x16xf32> to vector<16xf32>
        %swap3A_579 = vector.shape_cast %add3A_570 : vector<16xf32> to vector<1x16xf32>
        tpu.vector_store %arg11[%swap3A_575, %swap3A_576], %swap3A_579 {strides = array<i32>} : memref<128x128xf32, #tpu.memory_space<vmem>>, vector<1x16xf32>,
        %sub3A_580 = arith.subf %add3A_249, %gather3A_552 : vector<16xf32>
        %mul3A_581 = arith.mulf %sub3A_580, %gather3A_554 : vector<16xf32>
        %mul3A_582 = arith.mulf %mul3A_581, %get3A_10 : vector<16xf32>
        %add3A_583 = arith.addf %mul3A_582, %get3A_22 : vector<16xf32>
        %mul3A_584 = arith.constant 2 : i32
        %mul3A_585 = arith.muli %scan3A_200, %mul3A_584 : i32
        %add3A_586 = arith.constant 0 : i32
        %add3A_587 = arith.addi %mul3A_585, %add3A_586 : i32
        %swap3A_588 = arith.index_cast %add3A_587 : i32 to index
        %swap3A_589 = arith.constant 32 : index
        %swap3A_590 = tpu.vector_load %arg11[%swap3A_588, %swap3A_589] {strides = array<i32>} : memref<128x128xf32, #tpu.memory_space<vmem>>, vector<1x16xf32>,
        %swap3A_591 = vector.shape_cast %swap3A_590 : vector<1x16xf32> to vector<16xf32>
        %swap3A_592 = vector.shape_cast %add3A_583 : vector<16xf32> to vector<1x16xf32>
        tpu.vector_store %arg11[%swap3A_588, %swap3A_589], %swap3A_592 {strides = array<i32>} : memref<128x128xf32, #tpu.memory_space<vmem>>, vector<1x16xf32>,
        %sub3A_593 = arith.subf %add3A_260, %gather3A_552 : vector<16xf32>
        %mul3A_594 = arith.mulf %sub3A_593, %gather3A_554 : vector<16xf32>
        %mul3A_595 = arith.mulf %mul3A_594, %get3A_13 : vector<16xf32>
        %add3A_596 = arith.addf %mul3A_595, %get3A_25 : vector<16xf32>
        %mul3A_597 = arith.constant 2 : i32
        %mul3A_598 = arith.muli %scan3A_200, %mul3A_597 : i32
        %add3A_599 = arith.constant 0 : i32
        %add3A_600 = arith.addi %mul3A_598, %add3A_599 : i32
        %swap3A_601 = arith.index_cast %add3A_600 : i32 to index
        %swap3A_602 = arith.constant 48 : index
        %swap3A_603 = tpu.vector_load %arg11[%swap3A_601, %swap3A_602] {strides = array<i32>} : memref<128x128xf32, #tpu.memory_space<vmem>>, vector<1x16xf32>,
        %swap3A_604 = vector.shape_cast %swap3A_603 : vector<1x16xf32> to vector<16xf32>
        %swap3A_605 = vector.shape_cast %add3A_596 : vector<16xf32> to vector<1x16xf32>
        tpu.vector_store %arg11[%swap3A_601, %swap3A_602], %swap3A_605 {strides = array<i32>} : memref<128x128xf32, #tpu.memory_space<vmem>>, vector<1x16xf32>,
        %gather3A_606 = vector.shape_cast %reshape3A_56 : vector<16x1xi32> to vector<16xi32>
        %gather3A_607 = tpu.dynamic_gather %mul3A_523[%gather3A_606] in [0] : vector<16xf32>, vector<16xi32> -> vector<16xf32>
        %gather3A_608 = vector.shape_cast %reshape3A_56 : vector<16x1xi32> to vector<16xi32>
        %gather3A_609 = tpu.dynamic_gather %mul3A_550[%gather3A_608] in [0] : vector<16xf32>, vector<16xi32> -> vector<16xf32>
        %sub3A_610 = arith.subf %add3A_293, %gather3A_607 : vector<16xf32>
        %mul3A_611 = arith.mulf %sub3A_610, %gather3A_609 : vector<16xf32>
        %mul3A_612 = arith.mulf %mul3A_611, %get3A_4 : vector<16xf32>
        %add3A_613 = arith.addf %mul3A_612, %get3A_16 : vector<16xf32>
        %mul3A_614 = arith.constant 2 : i32
        %mul3A_615 = arith.muli %scan3A_200, %mul3A_614 : i32
        %add3A_616 = arith.constant 0 : i32
        %add3A_617 = arith.addi %mul3A_615, %add3A_616 : i32
        %swap3A_618 = arith.index_cast %add3A_617 : i32 to index
        %swap3A_619 = arith.constant 64 : index
        %swap3A_620 = tpu.vector_load %arg11[%swap3A_618, %swap3A_619] {strides = array<i32>} : memref<128x128xf32, #tpu.memory_space<vmem>>, vector<1x16xf32>,
        %swap3A_621 = vector.shape_cast %swap3A_620 : vector<1x16xf32> to vector<16xf32>
        %swap3A_622 = vector.shape_cast %add3A_613 : vector<16xf32> to vector<1x16xf32>
        tpu.vector_store %arg11[%swap3A_618, %swap3A_619], %swap3A_622 {strides = array<i32>} : memref<128x128xf32, #tpu.memory_space<vmem>>, vector<1x16xf32>,
        %sub3A_623 = arith.subf %add3A_304, %gather3A_607 : vector<16xf32>
        %mul3A_624 = arith.mulf %sub3A_623, %gather3A_609 : vector<16xf32>
        %mul3A_625 = arith.mulf %mul3A_624, %get3A_7 : vector<16xf32>
        %add3A_626 = arith.addf %mul3A_625, %get3A_19 : vector<16xf32>
        %mul3A_627 = arith.constant 2 : i32
        %mul3A_628 = arith.muli %scan3A_200, %mul3A_627 : i32
        %add3A_629 = arith.constant 0 : i32
        %add3A_630 = arith.addi %mul3A_628, %add3A_629 : i32
        %swap3A_631 = arith.index_cast %add3A_630 : i32 to index
        %swap3A_632 = arith.constant 80 : index
        %swap3A_633 = tpu.vector_load %arg11[%swap3A_631, %swap3A_632] {strides = array<i32>} : memref<128x128xf32, #tpu.memory_space<vmem>>, vector<1x16xf32>,
        %swap3A_634 = vector.shape_cast %swap3A_633 : vector<1x16xf32> to vector<16xf32>
        %swap3A_635 = vector.shape_cast %add3A_626 : vector<16xf32> to vector<1x16xf32>
        tpu.vector_store %arg11[%swap3A_631, %swap3A_632], %swap3A_635 {strides = array<i32>} : memref<128x128xf32, #tpu.memory_space<vmem>>, vector<1x16xf32>,
        %sub3A_636 = arith.subf %add3A_315, %gather3A_607 : vector<16xf32>
        %mul3A_637 = arith.mulf %sub3A_636, %gather3A_609 : vector<16xf32>
        %mul3A_638 = arith.mulf %mul3A_637, %get3A_10 : vector<16xf32>
        %add3A_639 = arith.addf %mul3A_638, %get3A_22 : vector<16xf32>
        %mul3A_640 = arith.constant 2 : i32
        %mul3A_641 = arith.muli %scan3A_200, %mul3A_640 : i32
        %add3A_642 = arith.constant 0 : i32
        %add3A_643 = arith.addi %mul3A_641, %add3A_642 : i32
        %swap3A_644 = arith.index_cast %add3A_643 : i32 to index
        %swap3A_645 = arith.constant 96 : index
        %swap3A_646 = tpu.vector_load %arg11[%swap3A_644, %swap3A_645] {strides = array<i32>} : memref<128x128xf32, #tpu.memory_space<vmem>>, vector<1x16xf32>,
        %swap3A_647 = vector.shape_cast %swap3A_646 : vector<1x16xf32> to vector<16xf32>
        %swap3A_648 = vector.shape_cast %add3A_639 : vector<16xf32> to vector<1x16xf32>
        tpu.vector_store %arg11[%swap3A_644, %swap3A_645], %swap3A_648 {strides = array<i32>} : memref<128x128xf32, #tpu.memory_space<vmem>>, vector<1x16xf32>,
        %sub3A_649 = arith.subf %add3A_326, %gather3A_607 : vector<16xf32>
        %mul3A_650 = arith.mulf %sub3A_649, %gather3A_609 : vector<16xf32>
        %mul3A_651 = arith.mulf %mul3A_650, %get3A_13 : vector<16xf32>
        %add3A_652 = arith.addf %mul3A_651, %get3A_25 : vector<16xf32>
        %mul3A_653 = arith.constant 2 : i32
        %mul3A_654 = arith.muli %scan3A_200, %mul3A_653 : i32
        %add3A_655 = arith.constant 0 : i32
        %add3A_656 = arith.addi %mul3A_654, %add3A_655 : i32
        %swap3A_657 = arith.index_cast %add3A_656 : i32 to index
        %swap3A_658 = arith.constant 112 : index
        %swap3A_659 = tpu.vector_load %arg11[%swap3A_657, %swap3A_658] {strides = array<i32>} : memref<128x128xf32, #tpu.memory_space<vmem>>, vector<1x16xf32>,
        %swap3A_660 = vector.shape_cast %swap3A_659 : vector<1x16xf32> to vector<16xf32>
        %swap3A_661 = vector.shape_cast %add3A_652 : vector<16xf32> to vector<1x16xf32>
        tpu.vector_store %arg11[%swap3A_657, %swap3A_658], %swap3A_661 {strides = array<i32>} : memref<128x128xf32, #tpu.memory_space<vmem>>, vector<1x16xf32>,
        %gather3A_662 = vector.shape_cast %reshape3A_60 : vector<16x1xi32> to vector<16xi32>
        %gather3A_663 = tpu.dynamic_gather %mul3A_523[%gather3A_662] in [0] : vector<16xf32>, vector<16xi32> -> vector<16xf32>
        %gather3A_664 = vector.shape_cast %reshape3A_60 : vector<16x1xi32> to vector<16xi32>
        %gather3A_665 = tpu.dynamic_gather %mul3A_550[%gather3A_664] in [0] : vector<16xf32>, vector<16xi32> -> vector<16xf32>
        %sub3A_666 = arith.subf %add3A_359, %gather3A_663 : vector<16xf32>
        %mul3A_667 = arith.mulf %sub3A_666, %gather3A_665 : vector<16xf32>
        %mul3A_668 = arith.mulf %mul3A_667, %get3A_4 : vector<16xf32>
        %add3A_669 = arith.addf %mul3A_668, %get3A_16 : vector<16xf32>
        %mul3A_670 = arith.constant 2 : i32
        %mul3A_671 = arith.muli %scan3A_200, %mul3A_670 : i32
        %add3A_672 = arith.constant 1 : i32
        %add3A_673 = arith.addi %mul3A_671, %add3A_672 : i32
        %swap3A_674 = arith.index_cast %add3A_673 : i32 to index
        %swap3A_675 = arith.constant 0 : index
        %swap3A_676 = tpu.vector_load %arg11[%swap3A_674, %swap3A_675] {strides = array<i32>} : memref<128x128xf32, #tpu.memory_space<vmem>>, vector<1x16xf32>,
        %swap3A_677 = vector.shape_cast %swap3A_676 : vector<1x16xf32> to vector<16xf32>
        %swap3A_678 = vector.shape_cast %add3A_669 : vector<16xf32> to vector<1x16xf32>
        tpu.vector_store %arg11[%swap3A_674, %swap3A_675], %swap3A_678 {strides = array<i32>} : memref<128x128xf32, #tpu.memory_space<vmem>>, vector<1x16xf32>,
        %sub3A_679 = arith.subf %add3A_370, %gather3A_663 : vector<16xf32>
        %mul3A_680 = arith.mulf %sub3A_679, %gather3A_665 : vector<16xf32>
        %mul3A_681 = arith.mulf %mul3A_680, %get3A_7 : vector<16xf32>
        %add3A_682 = arith.addf %mul3A_681, %get3A_19 : vector<16xf32>
        %mul3A_683 = arith.constant 2 : i32
        %mul3A_684 = arith.muli %scan3A_200, %mul3A_683 : i32
        %add3A_685 = arith.constant 1 : i32
        %add3A_686 = arith.addi %mul3A_684, %add3A_685 : i32
        %swap3A_687 = arith.index_cast %add3A_686 : i32 to index
        %swap3A_688 = arith.constant 16 : index
        %swap3A_689 = tpu.vector_load %arg11[%swap3A_687, %swap3A_688] {strides = array<i32>} : memref<128x128xf32, #tpu.memory_space<vmem>>, vector<1x16xf32>,
        %swap3A_690 = vector.shape_cast %swap3A_689 : vector<1x16xf32> to vector<16xf32>
        %swap3A_691 = vector.shape_cast %add3A_682 : vector<16xf32> to vector<1x16xf32>
        tpu.vector_store %arg11[%swap3A_687, %swap3A_688], %swap3A_691 {strides = array<i32>} : memref<128x128xf32, #tpu.memory_space<vmem>>, vector<1x16xf32>,
        %sub3A_692 = arith.subf %add3A_381, %gather3A_663 : vector<16xf32>
        %mul3A_693 = arith.mulf %sub3A_692, %gather3A_665 : vector<16xf32>
        %mul3A_694 = arith.mulf %mul3A_693, %get3A_10 : vector<16xf32>
        %add3A_695 = arith.addf %mul3A_694, %get3A_22 : vector<16xf32>
        %mul3A_696 = arith.constant 2 : i32
        %mul3A_697 = arith.muli %scan3A_200, %mul3A_696 : i32
        %add3A_698 = arith.constant 1 : i32
        %add3A_699 = arith.addi %mul3A_697, %add3A_698 : i32
        %swap3A_700 = arith.index_cast %add3A_699 : i32 to index
        %swap3A_701 = arith.constant 32 : index
        %swap3A_702 = tpu.vector_load %arg11[%swap3A_700, %swap3A_701] {strides = array<i32>} : memref<128x128xf32, #tpu.memory_space<vmem>>, vector<1x16xf32>,
        %swap3A_703 = vector.shape_cast %swap3A_702 : vector<1x16xf32> to vector<16xf32>
        %swap3A_704 = vector.shape_cast %add3A_695 : vector<16xf32> to vector<1x16xf32>
        tpu.vector_store %arg11[%swap3A_700, %swap3A_701], %swap3A_704 {strides = array<i32>} : memref<128x128xf32, #tpu.memory_space<vmem>>, vector<1x16xf32>,
        %sub3A_705 = arith.subf %add3A_392, %gather3A_663 : vector<16xf32>
        %mul3A_706 = arith.mulf %sub3A_705, %gather3A_665 : vector<16xf32>
        %mul3A_707 = arith.mulf %mul3A_706, %get3A_13 : vector<16xf32>
        %add3A_708 = arith.addf %mul3A_707, %get3A_25 : vector<16xf32>
        %mul3A_709 = arith.constant 2 : i32
        %mul3A_710 = arith.muli %scan3A_200, %mul3A_709 : i32
        %add3A_711 = arith.constant 1 : i32
        %add3A_712 = arith.addi %mul3A_710, %add3A_711 : i32
        %swap3A_713 = arith.index_cast %add3A_712 : i32 to index
        %swap3A_714 = arith.constant 48 : index
        %swap3A_715 = tpu.vector_load %arg11[%swap3A_713, %swap3A_714] {strides = array<i32>} : memref<128x128xf32, #tpu.memory_space<vmem>>, vector<1x16xf32>,
        %swap3A_716 = vector.shape_cast %swap3A_715 : vector<1x16xf32> to vector<16xf32>
        %swap3A_717 = vector.shape_cast %add3A_708 : vector<16xf32> to vector<1x16xf32>
        tpu.vector_store %arg11[%swap3A_713, %swap3A_714], %swap3A_717 {strides = array<i32>} : memref<128x128xf32, #tpu.memory_space<vmem>>, vector<1x16xf32>,
        %gather3A_718 = vector.shape_cast %reshape3A_64 : vector<16x1xi32> to vector<16xi32>
        %gather3A_719 = tpu.dynamic_gather %mul3A_523[%gather3A_718] in [0] : vector<16xf32>, vector<16xi32> -> vector<16xf32>
        %gather3A_720 = vector.shape_cast %reshape3A_64 : vector<16x1xi32> to vector<16xi32>
        %gather3A_721 = tpu.dynamic_gather %mul3A_550[%gather3A_720] in [0] : vector<16xf32>, vector<16xi32> -> vector<16xf32>
        %sub3A_722 = arith.subf %add3A_425, %gather3A_719 : vector<16xf32>
        %mul3A_723 = arith.mulf %sub3A_722, %gather3A_721 : vector<16xf32>
        %mul3A_724 = arith.mulf %mul3A_723, %get3A_4 : vector<16xf32>
        %add3A_725 = arith.addf %mul3A_724, %get3A_16 : vector<16xf32>
        %mul3A_726 = arith.constant 2 : i32
        %mul3A_727 = arith.muli %scan3A_200, %mul3A_726 : i32
        %add3A_728 = arith.constant 1 : i32
        %add3A_729 = arith.addi %mul3A_727, %add3A_728 : i32
        %swap3A_730 = arith.index_cast %add3A_729 : i32 to index
        %swap3A_731 = arith.constant 64 : index
        %swap3A_732 = tpu.vector_load %arg11[%swap3A_730, %swap3A_731] {strides = array<i32>} : memref<128x128xf32, #tpu.memory_space<vmem>>, vector<1x16xf32>,
        %swap3A_733 = vector.shape_cast %swap3A_732 : vector<1x16xf32> to vector<16xf32>
        %swap3A_734 = vector.shape_cast %add3A_725 : vector<16xf32> to vector<1x16xf32>
        tpu.vector_store %arg11[%swap3A_730, %swap3A_731], %swap3A_734 {strides = array<i32>} : memref<128x128xf32, #tpu.memory_space<vmem>>, vector<1x16xf32>,
        %sub3A_735 = arith.subf %add3A_436, %gather3A_719 : vector<16xf32>
        %mul3A_736 = arith.mulf %sub3A_735, %gather3A_721 : vector<16xf32>
        %mul3A_737 = arith.mulf %mul3A_736, %get3A_7 : vector<16xf32>
        %add3A_738 = arith.addf %mul3A_737, %get3A_19 : vector<16xf32>
        %mul3A_739 = arith.constant 2 : i32
        %mul3A_740 = arith.muli %scan3A_200, %mul3A_739 : i32
        %add3A_741 = arith.constant 1 : i32
        %add3A_742 = arith.addi %mul3A_740, %add3A_741 : i32
        %swap3A_743 = arith.index_cast %add3A_742 : i32 to index
        %swap3A_744 = arith.constant 80 : index
        %swap3A_745 = tpu.vector_load %arg11[%swap3A_743, %swap3A_744] {strides = array<i32>} : memref<128x128xf32, #tpu.memory_space<vmem>>, vector<1x16xf32>,
        %swap3A_746 = vector.shape_cast %swap3A_745 : vector<1x16xf32> to vector<16xf32>
        %swap3A_747 = vector.shape_cast %add3A_738 : vector<16xf32> to vector<1x16xf32>
        tpu.vector_store %arg11[%swap3A_743, %swap3A_744], %swap3A_747 {strides = array<i32>} : memref<128x128xf32, #tpu.memory_space<vmem>>, vector<1x16xf32>,
        %sub3A_748 = arith.subf %add3A_447, %gather3A_719 : vector<16xf32>
        %mul3A_749 = arith.mulf %sub3A_748, %gather3A_721 : vector<16xf32>
        %mul3A_750 = arith.mulf %mul3A_749, %get3A_10 : vector<16xf32>
        %add3A_751 = arith.addf %mul3A_750, %get3A_22 : vector<16xf32>
        %mul3A_752 = arith.constant 2 : i32
        %mul3A_753 = arith.muli %scan3A_200, %mul3A_752 : i32
        %add3A_754 = arith.constant 1 : i32
        %add3A_755 = arith.addi %mul3A_753, %add3A_754 : i32
        %swap3A_756 = arith.index_cast %add3A_755 : i32 to index
        %swap3A_757 = arith.constant 96 : index
        %swap3A_758 = tpu.vector_load %arg11[%swap3A_756, %swap3A_757] {strides = array<i32>} : memref<128x128xf32, #tpu.memory_space<vmem>>, vector<1x16xf32>,
        %swap3A_759 = vector.shape_cast %swap3A_758 : vector<1x16xf32> to vector<16xf32>
        %swap3A_760 = vector.shape_cast %add3A_751 : vector<16xf32> to vector<1x16xf32>
        tpu.vector_store %arg11[%swap3A_756, %swap3A_757], %swap3A_760 {strides = array<i32>} : memref<128x128xf32, #tpu.memory_space<vmem>>, vector<1x16xf32>,
        %sub3A_761 = arith.subf %add3A_458, %gather3A_719 : vector<16xf32>
        %mul3A_762 = arith.mulf %sub3A_761, %gather3A_721 : vector<16xf32>
        %mul3A_763 = arith.mulf %mul3A_762, %get3A_13 : vector<16xf32>
        %add3A_764 = arith.addf %mul3A_763, %get3A_25 : vector<16xf32>
        %mul3A_765 = arith.constant 2 : i32
        %mul3A_766 = arith.muli %scan3A_200, %mul3A_765 : i32
        %add3A_767 = arith.constant 1 : i32
        %add3A_768 = arith.addi %mul3A_766, %add3A_767 : i32
        %swap3A_769 = arith.index_cast %add3A_768 : i32 to index
        %swap3A_770 = arith.constant 112 : index
        %swap3A_771 = tpu.vector_load %arg11[%swap3A_769, %swap3A_770] {strides = array<i32>} : memref<128x128xf32, #tpu.memory_space<vmem>>, vector<1x16xf32>,
        %swap3A_772 = vector.shape_cast %swap3A_771 : vector<1x16xf32> to vector<16xf32>
        %swap3A_773 = vector.shape_cast %add3A_764 : vector<16xf32> to vector<1x16xf32>
        tpu.vector_store %arg11[%swap3A_769, %swap3A_770], %swap3A_773 {strides = array<i32>} : memref<128x128xf32, #tpu.memory_space<vmem>>, vector<1x16xf32>,
        %scan3A_774 = arith.constant 0 : i32
        %scan3A_775 = arith.constant 1 : i32
        %scan3A_776 = arith.addi %scan3A_200, %scan3A_775 : i32
        %mul3A_777 = arith.constant 4 : i32
        %mul3A_778 = arith.muli %scan3A_776, %mul3A_777 : i32
        %add3A_779 = arith.addi %rem3A_107, %mul3A_778 : i32
        %add3A_780 = arith.constant 0 : i32
        %add3A_781 = arith.addi %add3A_779, %add3A_780 : i32
        %lt3A_782 = arith.constant 200 : i32
        %lt3A_783 = arith.cmpi slt, %add3A_781, %lt3A_782 : i32
        %sub3A_784 = arith.constant 200 : i32
        %sub3A_785 = arith.subi %add3A_781, %sub3A_784 : i32
        %select_n3A_786 = arith.select %lt3A_783, %add3A_781, %sub3A_785 : i32
        %lt3A_787 = arith.constant 200 : i32
        %lt3A_788 = arith.cmpi slt, %select_n3A_786, %lt3A_787 : i32
        %sub3A_789 = arith.constant 200 : i32
        %sub3A_790 = arith.subi %select_n3A_786, %sub3A_789 : i32
        %select_n3A_791 = arith.select %lt3A_788, %select_n3A_786, %sub3A_790 : i32
        %add3A_792 = arith.constant 0 : i32
        %add3A_793 = arith.addi %mul3A_778, %add3A_792 : i32
        %get3A_794 = arith.index_cast %add3A_793 : i32 to index
        %get3A_795 = arith.constant 0 : index
        %get3A_796 = tpu.vector_load %arg9[%get3A_794, %get3A_795] {strides = array<i32>} : memref<256x128xf32, #tpu.memory_space<vmem>>, vector<1x16xf32>,
        %get3A_797 = vector.shape_cast %get3A_796 : vector<1x16xf32> to vector<16xf32>
        %get3A_798 = arith.index_cast %select_n3A_791 : i32 to index
        %get3A_799 = arith.constant 0 : index
        %get3A_800 = tpu.vector_load %arg12[%get3A_798, %get3A_799] {strides = array<i32>} : memref<200x64xf32, #tpu.memory_space<vmem>>, vector<1x16xf32>,
        %get3A_801 = vector.shape_cast %get3A_800 : vector<1x16xf32> to vector<16xf32>
        %add3A_802 = arith.addf %get3A_797, %get3A_801 : vector<16xf32>
        %add3A_803 = arith.constant 0 : i32
        %add3A_804 = arith.addi %mul3A_778, %add3A_803 : i32
        %get3A_805 = arith.index_cast %add3A_804 : i32 to index
        %get3A_806 = arith.constant 16 : index
        %get3A_807 = tpu.vector_load %arg9[%get3A_805, %get3A_806] {strides = array<i32>} : memref<256x128xf32, #tpu.memory_space<vmem>>, vector<1x16xf32>,
        %get3A_808 = vector.shape_cast %get3A_807 : vector<1x16xf32> to vector<16xf32>
        %get3A_809 = arith.index_cast %select_n3A_791 : i32 to index
        %get3A_810 = arith.constant 16 : index
        %get3A_811 = tpu.vector_load %arg12[%get3A_809, %get3A_810] {strides = array<i32>} : memref<200x64xf32, #tpu.memory_space<vmem>>, vector<1x16xf32>,
        %get3A_812 = vector.shape_cast %get3A_811 : vector<1x16xf32> to vector<16xf32>
        %add3A_813 = arith.addf %get3A_808, %get3A_812 : vector<16xf32>
        %add3A_814 = arith.constant 0 : i32
        %add3A_815 = arith.addi %mul3A_778, %add3A_814 : i32
        %get3A_816 = arith.index_cast %add3A_815 : i32 to index
        %get3A_817 = arith.constant 32 : index
        %get3A_818 = tpu.vector_load %arg9[%get3A_816, %get3A_817] {strides = array<i32>} : memref<256x128xf32, #tpu.memory_space<vmem>>, vector<1x16xf32>,
        %get3A_819 = vector.shape_cast %get3A_818 : vector<1x16xf32> to vector<16xf32>
        %get3A_820 = arith.index_cast %select_n3A_791 : i32 to index
        %get3A_821 = arith.constant 32 : index
        %get3A_822 = tpu.vector_load %arg12[%get3A_820, %get3A_821] {strides = array<i32>} : memref<200x64xf32, #tpu.memory_space<vmem>>, vector<1x16xf32>,
        %get3A_823 = vector.shape_cast %get3A_822 : vector<1x16xf32> to vector<16xf32>
        %add3A_824 = arith.addf %get3A_819, %get3A_823 : vector<16xf32>
        %add3A_825 = arith.constant 0 : i32
        %add3A_826 = arith.addi %mul3A_778, %add3A_825 : i32
        %get3A_827 = arith.index_cast %add3A_826 : i32 to index
        %get3A_828 = arith.constant 48 : index
        %get3A_829 = tpu.vector_load %arg9[%get3A_827, %get3A_828] {strides = array<i32>} : memref<256x128xf32, #tpu.memory_space<vmem>>, vector<1x16xf32>,
        %get3A_830 = vector.shape_cast %get3A_829 : vector<1x16xf32> to vector<16xf32>
        %get3A_831 = arith.index_cast %select_n3A_791 : i32 to index
        %get3A_832 = arith.constant 48 : index
        %get3A_833 = tpu.vector_load %arg12[%get3A_831, %get3A_832] {strides = array<i32>} : memref<200x64xf32, #tpu.memory_space<vmem>>, vector<1x16xf32>,
        %get3A_834 = vector.shape_cast %get3A_833 : vector<1x16xf32> to vector<16xf32>
        %add3A_835 = arith.addf %get3A_830, %get3A_834 : vector<16xf32>
        %add3A_836 = arith.addf %add3A_802, %add3A_813 : vector<16xf32>
        %add3A_837 = arith.addf %add3A_824, %add3A_835 : vector<16xf32>
        %add3A_838 = arith.addf %add3A_836, %add3A_837 : vector<16xf32>
        %mul3A_839 = arith.mulf %add3A_802, %add3A_802 : vector<16xf32>
        %mul3A_840 = arith.mulf %add3A_813, %add3A_813 : vector<16xf32>
        %add3A_841 = arith.addf %mul3A_839, %mul3A_840 : vector<16xf32>
        %mul3A_842 = arith.mulf %add3A_824, %add3A_824 : vector<16xf32>
        %mul3A_843 = arith.mulf %add3A_835, %add3A_835 : vector<16xf32>
        %add3A_844 = arith.addf %mul3A_842, %mul3A_843 : vector<16xf32>
        %add3A_845 = arith.addf %add3A_841, %add3A_844 : vector<16xf32>
        %add3A_846 = arith.constant 1 : i32
        %add3A_847 = arith.addi %add3A_779, %add3A_846 : i32
        %lt3A_848 = arith.constant 200 : i32
        %lt3A_849 = arith.cmpi slt, %add3A_847, %lt3A_848 : i32
        %sub3A_850 = arith.constant 200 : i32
        %sub3A_851 = arith.subi %add3A_847, %sub3A_850 : i32
        %select_n3A_852 = arith.select %lt3A_849, %add3A_847, %sub3A_851 : i32
        %lt3A_853 = arith.constant 200 : i32
        %lt3A_854 = arith.cmpi slt, %select_n3A_852, %lt3A_853 : i32
        %sub3A_855 = arith.constant 200 : i32
        %sub3A_856 = arith.subi %select_n3A_852, %sub3A_855 : i32
        %select_n3A_857 = arith.select %lt3A_854, %select_n3A_852, %sub3A_856 : i32
        %add3A_858 = arith.constant 1 : i32
        %add3A_859 = arith.addi %mul3A_778, %add3A_858 : i32
        %get3A_860 = arith.index_cast %add3A_859 : i32 to index
        %get3A_861 = arith.constant 0 : index
        %get3A_862 = tpu.vector_load %arg9[%get3A_860, %get3A_861] {strides = array<i32>} : memref<256x128xf32, #tpu.memory_space<vmem>>, vector<1x16xf32>,
        %get3A_863 = vector.shape_cast %get3A_862 : vector<1x16xf32> to vector<16xf32>
        %get3A_864 = arith.index_cast %select_n3A_857 : i32 to index
        %get3A_865 = arith.constant 0 : index
        %get3A_866 = tpu.vector_load %arg12[%get3A_864, %get3A_865] {strides = array<i32>} : memref<200x64xf32, #tpu.memory_space<vmem>>, vector<1x16xf32>,
        %get3A_867 = vector.shape_cast %get3A_866 : vector<1x16xf32> to vector<16xf32>
        %add3A_868 = arith.addf %get3A_863, %get3A_867 : vector<16xf32>
        %add3A_869 = arith.constant 1 : i32
        %add3A_870 = arith.addi %mul3A_778, %add3A_869 : i32
        %get3A_871 = arith.index_cast %add3A_870 : i32 to index
        %get3A_872 = arith.constant 16 : index
        %get3A_873 = tpu.vector_load %arg9[%get3A_871, %get3A_872] {strides = array<i32>} : memref<256x128xf32, #tpu.memory_space<vmem>>, vector<1x16xf32>,
        %get3A_874 = vector.shape_cast %get3A_873 : vector<1x16xf32> to vector<16xf32>
        %get3A_875 = arith.index_cast %select_n3A_857 : i32 to index
        %get3A_876 = arith.constant 16 : index
        %get3A_877 = tpu.vector_load %arg12[%get3A_875, %get3A_876] {strides = array<i32>} : memref<200x64xf32, #tpu.memory_space<vmem>>, vector<1x16xf32>,
        %get3A_878 = vector.shape_cast %get3A_877 : vector<1x16xf32> to vector<16xf32>
        %add3A_879 = arith.addf %get3A_874, %get3A_878 : vector<16xf32>
        %add3A_880 = arith.constant 1 : i32
        %add3A_881 = arith.addi %mul3A_778, %add3A_880 : i32
        %get3A_882 = arith.index_cast %add3A_881 : i32 to index
        %get3A_883 = arith.constant 32 : index
        %get3A_884 = tpu.vector_load %arg9[%get3A_882, %get3A_883] {strides = array<i32>} : memref<256x128xf32, #tpu.memory_space<vmem>>, vector<1x16xf32>,
        %get3A_885 = vector.shape_cast %get3A_884 : vector<1x16xf32> to vector<16xf32>
        %get3A_886 = arith.index_cast %select_n3A_857 : i32 to index
        %get3A_887 = arith.constant 32 : index
        %get3A_888 = tpu.vector_load %arg12[%get3A_886, %get3A_887] {strides = array<i32>} : memref<200x64xf32, #tpu.memory_space<vmem>>, vector<1x16xf32>,
        %get3A_889 = vector.shape_cast %get3A_888 : vector<1x16xf32> to vector<16xf32>
        %add3A_890 = arith.addf %get3A_885, %get3A_889 : vector<16xf32>
        %add3A_891 = arith.constant 1 : i32
        %add3A_892 = arith.addi %mul3A_778, %add3A_891 : i32
        %get3A_893 = arith.index_cast %add3A_892 : i32 to index
        %get3A_894 = arith.constant 48 : index
        %get3A_895 = tpu.vector_load %arg9[%get3A_893, %get3A_894] {strides = array<i32>} : memref<256x128xf32, #tpu.memory_space<vmem>>, vector<1x16xf32>,
        %get3A_896 = vector.shape_cast %get3A_895 : vector<1x16xf32> to vector<16xf32>
        %get3A_897 = arith.index_cast %select_n3A_857 : i32 to index
        %get3A_898 = arith.constant 48 : index
        %get3A_899 = tpu.vector_load %arg12[%get3A_897, %get3A_898] {strides = array<i32>} : memref<200x64xf32, #tpu.memory_space<vmem>>, vector<1x16xf32>,
        %get3A_900 = vector.shape_cast %get3A_899 : vector<1x16xf32> to vector<16xf32>
        %add3A_901 = arith.addf %get3A_896, %get3A_900 : vector<16xf32>
        %add3A_902 = arith.addf %add3A_868, %add3A_879 : vector<16xf32>
        %add3A_903 = arith.addf %add3A_890, %add3A_901 : vector<16xf32>
        %add3A_904 = arith.addf %add3A_902, %add3A_903 : vector<16xf32>
        %mul3A_905 = arith.mulf %add3A_868, %add3A_868 : vector<16xf32>
        %mul3A_906 = arith.mulf %add3A_879, %add3A_879 : vector<16xf32>
        %add3A_907 = arith.addf %mul3A_905, %mul3A_906 : vector<16xf32>
        %mul3A_908 = arith.mulf %add3A_890, %add3A_890 : vector<16xf32>
        %mul3A_909 = arith.mulf %add3A_901, %add3A_901 : vector<16xf32>
        %add3A_910 = arith.addf %mul3A_908, %mul3A_909 : vector<16xf32>
        %add3A_911 = arith.addf %add3A_907, %add3A_910 : vector<16xf32>
        %add3A_912 = arith.constant 2 : i32
        %add3A_913 = arith.addi %add3A_779, %add3A_912 : i32
        %lt3A_914 = arith.constant 200 : i32
        %lt3A_915 = arith.cmpi slt, %add3A_913, %lt3A_914 : i32
        %sub3A_916 = arith.constant 200 : i32
        %sub3A_917 = arith.subi %add3A_913, %sub3A_916 : i32
        %select_n3A_918 = arith.select %lt3A_915, %add3A_913, %sub3A_917 : i32
        %lt3A_919 = arith.constant 200 : i32
        %lt3A_920 = arith.cmpi slt, %select_n3A_918, %lt3A_919 : i32
        %sub3A_921 = arith.constant 200 : i32
        %sub3A_922 = arith.subi %select_n3A_918, %sub3A_921 : i32
        %select_n3A_923 = arith.select %lt3A_920, %select_n3A_918, %sub3A_922 : i32
        %add3A_924 = arith.constant 2 : i32
        %add3A_925 = arith.addi %mul3A_778, %add3A_924 : i32
        %get3A_926 = arith.index_cast %add3A_925 : i32 to index
        %get3A_927 = arith.constant 0 : index
        %get3A_928 = tpu.vector_load %arg9[%get3A_926, %get3A_927] {strides = array<i32>} : memref<256x128xf32, #tpu.memory_space<vmem>>, vector<1x16xf32>,
        %get3A_929 = vector.shape_cast %get3A_928 : vector<1x16xf32> to vector<16xf32>
        %get3A_930 = arith.index_cast %select_n3A_923 : i32 to index
        %get3A_931 = arith.constant 0 : index
        %get3A_932 = tpu.vector_load %arg12[%get3A_930, %get3A_931] {strides = array<i32>} : memref<200x64xf32, #tpu.memory_space<vmem>>, vector<1x16xf32>,
        %get3A_933 = vector.shape_cast %get3A_932 : vector<1x16xf32> to vector<16xf32>
        %add3A_934 = arith.addf %get3A_929, %get3A_933 : vector<16xf32>
        %add3A_935 = arith.constant 2 : i32
        %add3A_936 = arith.addi %mul3A_778, %add3A_935 : i32
        %get3A_937 = arith.index_cast %add3A_936 : i32 to index
        %get3A_938 = arith.constant 16 : index
        %get3A_939 = tpu.vector_load %arg9[%get3A_937, %get3A_938] {strides = array<i32>} : memref<256x128xf32, #tpu.memory_space<vmem>>, vector<1x16xf32>,
        %get3A_940 = vector.shape_cast %get3A_939 : vector<1x16xf32> to vector<16xf32>
        %get3A_941 = arith.index_cast %select_n3A_923 : i32 to index
        %get3A_942 = arith.constant 16 : index
        %get3A_943 = tpu.vector_load %arg12[%get3A_941, %get3A_942] {strides = array<i32>} : memref<200x64xf32, #tpu.memory_space<vmem>>, vector<1x16xf32>,
        %get3A_944 = vector.shape_cast %get3A_943 : vector<1x16xf32> to vector<16xf32>
        %add3A_945 = arith.addf %get3A_940, %get3A_944 : vector<16xf32>
        %add3A_946 = arith.constant 2 : i32
        %add3A_947 = arith.addi %mul3A_778, %add3A_946 : i32
        %get3A_948 = arith.index_cast %add3A_947 : i32 to index
        %get3A_949 = arith.constant 32 : index
        %get3A_950 = tpu.vector_load %arg9[%get3A_948, %get3A_949] {strides = array<i32>} : memref<256x128xf32, #tpu.memory_space<vmem>>, vector<1x16xf32>,
        %get3A_951 = vector.shape_cast %get3A_950 : vector<1x16xf32> to vector<16xf32>
        %get3A_952 = arith.index_cast %select_n3A_923 : i32 to index
        %get3A_953 = arith.constant 32 : index
        %get3A_954 = tpu.vector_load %arg12[%get3A_952, %get3A_953] {strides = array<i32>} : memref<200x64xf32, #tpu.memory_space<vmem>>, vector<1x16xf32>,
        %get3A_955 = vector.shape_cast %get3A_954 : vector<1x16xf32> to vector<16xf32>
        %add3A_956 = arith.addf %get3A_951, %get3A_955 : vector<16xf32>
        %add3A_957 = arith.constant 2 : i32
        %add3A_958 = arith.addi %mul3A_778, %add3A_957 : i32
        %get3A_959 = arith.index_cast %add3A_958 : i32 to index
        %get3A_960 = arith.constant 48 : index
        %get3A_961 = tpu.vector_load %arg9[%get3A_959, %get3A_960] {strides = array<i32>} : memref<256x128xf32, #tpu.memory_space<vmem>>, vector<1x16xf32>,
        %get3A_962 = vector.shape_cast %get3A_961 : vector<1x16xf32> to vector<16xf32>
        %get3A_963 = arith.index_cast %select_n3A_923 : i32 to index
        %get3A_964 = arith.constant 48 : index
        %get3A_965 = tpu.vector_load %arg12[%get3A_963, %get3A_964] {strides = array<i32>} : memref<200x64xf32, #tpu.memory_space<vmem>>, vector<1x16xf32>,
        %get3A_966 = vector.shape_cast %get3A_965 : vector<1x16xf32> to vector<16xf32>
        %add3A_967 = arith.addf %get3A_962, %get3A_966 : vector<16xf32>
        %add3A_968 = arith.addf %add3A_934, %add3A_945 : vector<16xf32>
        %add3A_969 = arith.addf %add3A_956, %add3A_967 : vector<16xf32>
        %add3A_970 = arith.addf %add3A_968, %add3A_969 : vector<16xf32>
        %mul3A_971 = arith.mulf %add3A_934, %add3A_934 : vector<16xf32>
        %mul3A_972 = arith.mulf %add3A_945, %add3A_945 : vector<16xf32>
        %add3A_973 = arith.addf %mul3A_971, %mul3A_972 : vector<16xf32>
        %mul3A_974 = arith.mulf %add3A_956, %add3A_956 : vector<16xf32>
        %mul3A_975 = arith.mulf %add3A_967, %add3A_967 : vector<16xf32>
        %add3A_976 = arith.addf %mul3A_974, %mul3A_975 : vector<16xf32>
        %add3A_977 = arith.addf %add3A_973, %add3A_976 : vector<16xf32>
        %add3A_978 = arith.constant 3 : i32
        %add3A_979 = arith.addi %add3A_779, %add3A_978 : i32
        %lt3A_980 = arith.constant 200 : i32
        %lt3A_981 = arith.cmpi slt, %add3A_979, %lt3A_980 : i32
        %sub3A_982 = arith.constant 200 : i32
        %sub3A_983 = arith.subi %add3A_979, %sub3A_982 : i32
        %select_n3A_984 = arith.select %lt3A_981, %add3A_979, %sub3A_983 : i32
        %lt3A_985 = arith.constant 200 : i32
        %lt3A_986 = arith.cmpi slt, %select_n3A_984, %lt3A_985 : i32
        %sub3A_987 = arith.constant 200 : i32
        %sub3A_988 = arith.subi %select_n3A_984, %sub3A_987 : i32
        %select_n3A_989 = arith.select %lt3A_986, %select_n3A_984, %sub3A_988 : i32
        %add3A_990 = arith.constant 3 : i32
        %add3A_991 = arith.addi %mul3A_778, %add3A_990 : i32
        %get3A_992 = arith.index_cast %add3A_991 : i32 to index
        %get3A_993 = arith.constant 0 : index
        %get3A_994 = tpu.vector_load %arg9[%get3A_992, %get3A_993] {strides = array<i32>} : memref<256x128xf32, #tpu.memory_space<vmem>>, vector<1x16xf32>,
        %get3A_995 = vector.shape_cast %get3A_994 : vector<1x16xf32> to vector<16xf32>
        %get3A_996 = arith.index_cast %select_n3A_989 : i32 to index
        %get3A_997 = arith.constant 0 : index
        %get3A_998 = tpu.vector_load %arg12[%get3A_996, %get3A_997] {strides = array<i32>} : memref<200x64xf32, #tpu.memory_space<vmem>>, vector<1x16xf32>,
        %get3A_999 = vector.shape_cast %get3A_998 : vector<1x16xf32> to vector<16xf32>
        %add3A_1000 = arith.addf %get3A_995, %get3A_999 : vector<16xf32>
        %add3A_1001 = arith.constant 3 : i32
        %add3A_1002 = arith.addi %mul3A_778, %add3A_1001 : i32
        %get3A_1003 = arith.index_cast %add3A_1002 : i32 to index
        %get3A_1004 = arith.constant 16 : index
        %get3A_1005 = tpu.vector_load %arg9[%get3A_1003, %get3A_1004] {strides = array<i32>} : memref<256x128xf32, #tpu.memory_space<vmem>>, vector<1x16xf32>,
        %get3A_1006 = vector.shape_cast %get3A_1005 : vector<1x16xf32> to vector<16xf32>
        %get3A_1007 = arith.index_cast %select_n3A_989 : i32 to index
        %get3A_1008 = arith.constant 16 : index
        %get3A_1009 = tpu.vector_load %arg12[%get3A_1007, %get3A_1008] {strides = array<i32>} : memref<200x64xf32, #tpu.memory_space<vmem>>, vector<1x16xf32>,
        %get3A_1010 = vector.shape_cast %get3A_1009 : vector<1x16xf32> to vector<16xf32>
        %add3A_1011 = arith.addf %get3A_1006, %get3A_1010 : vector<16xf32>
        %add3A_1012 = arith.constant 3 : i32
        %add3A_1013 = arith.addi %mul3A_778, %add3A_1012 : i32
        %get3A_1014 = arith.index_cast %add3A_1013 : i32 to index
        %get3A_1015 = arith.constant 32 : index
        %get3A_1016 = tpu.vector_load %arg9[%get3A_1014, %get3A_1015] {strides = array<i32>} : memref<256x128xf32, #tpu.memory_space<vmem>>, vector<1x16xf32>,
        %get3A_1017 = vector.shape_cast %get3A_1016 : vector<1x16xf32> to vector<16xf32>
        %get3A_1018 = arith.index_cast %select_n3A_989 : i32 to index
        %get3A_1019 = arith.constant 32 : index
        %get3A_1020 = tpu.vector_load %arg12[%get3A_1018, %get3A_1019] {strides = array<i32>} : memref<200x64xf32, #tpu.memory_space<vmem>>, vector<1x16xf32>,
        %get3A_1021 = vector.shape_cast %get3A_1020 : vector<1x16xf32> to vector<16xf32>
        %add3A_1022 = arith.addf %get3A_1017, %get3A_1021 : vector<16xf32>
        %add3A_1023 = arith.constant 3 : i32
        %add3A_1024 = arith.addi %mul3A_778, %add3A_1023 : i32
        %get3A_1025 = arith.index_cast %add3A_1024 : i32 to index
        %get3A_1026 = arith.constant 48 : index
        %get3A_1027 = tpu.vector_load %arg9[%get3A_1025, %get3A_1026] {strides = array<i32>} : memref<256x128xf32, #tpu.memory_space<vmem>>, vector<1x16xf32>,
        %get3A_1028 = vector.shape_cast %get3A_1027 : vector<1x16xf32> to vector<16xf32>
        %get3A_1029 = arith.index_cast %select_n3A_989 : i32 to index
        %get3A_1030 = arith.constant 48 : index
        %get3A_1031 = tpu.vector_load %arg12[%get3A_1029, %get3A_1030] {strides = array<i32>} : memref<200x64xf32, #tpu.memory_space<vmem>>, vector<1x16xf32>,
        %get3A_1032 = vector.shape_cast %get3A_1031 : vector<1x16xf32> to vector<16xf32>
        %add3A_1033 = arith.addf %get3A_1028, %get3A_1032 : vector<16xf32>
        %add3A_1034 = arith.addf %add3A_1000, %add3A_1011 : vector<16xf32>
        %add3A_1035 = arith.addf %add3A_1022, %add3A_1033 : vector<16xf32>
        %add3A_1036 = arith.addf %add3A_1034, %add3A_1035 : vector<16xf32>
        %mul3A_1037 = arith.mulf %add3A_1000, %add3A_1000 : vector<16xf32>
        %mul3A_1038 = arith.mulf %add3A_1011, %add3A_1011 : vector<16xf32>
        %add3A_1039 = arith.addf %mul3A_1037, %mul3A_1038 : vector<16xf32>
        %mul3A_1040 = arith.mulf %add3A_1022, %add3A_1022 : vector<16xf32>
        %mul3A_1041 = arith.mulf %add3A_1033, %add3A_1033 : vector<16xf32>
        %add3A_1042 = arith.addf %mul3A_1040, %mul3A_1041 : vector<16xf32>
        %add3A_1043 = arith.addf %add3A_1039, %add3A_1042 : vector<16xf32>
        %gather3A_1044 = vector.shape_cast %reshape3A : vector<16x1xi32> to vector<16xi32>
        %gather3A_1045 = tpu.dynamic_gather %add3A_838[%gather3A_1044] in [0] : vector<16xf32>, vector<16xi32> -> vector<16xf32>
        %add3A_1046 = arith.addf %add3A_838, %gather3A_1045 : vector<16xf32>
        %gather3A_1047 = vector.shape_cast %reshape3A : vector<16x1xi32> to vector<16xi32>
        %gather3A_1048 = tpu.dynamic_gather %add3A_904[%gather3A_1047] in [0] : vector<16xf32>, vector<16xi32> -> vector<16xf32>
        %add3A_1049 = arith.addf %add3A_904, %gather3A_1048 : vector<16xf32>
        %gather3A_1050 = vector.shape_cast %reshape3A : vector<16x1xi32> to vector<16xi32>
        %gather3A_1051 = tpu.dynamic_gather %add3A_970[%gather3A_1050] in [0] : vector<16xf32>, vector<16xi32> -> vector<16xf32>
        %add3A_1052 = arith.addf %add3A_970, %gather3A_1051 : vector<16xf32>
        %gather3A_1053 = vector.shape_cast %reshape3A : vector<16x1xi32> to vector<16xi32>
        %gather3A_1054 = tpu.dynamic_gather %add3A_1036[%gather3A_1053] in [0] : vector<16xf32>, vector<16xi32> -> vector<16xf32>
        %add3A_1055 = arith.addf %add3A_1036, %gather3A_1054 : vector<16xf32>
        %select_n3A_1056 = arith.select %lt3A_41, %add3A_1046, %add3A_1049 : vector<16xi1>, vector<16xf32>
        %select_n3A_1057 = arith.select %lt3A_41, %add3A_1052, %add3A_1055 : vector<16xi1>, vector<16xf32>
        %gather3A_1058 = vector.shape_cast %reshape3A_31 : vector<16x1xi32> to vector<16xi32>
        %gather3A_1059 = tpu.dynamic_gather %select_n3A_1056[%gather3A_1058] in [0] : vector<16xf32>, vector<16xi32> -> vector<16xf32>
        %add3A_1060 = arith.addf %select_n3A_1056, %gather3A_1059 : vector<16xf32>
        %gather3A_1061 = vector.shape_cast %reshape3A_31 : vector<16x1xi32> to vector<16xi32>
        %gather3A_1062 = tpu.dynamic_gather %select_n3A_1057[%gather3A_1061] in [0] : vector<16xf32>, vector<16xi32> -> vector<16xf32>
        %add3A_1063 = arith.addf %select_n3A_1057, %gather3A_1062 : vector<16xf32>
        %select_n3A_1064 = arith.select %eq3A_45, %add3A_1060, %add3A_1063 : vector<16xi1>, vector<16xf32>
        %gather3A_1065 = vector.shape_cast %reshape3A_35 : vector<16x1xi32> to vector<16xi32>
        %gather3A_1066 = tpu.dynamic_gather %select_n3A_1064[%gather3A_1065] in [0] : vector<16xf32>, vector<16xi32> -> vector<16xf32>
        %add3A_1067 = arith.addf %select_n3A_1064, %gather3A_1066 : vector<16xf32>
        %gather3A_1068 = vector.shape_cast %reshape3A_39 : vector<16x1xi32> to vector<16xi32>
        %gather3A_1069 = tpu.dynamic_gather %add3A_1067[%gather3A_1068] in [0] : vector<16xf32>, vector<16xi32> -> vector<16xf32>
        %add3A_1070 = arith.addf %add3A_1067, %gather3A_1069 : vector<16xf32>
        %gather3A_1071 = vector.shape_cast %reshape3A : vector<16x1xi32> to vector<16xi32>
        %gather3A_1072 = tpu.dynamic_gather %add3A_845[%gather3A_1071] in [0] : vector<16xf32>, vector<16xi32> -> vector<16xf32>
        %add3A_1073 = arith.addf %add3A_845, %gather3A_1072 : vector<16xf32>
        %gather3A_1074 = vector.shape_cast %reshape3A : vector<16x1xi32> to vector<16xi32>
        %gather3A_1075 = tpu.dynamic_gather %add3A_911[%gather3A_1074] in [0] : vector<16xf32>, vector<16xi32> -> vector<16xf32>
        %add3A_1076 = arith.addf %add3A_911, %gather3A_1075 : vector<16xf32>
        %gather3A_1077 = vector.shape_cast %reshape3A : vector<16x1xi32> to vector<16xi32>
        %gather3A_1078 = tpu.dynamic_gather %add3A_977[%gather3A_1077] in [0] : vector<16xf32>, vector<16xi32> -> vector<16xf32>
        %add3A_1079 = arith.addf %add3A_977, %gather3A_1078 : vector<16xf32>
        %gather3A_1080 = vector.shape_cast %reshape3A : vector<16x1xi32> to vector<16xi32>
        %gather3A_1081 = tpu.dynamic_gather %add3A_1043[%gather3A_1080] in [0] : vector<16xf32>, vector<16xi32> -> vector<16xf32>
        %add3A_1082 = arith.addf %add3A_1043, %gather3A_1081 : vector<16xf32>
        %select_n3A_1083 = arith.select %lt3A_41, %add3A_1073, %add3A_1076 : vector<16xi1>, vector<16xf32>
        %select_n3A_1084 = arith.select %lt3A_41, %add3A_1079, %add3A_1082 : vector<16xi1>, vector<16xf32>
        %gather3A_1085 = vector.shape_cast %reshape3A_31 : vector<16x1xi32> to vector<16xi32>
        %gather3A_1086 = tpu.dynamic_gather %select_n3A_1083[%gather3A_1085] in [0] : vector<16xf32>, vector<16xi32> -> vector<16xf32>
        %add3A_1087 = arith.addf %select_n3A_1083, %gather3A_1086 : vector<16xf32>
        %gather3A_1088 = vector.shape_cast %reshape3A_31 : vector<16x1xi32> to vector<16xi32>
        %gather3A_1089 = tpu.dynamic_gather %select_n3A_1084[%gather3A_1088] in [0] : vector<16xf32>, vector<16xi32> -> vector<16xf32>
        %add3A_1090 = arith.addf %select_n3A_1084, %gather3A_1089 : vector<16xf32>
        %select_n3A_1091 = arith.select %eq3A_45, %add3A_1087, %add3A_1090 : vector<16xi1>, vector<16xf32>
        %gather3A_1092 = vector.shape_cast %reshape3A_35 : vector<16x1xi32> to vector<16xi32>
        %gather3A_1093 = tpu.dynamic_gather %select_n3A_1091[%gather3A_1092] in [0] : vector<16xf32>, vector<16xi32> -> vector<16xf32>
        %add3A_1094 = arith.addf %select_n3A_1091, %gather3A_1093 : vector<16xf32>
        %gather3A_1095 = vector.shape_cast %reshape3A_39 : vector<16x1xi32> to vector<16xi32>
        %gather3A_1096 = tpu.dynamic_gather %add3A_1094[%gather3A_1095] in [0] : vector<16xf32>, vector<16xi32> -> vector<16xf32>
        %add3A_1097 = arith.addf %add3A_1094, %gather3A_1096 : vector<16xf32>
        %mul3A_1098 = vector.broadcast %scan3A : f32 to vector<16xf32>
        %mul3A_1099 = arith.mulf %add3A_1070, %mul3A_1098 : vector<16xf32>
        %mul3A_1100 = vector.broadcast %scan3A : f32 to vector<16xf32>
        %mul3A_1101 = arith.mulf %add3A_1097, %mul3A_1100 : vector<16xf32>
        %mul3A_1102 = arith.mulf %mul3A_1099, %mul3A_1099 : vector<16xf32>
        %sub3A_1103 = arith.subf %mul3A_1101, %mul3A_1102 : vector<16xf32>
        %add3A_1104 = arith.constant 9.99999974E-6 : f32
        %add3A_1105 = vector.broadcast %add3A_1104 : f32 to vector<16xf32>
        %add3A_1106 = arith.addf %sub3A_1103, %add3A_1105 : vector<16xf32>
        %bitcast_convert_type3A_1107 = tpu.bitcast %add3A_1106 : vector<16xf32> -> vector<16xi32>
        %broadcast_in_dim3A_1108 = arith.constant 1597463007 : i32
        %broadcast_in_dim3A_1109 = vector.broadcast %broadcast_in_dim3A_1108 : i32 to vector<16xi32>
        %shift_right_logical3A_1110 = arith.constant 1 : i32
        %shift_right_logical3A_1111 = vector.broadcast %shift_right_logical3A_1110 : i32 to vector<16xi32>
        %shift_right_logical3A_1112 = arith.shrui %bitcast_convert_type3A_1107, %shift_right_logical3A_1111 : vector<16xi32>
        %sub3A_1113 = arith.subi %broadcast_in_dim3A_1109, %shift_right_logical3A_1112 : vector<16xi32>
        %bitcast_convert_type3A_1114 = tpu.bitcast %sub3A_1113 : vector<16xi32> -> vector<16xf32>
        %mul3A_1115 = arith.constant 5.000000e-01 : f32
        %mul3A_1116 = vector.broadcast %mul3A_1115 : f32 to vector<16xf32>
        %mul3A_1117 = arith.mulf %add3A_1106, %mul3A_1116 : vector<16xf32>
        %mul3A_1118 = arith.mulf %mul3A_1117, %bitcast_convert_type3A_1114 : vector<16xf32>
        %mul3A_1119 = arith.mulf %mul3A_1118, %bitcast_convert_type3A_1114 : vector<16xf32>
        %sub3A_1120 = arith.constant 1.500000e+00 : f32
        %sub3A_1121 = vector.broadcast %sub3A_1120 : f32 to vector<16xf32>
        %sub3A_1122 = arith.subf %sub3A_1121, %mul3A_1119 : vector<16xf32>
        %mul3A_1123 = arith.mulf %bitcast_convert_type3A_1114, %sub3A_1122 : vector<16xf32>
        %mul3A_1124 = arith.mulf %mul3A_1117, %mul3A_1123 : vector<16xf32>
        %mul3A_1125 = arith.mulf %mul3A_1124, %mul3A_1123 : vector<16xf32>
        %sub3A_1126 = arith.constant 1.500000e+00 : f32
        %sub3A_1127 = vector.broadcast %sub3A_1126 : f32 to vector<16xf32>
        %sub3A_1128 = arith.subf %sub3A_1127, %mul3A_1125 : vector<16xf32>
        %mul3A_1129 = arith.mulf %mul3A_1123, %sub3A_1128 : vector<16xf32>
        %gather3A_1130 = vector.shape_cast %reshape3A_52 : vector<16x1xi32> to vector<16xi32>
        %gather3A_1131 = tpu.dynamic_gather %mul3A_1099[%gather3A_1130] in [0] : vector<16xf32>, vector<16xi32> -> vector<16xf32>
        %gather3A_1132 = vector.shape_cast %reshape3A_52 : vector<16x1xi32> to vector<16xi32>
        %gather3A_1133 = tpu.dynamic_gather %mul3A_1129[%gather3A_1132] in [0] : vector<16xf32>, vector<16xi32> -> vector<16xf32>
        %sub3A_1134 = arith.subf %add3A_802, %gather3A_1131 : vector<16xf32>
        %mul3A_1135 = arith.mulf %sub3A_1134, %gather3A_1133 : vector<16xf32>
        %mul3A_1136 = arith.mulf %mul3A_1135, %get3A_4 : vector<16xf32>
        %add3A_1137 = arith.addf %mul3A_1136, %get3A_16 : vector<16xf32>
        %mul3A_1138 = arith.constant 2 : i32
        %mul3A_1139 = arith.muli %scan3A_776, %mul3A_1138 : i32
        %add3A_1140 = arith.constant 0 : i32
        %add3A_1141 = arith.addi %mul3A_1139, %add3A_1140 : i32
        %swap3A_1142 = arith.index_cast %add3A_1141 : i32 to index
        %swap3A_1143 = arith.constant 0 : index
        %swap3A_1144 = tpu.vector_load %arg11[%swap3A_1142, %swap3A_1143] {strides = array<i32>} : memref<128x128xf32, #tpu.memory_space<vmem>>, vector<1x16xf32>,
        %swap3A_1145 = vector.shape_cast %swap3A_1144 : vector<1x16xf32> to vector<16xf32>
        %swap3A_1146 = vector.shape_cast %add3A_1137 : vector<16xf32> to vector<1x16xf32>
        tpu.vector_store %arg11[%swap3A_1142, %swap3A_1143], %swap3A_1146 {strides = array<i32>} : memref<128x128xf32, #tpu.memory_space<vmem>>, vector<1x16xf32>,
        %sub3A_1147 = arith.subf %add3A_813, %gather3A_1131 : vector<16xf32>
        %mul3A_1148 = arith.mulf %sub3A_1147, %gather3A_1133 : vector<16xf32>
        %mul3A_1149 = arith.mulf %mul3A_1148, %get3A_7 : vector<16xf32>
        %add3A_1150 = arith.addf %mul3A_1149, %get3A_19 : vector<16xf32>
        %mul3A_1151 = arith.constant 2 : i32
        %mul3A_1152 = arith.muli %scan3A_776, %mul3A_1151 : i32
        %add3A_1153 = arith.constant 0 : i32
        %add3A_1154 = arith.addi %mul3A_1152, %add3A_1153 : i32
        %swap3A_1155 = arith.index_cast %add3A_1154 : i32 to index
        %swap3A_1156 = arith.constant 16 : index
        %swap3A_1157 = tpu.vector_load %arg11[%swap3A_1155, %swap3A_1156] {strides = array<i32>} : memref<128x128xf32, #tpu.memory_space<vmem>>, vector<1x16xf32>,
        %swap3A_1158 = vector.shape_cast %swap3A_1157 : vector<1x16xf32> to vector<16xf32>
        %swap3A_1159 = vector.shape_cast %add3A_1150 : vector<16xf32> to vector<1x16xf32>
        tpu.vector_store %arg11[%swap3A_1155, %swap3A_1156], %swap3A_1159 {strides = array<i32>} : memref<128x128xf32, #tpu.memory_space<vmem>>, vector<1x16xf32>,
        %sub3A_1160 = arith.subf %add3A_824, %gather3A_1131 : vector<16xf32>
        %mul3A_1161 = arith.mulf %sub3A_1160, %gather3A_1133 : vector<16xf32>
        %mul3A_1162 = arith.mulf %mul3A_1161, %get3A_10 : vector<16xf32>
        %add3A_1163 = arith.addf %mul3A_1162, %get3A_22 : vector<16xf32>
        %mul3A_1164 = arith.constant 2 : i32
        %mul3A_1165 = arith.muli %scan3A_776, %mul3A_1164 : i32
        %add3A_1166 = arith.constant 0 : i32
        %add3A_1167 = arith.addi %mul3A_1165, %add3A_1166 : i32
        %swap3A_1168 = arith.index_cast %add3A_1167 : i32 to index
        %swap3A_1169 = arith.constant 32 : index
        %swap3A_1170 = tpu.vector_load %arg11[%swap3A_1168, %swap3A_1169] {strides = array<i32>} : memref<128x128xf32, #tpu.memory_space<vmem>>, vector<1x16xf32>,
        %swap3A_1171 = vector.shape_cast %swap3A_1170 : vector<1x16xf32> to vector<16xf32>
        %swap3A_1172 = vector.shape_cast %add3A_1163 : vector<16xf32> to vector<1x16xf32>
        tpu.vector_store %arg11[%swap3A_1168, %swap3A_1169], %swap3A_1172 {strides = array<i32>} : memref<128x128xf32, #tpu.memory_space<vmem>>, vector<1x16xf32>,
        %sub3A_1173 = arith.subf %add3A_835, %gather3A_1131 : vector<16xf32>
        %mul3A_1174 = arith.mulf %sub3A_1173, %gather3A_1133 : vector<16xf32>
        %mul3A_1175 = arith.mulf %mul3A_1174, %get3A_13 : vector<16xf32>
        %add3A_1176 = arith.addf %mul3A_1175, %get3A_25 : vector<16xf32>
        %mul3A_1177 = arith.constant 2 : i32
        %mul3A_1178 = arith.muli %scan3A_776, %mul3A_1177 : i32
        %add3A_1179 = arith.constant 0 : i32
        %add3A_1180 = arith.addi %mul3A_1178, %add3A_1179 : i32
        %swap3A_1181 = arith.index_cast %add3A_1180 : i32 to index
        %swap3A_1182 = arith.constant 48 : index
        %swap3A_1183 = tpu.vector_load %arg11[%swap3A_1181, %swap3A_1182] {strides = array<i32>} : memref<128x128xf32, #tpu.memory_space<vmem>>, vector<1x16xf32>,
        %swap3A_1184 = vector.shape_cast %swap3A_1183 : vector<1x16xf32> to vector<16xf32>
        %swap3A_1185 = vector.shape_cast %add3A_1176 : vector<16xf32> to vector<1x16xf32>
        tpu.vector_store %arg11[%swap3A_1181, %swap3A_1182], %swap3A_1185 {strides = array<i32>} : memref<128x128xf32, #tpu.memory_space<vmem>>, vector<1x16xf32>,
        %gather3A_1186 = vector.shape_cast %reshape3A_56 : vector<16x1xi32> to vector<16xi32>
        %gather3A_1187 = tpu.dynamic_gather %mul3A_1099[%gather3A_1186] in [0] : vector<16xf32>, vector<16xi32> -> vector<16xf32>
        %gather3A_1188 = vector.shape_cast %reshape3A_56 : vector<16x1xi32> to vector<16xi32>
        %gather3A_1189 = tpu.dynamic_gather %mul3A_1129[%gather3A_1188] in [0] : vector<16xf32>, vector<16xi32> -> vector<16xf32>
        %sub3A_1190 = arith.subf %add3A_868, %gather3A_1187 : vector<16xf32>
        %mul3A_1191 = arith.mulf %sub3A_1190, %gather3A_1189 : vector<16xf32>
        %mul3A_1192 = arith.mulf %mul3A_1191, %get3A_4 : vector<16xf32>
        %add3A_1193 = arith.addf %mul3A_1192, %get3A_16 : vector<16xf32>
        %mul3A_1194 = arith.constant 2 : i32
        %mul3A_1195 = arith.muli %scan3A_776, %mul3A_1194 : i32
        %add3A_1196 = arith.constant 0 : i32
        %add3A_1197 = arith.addi %mul3A_1195, %add3A_1196 : i32
        %swap3A_1198 = arith.index_cast %add3A_1197 : i32 to index
        %swap3A_1199 = arith.constant 64 : index
        %swap3A_1200 = tpu.vector_load %arg11[%swap3A_1198, %swap3A_1199] {strides = array<i32>} : memref<128x128xf32, #tpu.memory_space<vmem>>, vector<1x16xf32>,
        %swap3A_1201 = vector.shape_cast %swap3A_1200 : vector<1x16xf32> to vector<16xf32>
        %swap3A_1202 = vector.shape_cast %add3A_1193 : vector<16xf32> to vector<1x16xf32>
        tpu.vector_store %arg11[%swap3A_1198, %swap3A_1199], %swap3A_1202 {strides = array<i32>} : memref<128x128xf32, #tpu.memory_space<vmem>>, vector<1x16xf32>,
        %sub3A_1203 = arith.subf %add3A_879, %gather3A_1187 : vector<16xf32>
        %mul3A_1204 = arith.mulf %sub3A_1203, %gather3A_1189 : vector<16xf32>
        %mul3A_1205 = arith.mulf %mul3A_1204, %get3A_7 : vector<16xf32>
        %add3A_1206 = arith.addf %mul3A_1205, %get3A_19 : vector<16xf32>
        %mul3A_1207 = arith.constant 2 : i32
        %mul3A_1208 = arith.muli %scan3A_776, %mul3A_1207 : i32
        %add3A_1209 = arith.constant 0 : i32
        %add3A_1210 = arith.addi %mul3A_1208, %add3A_1209 : i32
        %swap3A_1211 = arith.index_cast %add3A_1210 : i32 to index
        %swap3A_1212 = arith.constant 80 : index
        %swap3A_1213 = tpu.vector_load %arg11[%swap3A_1211, %swap3A_1212] {strides = array<i32>} : memref<128x128xf32, #tpu.memory_space<vmem>>, vector<1x16xf32>,
        %swap3A_1214 = vector.shape_cast %swap3A_1213 : vector<1x16xf32> to vector<16xf32>
        %swap3A_1215 = vector.shape_cast %add3A_1206 : vector<16xf32> to vector<1x16xf32>
        tpu.vector_store %arg11[%swap3A_1211, %swap3A_1212], %swap3A_1215 {strides = array<i32>} : memref<128x128xf32, #tpu.memory_space<vmem>>, vector<1x16xf32>,
        %sub3A_1216 = arith.subf %add3A_890, %gather3A_1187 : vector<16xf32>
        %mul3A_1217 = arith.mulf %sub3A_1216, %gather3A_1189 : vector<16xf32>
        %mul3A_1218 = arith.mulf %mul3A_1217, %get3A_10 : vector<16xf32>
        %add3A_1219 = arith.addf %mul3A_1218, %get3A_22 : vector<16xf32>
        %mul3A_1220 = arith.constant 2 : i32
        %mul3A_1221 = arith.muli %scan3A_776, %mul3A_1220 : i32
        %add3A_1222 = arith.constant 0 : i32
        %add3A_1223 = arith.addi %mul3A_1221, %add3A_1222 : i32
        %swap3A_1224 = arith.index_cast %add3A_1223 : i32 to index
        %swap3A_1225 = arith.constant 96 : index
        %swap3A_1226 = tpu.vector_load %arg11[%swap3A_1224, %swap3A_1225] {strides = array<i32>} : memref<128x128xf32, #tpu.memory_space<vmem>>, vector<1x16xf32>,
        %swap3A_1227 = vector.shape_cast %swap3A_1226 : vector<1x16xf32> to vector<16xf32>
        %swap3A_1228 = vector.shape_cast %add3A_1219 : vector<16xf32> to vector<1x16xf32>
        tpu.vector_store %arg11[%swap3A_1224, %swap3A_1225], %swap3A_1228 {strides = array<i32>} : memref<128x128xf32, #tpu.memory_space<vmem>>, vector<1x16xf32>,
        %sub3A_1229 = arith.subf %add3A_901, %gather3A_1187 : vector<16xf32>
        %mul3A_1230 = arith.mulf %sub3A_1229, %gather3A_1189 : vector<16xf32>
        %mul3A_1231 = arith.mulf %mul3A_1230, %get3A_13 : vector<16xf32>
        %add3A_1232 = arith.addf %mul3A_1231, %get3A_25 : vector<16xf32>
        %mul3A_1233 = arith.constant 2 : i32
        %mul3A_1234 = arith.muli %scan3A_776, %mul3A_1233 : i32
        %add3A_1235 = arith.constant 0 : i32
        %add3A_1236 = arith.addi %mul3A_1234, %add3A_1235 : i32
        %swap3A_1237 = arith.index_cast %add3A_1236 : i32 to index
        %swap3A_1238 = arith.constant 112 : index
        %swap3A_1239 = tpu.vector_load %arg11[%swap3A_1237, %swap3A_1238] {strides = array<i32>} : memref<128x128xf32, #tpu.memory_space<vmem>>, vector<1x16xf32>,
        %swap3A_1240 = vector.shape_cast %swap3A_1239 : vector<1x16xf32> to vector<16xf32>
        %swap3A_1241 = vector.shape_cast %add3A_1232 : vector<16xf32> to vector<1x16xf32>
        tpu.vector_store %arg11[%swap3A_1237, %swap3A_1238], %swap3A_1241 {strides = array<i32>} : memref<128x128xf32, #tpu.memory_space<vmem>>, vector<1x16xf32>,
        %gather3A_1242 = vector.shape_cast %reshape3A_60 : vector<16x1xi32> to vector<16xi32>
        %gather3A_1243 = tpu.dynamic_gather %mul3A_1099[%gather3A_1242] in [0] : vector<16xf32>, vector<16xi32> -> vector<16xf32>
        %gather3A_1244 = vector.shape_cast %reshape3A_60 : vector<16x1xi32> to vector<16xi32>
        %gather3A_1245 = tpu.dynamic_gather %mul3A_1129[%gather3A_1244] in [0] : vector<16xf32>, vector<16xi32> -> vector<16xf32>
        %sub3A_1246 = arith.subf %add3A_934, %gather3A_1243 : vector<16xf32>
        %mul3A_1247 = arith.mulf %sub3A_1246, %gather3A_1245 : vector<16xf32>
        %mul3A_1248 = arith.mulf %mul3A_1247, %get3A_4 : vector<16xf32>
        %add3A_1249 = arith.addf %mul3A_1248, %get3A_16 : vector<16xf32>
        %mul3A_1250 = arith.constant 2 : i32
        %mul3A_1251 = arith.muli %scan3A_776, %mul3A_1250 : i32
        %add3A_1252 = arith.constant 1 : i32
        %add3A_1253 = arith.addi %mul3A_1251, %add3A_1252 : i32
        %swap3A_1254 = arith.index_cast %add3A_1253 : i32 to index
        %swap3A_1255 = arith.constant 0 : index
        %swap3A_1256 = tpu.vector_load %arg11[%swap3A_1254, %swap3A_1255] {strides = array<i32>} : memref<128x128xf32, #tpu.memory_space<vmem>>, vector<1x16xf32>,
        %swap3A_1257 = vector.shape_cast %swap3A_1256 : vector<1x16xf32> to vector<16xf32>
        %swap3A_1258 = vector.shape_cast %add3A_1249 : vector<16xf32> to vector<1x16xf32>
        tpu.vector_store %arg11[%swap3A_1254, %swap3A_1255], %swap3A_1258 {strides = array<i32>} : memref<128x128xf32, #tpu.memory_space<vmem>>, vector<1x16xf32>,
        %sub3A_1259 = arith.subf %add3A_945, %gather3A_1243 : vector<16xf32>
        %mul3A_1260 = arith.mulf %sub3A_1259, %gather3A_1245 : vector<16xf32>
        %mul3A_1261 = arith.mulf %mul3A_1260, %get3A_7 : vector<16xf32>
        %add3A_1262 = arith.addf %mul3A_1261, %get3A_19 : vector<16xf32>
        %mul3A_1263 = arith.constant 2 : i32
        %mul3A_1264 = arith.muli %scan3A_776, %mul3A_1263 : i32
        %add3A_1265 = arith.constant 1 : i32
        %add3A_1266 = arith.addi %mul3A_1264, %add3A_1265 : i32
        %swap3A_1267 = arith.index_cast %add3A_1266 : i32 to index
        %swap3A_1268 = arith.constant 16 : index
        %swap3A_1269 = tpu.vector_load %arg11[%swap3A_1267, %swap3A_1268] {strides = array<i32>} : memref<128x128xf32, #tpu.memory_space<vmem>>, vector<1x16xf32>,
        %swap3A_1270 = vector.shape_cast %swap3A_1269 : vector<1x16xf32> to vector<16xf32>
        %swap3A_1271 = vector.shape_cast %add3A_1262 : vector<16xf32> to vector<1x16xf32>
        tpu.vector_store %arg11[%swap3A_1267, %swap3A_1268], %swap3A_1271 {strides = array<i32>} : memref<128x128xf32, #tpu.memory_space<vmem>>, vector<1x16xf32>,
        %sub3A_1272 = arith.subf %add3A_956, %gather3A_1243 : vector<16xf32>
        %mul3A_1273 = arith.mulf %sub3A_1272, %gather3A_1245 : vector<16xf32>
        %mul3A_1274 = arith.mulf %mul3A_1273, %get3A_10 : vector<16xf32>
        %add3A_1275 = arith.addf %mul3A_1274, %get3A_22 : vector<16xf32>
        %mul3A_1276 = arith.constant 2 : i32
        %mul3A_1277 = arith.muli %scan3A_776, %mul3A_1276 : i32
        %add3A_1278 = arith.constant 1 : i32
        %add3A_1279 = arith.addi %mul3A_1277, %add3A_1278 : i32
        %swap3A_1280 = arith.index_cast %add3A_1279 : i32 to index
        %swap3A_1281 = arith.constant 32 : index
        %swap3A_1282 = tpu.vector_load %arg11[%swap3A_1280, %swap3A_1281] {strides = array<i32>} : memref<128x128xf32, #tpu.memory_space<vmem>>, vector<1x16xf32>,
        %swap3A_1283 = vector.shape_cast %swap3A_1282 : vector<1x16xf32> to vector<16xf32>
        %swap3A_1284 = vector.shape_cast %add3A_1275 : vector<16xf32> to vector<1x16xf32>
        tpu.vector_store %arg11[%swap3A_1280, %swap3A_1281], %swap3A_1284 {strides = array<i32>} : memref<128x128xf32, #tpu.memory_space<vmem>>, vector<1x16xf32>,
        %sub3A_1285 = arith.subf %add3A_967, %gather3A_1243 : vector<16xf32>
        %mul3A_1286 = arith.mulf %sub3A_1285, %gather3A_1245 : vector<16xf32>
        %mul3A_1287 = arith.mulf %mul3A_1286, %get3A_13 : vector<16xf32>
        %add3A_1288 = arith.addf %mul3A_1287, %get3A_25 : vector<16xf32>
        %mul3A_1289 = arith.constant 2 : i32
        %mul3A_1290 = arith.muli %scan3A_776, %mul3A_1289 : i32
        %add3A_1291 = arith.constant 1 : i32
        %add3A_1292 = arith.addi %mul3A_1290, %add3A_1291 : i32
        %swap3A_1293 = arith.index_cast %add3A_1292 : i32 to index
        %swap3A_1294 = arith.constant 48 : index
        %swap3A_1295 = tpu.vector_load %arg11[%swap3A_1293, %swap3A_1294] {strides = array<i32>} : memref<128x128xf32, #tpu.memory_space<vmem>>, vector<1x16xf32>,
        %swap3A_1296 = vector.shape_cast %swap3A_1295 : vector<1x16xf32> to vector<16xf32>
        %swap3A_1297 = vector.shape_cast %add3A_1288 : vector<16xf32> to vector<1x16xf32>
        tpu.vector_store %arg11[%swap3A_1293, %swap3A_1294], %swap3A_1297 {strides = array<i32>} : memref<128x128xf32, #tpu.memory_space<vmem>>, vector<1x16xf32>,
        %gather3A_1298 = vector.shape_cast %reshape3A_64 : vector<16x1xi32> to vector<16xi32>
        %gather3A_1299 = tpu.dynamic_gather %mul3A_1099[%gather3A_1298] in [0] : vector<16xf32>, vector<16xi32> -> vector<16xf32>
        %gather3A_1300 = vector.shape_cast %reshape3A_64 : vector<16x1xi32> to vector<16xi32>
        %gather3A_1301 = tpu.dynamic_gather %mul3A_1129[%gather3A_1300] in [0] : vector<16xf32>, vector<16xi32> -> vector<16xf32>
        %sub3A_1302 = arith.subf %add3A_1000, %gather3A_1299 : vector<16xf32>
        %mul3A_1303 = arith.mulf %sub3A_1302, %gather3A_1301 : vector<16xf32>
        %mul3A_1304 = arith.mulf %mul3A_1303, %get3A_4 : vector<16xf32>
        %add3A_1305 = arith.addf %mul3A_1304, %get3A_16 : vector<16xf32>
        %mul3A_1306 = arith.constant 2 : i32
        %mul3A_1307 = arith.muli %scan3A_776, %mul3A_1306 : i32
        %add3A_1308 = arith.constant 1 : i32
        %add3A_1309 = arith.addi %mul3A_1307, %add3A_1308 : i32
        %swap3A_1310 = arith.index_cast %add3A_1309 : i32 to index
        %swap3A_1311 = arith.constant 64 : index
        %swap3A_1312 = tpu.vector_load %arg11[%swap3A_1310, %swap3A_1311] {strides = array<i32>} : memref<128x128xf32, #tpu.memory_space<vmem>>, vector<1x16xf32>,
        %swap3A_1313 = vector.shape_cast %swap3A_1312 : vector<1x16xf32> to vector<16xf32>
        %swap3A_1314 = vector.shape_cast %add3A_1305 : vector<16xf32> to vector<1x16xf32>
        tpu.vector_store %arg11[%swap3A_1310, %swap3A_1311], %swap3A_1314 {strides = array<i32>} : memref<128x128xf32, #tpu.memory_space<vmem>>, vector<1x16xf32>,
        %sub3A_1315 = arith.subf %add3A_1011, %gather3A_1299 : vector<16xf32>
        %mul3A_1316 = arith.mulf %sub3A_1315, %gather3A_1301 : vector<16xf32>
        %mul3A_1317 = arith.mulf %mul3A_1316, %get3A_7 : vector<16xf32>
        %add3A_1318 = arith.addf %mul3A_1317, %get3A_19 : vector<16xf32>
        %mul3A_1319 = arith.constant 2 : i32
        %mul3A_1320 = arith.muli %scan3A_776, %mul3A_1319 : i32
        %add3A_1321 = arith.constant 1 : i32
        %add3A_1322 = arith.addi %mul3A_1320, %add3A_1321 : i32
        %swap3A_1323 = arith.index_cast %add3A_1322 : i32 to index
        %swap3A_1324 = arith.constant 80 : index
        %swap3A_1325 = tpu.vector_load %arg11[%swap3A_1323, %swap3A_1324] {strides = array<i32>} : memref<128x128xf32, #tpu.memory_space<vmem>>, vector<1x16xf32>,
        %swap3A_1326 = vector.shape_cast %swap3A_1325 : vector<1x16xf32> to vector<16xf32>
        %swap3A_1327 = vector.shape_cast %add3A_1318 : vector<16xf32> to vector<1x16xf32>
        tpu.vector_store %arg11[%swap3A_1323, %swap3A_1324], %swap3A_1327 {strides = array<i32>} : memref<128x128xf32, #tpu.memory_space<vmem>>, vector<1x16xf32>,
        %sub3A_1328 = arith.subf %add3A_1022, %gather3A_1299 : vector<16xf32>
        %mul3A_1329 = arith.mulf %sub3A_1328, %gather3A_1301 : vector<16xf32>
        %mul3A_1330 = arith.mulf %mul3A_1329, %get3A_10 : vector<16xf32>
        %add3A_1331 = arith.addf %mul3A_1330, %get3A_22 : vector<16xf32>
        %mul3A_1332 = arith.constant 2 : i32
        %mul3A_1333 = arith.muli %scan3A_776, %mul3A_1332 : i32
        %add3A_1334 = arith.constant 1 : i32
        %add3A_1335 = arith.addi %mul3A_1333, %add3A_1334 : i32
        %swap3A_1336 = arith.index_cast %add3A_1335 : i32 to index
        %swap3A_1337 = arith.constant 96 : index
        %swap3A_1338 = tpu.vector_load %arg11[%swap3A_1336, %swap3A_1337] {strides = array<i32>} : memref<128x128xf32, #tpu.memory_space<vmem>>, vector<1x16xf32>,
        %swap3A_1339 = vector.shape_cast %swap3A_1338 : vector<1x16xf32> to vector<16xf32>
        %swap3A_1340 = vector.shape_cast %add3A_1331 : vector<16xf32> to vector<1x16xf32>
        tpu.vector_store %arg11[%swap3A_1336, %swap3A_1337], %swap3A_1340 {strides = array<i32>} : memref<128x128xf32, #tpu.memory_space<vmem>>, vector<1x16xf32>,
        %sub3A_1341 = arith.subf %add3A_1033, %gather3A_1299 : vector<16xf32>
        %mul3A_1342 = arith.mulf %sub3A_1341, %gather3A_1301 : vector<16xf32>
        %mul3A_1343 = arith.mulf %mul3A_1342, %get3A_13 : vector<16xf32>
        %add3A_1344 = arith.addf %mul3A_1343, %get3A_25 : vector<16xf32>
        %mul3A_1345 = arith.constant 2 : i32
        %mul3A_1346 = arith.muli %scan3A_776, %mul3A_1345 : i32
        %add3A_1347 = arith.constant 1 : i32
        %add3A_1348 = arith.addi %mul3A_1346, %add3A_1347 : i32
        %swap3A_1349 = arith.index_cast %add3A_1348 : i32 to index
        %swap3A_1350 = arith.constant 112 : index
        %swap3A_1351 = tpu.vector_load %arg11[%swap3A_1349, %swap3A_1350] {strides = array<i32>} : memref<128x128xf32, #tpu.memory_space<vmem>>, vector<1x16xf32>,
        %swap3A_1352 = vector.shape_cast %swap3A_1351 : vector<1x16xf32> to vector<16xf32>
        %swap3A_1353 = vector.shape_cast %add3A_1344 : vector<16xf32> to vector<1x16xf32>
        tpu.vector_store %arg11[%swap3A_1349, %swap3A_1350], %swap3A_1353 {strides = array<i32>} : memref<128x128xf32, #tpu.memory_space<vmem>>, vector<1x16xf32>,
        %scan3A_1354 = arith.constant 0 : i32
        scf.yield %scan3A_1354 : i32
      }
      %scan3A_114 = arith.constant 64 : i32
      %jit3A = arith.constant 2 : i32
      %div3A = arith.divsi %add3A_91, %jit3A : i32
      %sign3A = arith.constant 0 : i32
      %sign3A_115 = arith.cmpi sgt, %add3A_91, %sign3A : i32
      %sign3A_116 = arith.extui %sign3A_115 : i1 to i32
      %sign3A_117 = arith.constant 0 : i32
      %sign3A_118 = arith.cmpi slt, %add3A_91, %sign3A_117 : i32
      %sign3A_119 = arith.extui %sign3A_118 : i1 to i32
      %sign3A_120 = arith.subi %sign3A_116, %sign3A_119 : i32
      %sign3A_121 = arith.constant 0 : i32
      %sign3A_122 = arith.cmpi sgt, %jit3A, %sign3A_121 : i32
      %sign3A_123 = arith.extui %sign3A_122 : i1 to i32
      %sign3A_124 = arith.constant 0 : i32
      %sign3A_125 = arith.cmpi slt, %jit3A, %sign3A_124 : i32
      %sign3A_126 = arith.extui %sign3A_125 : i1 to i32
      %sign3A_127 = arith.subi %sign3A_123, %sign3A_126 : i32
      %ne3A = arith.cmpi ne, %sign3A_120, %sign3A_127 : i32
      %rem3A_128 = arith.remsi %add3A_91, %jit3A : i32
      %ne3A_129 = arith.constant 0 : i32
      %ne3A_130 = arith.cmpi ne, %rem3A_128, %ne3A_129 : i32
      %and3A_131 = arith.andi %ne3A, %ne3A_130 : i1
      %sub3A = arith.constant 1 : i32
      %sub3A_132 = arith.subi %div3A, %sub3A : i32
      %select_n3A = arith.select %and3A_131, %sub3A_132, %div3A : i32
      %dma_start3A_133 = arith.constant 0 : i32
      %dma_start3A_134 = tpu.memref_slice %arg7[%select_n3A, %dma_start3A_133] : memref<409600x128xf32, #tpu.memory_space<hbm>> -> memref<128x128xf32, #tpu.memory_space<hbm>>
      %dma_start3A_135 = arith.constant 0 : i32
      %dma_start3A_136 = tpu.memref_slice %arg7[%select_n3A, %dma_start3A_135] : memref<409600x128xf32, #tpu.memory_space<hbm>> -> memref<128x128xf32, #tpu.memory_space<hbm>>
      tpu.enqueue_dma source(%arg11 : memref<128x128xf32, #tpu.memory_space<vmem>>) target(%dma_start3A_136 : memref<128x128xf32, #tpu.memory_space<hbm>>) target_semaphore(%arg17 : memref<!tpu.dma_semaphore, #tpu.memory_space<semaphore_mem>>)
      %mul3A_137 = arith.constant 2 : i32
      %mul3A_138 = arith.muli %scan3A_83, %mul3A_137 : i32
      %add3A_139 = arith.constant 1 : i32
      %add3A_140 = arith.addi %mul3A_138, %add3A_139 : i32
      %mul3A_141 = arith.constant 256 : i32
      %mul3A_142 = arith.muli %add3A_140, %mul3A_141 : i32
      %add3A_143 = arith.addi %mul3A_2, %mul3A_142 : i32
      %dma_wait3A_144 = arith.constant 0 : i32
      %dma_wait3A_145 = arith.constant 0 : i32
      %dma_wait3A_146 = tpu.memref_slice %arg3[%dma_wait3A_144, %dma_wait3A_145] : memref<1000000x128xf32, #tpu.memory_space<hbm>> -> memref<256x128xf32, #tpu.memory_space<hbm>>
      %dma_wait3A_147 = arith.constant 0 : i32
      %dma_wait3A_148 = arith.constant 0 : i32
      %dma_wait3A_149 = tpu.memref_slice %arg3[%dma_wait3A_147, %dma_wait3A_148] : memref<1000000x128xf32, #tpu.memory_space<hbm>> -> memref<256x128xf32, #tpu.memory_space<hbm>>
      tpu.wait_dma2 semaphore(%arg16 : memref<!tpu.dma_semaphore, #tpu.memory_space<semaphore_mem>>) src(%dma_wait3A_149 : memref<256x128xf32, #tpu.memory_space<hbm>>) dst(%arg10 : memref<256x128xf32, #tpu.memory_space<vmem>>)
      %add3A_150 = arith.constant 1 : i32
      %add3A_151 = arith.addi %add3A_140, %add3A_150 : i32
      %lt3A_152 = arith.constant 100 : i32
      %lt3A_153 = arith.cmpi slt, %add3A_151, %lt3A_152 : i32
      %convert_element_type3A_154 = arith.extui %lt3A_153 : i1 to i32
      %cond3A_155 = arith.constant 0 : i32
      %cond3A_156 = arith.cmpi ne, %convert_element_type3A_154, %cond3A_155 : i32
      scf.if %cond3A_156 {
        %add3A_200 = arith.constant 1 : i32
        %add3A_201 = arith.addi %add3A_140, %add3A_200 : i32
        %dma_start3A_202 = arith.constant 0 : i32
        %dma_start3A_203 = tpu.memref_slice %arg8[%add3A_201, %dma_start3A_202] : memref<100x256xi32, #tpu.memory_space<vmem>> -> memref<1x256xi32, #tpu.memory_space<vmem>>
        %dma_start3A_204 = tpu.memref_squeeze %dma_start3A_203 : memref<1x256xi32, #tpu.memory_space<vmem>> -> memref<256xi32, #tpu.memory_space<vmem>>
        %dma_start3A_205 = arith.constant 0 : i32
        %dma_start3A_206 = arith.constant 0 : i32
        %dma_start3A_207 = tpu.memref_slice %arg3[%dma_start3A_205, %dma_start3A_206] : memref<1000000x128xf32, #tpu.memory_space<hbm>> -> memref<1000000x128xf32, #tpu.memory_space<hbm>>
        tpu.enqueue_indirect_dma source(%dma_start3A_207 : memref<1000000x128xf32, #tpu.memory_space<hbm>>) target(%arg9 : memref<256x128xf32, #tpu.memory_space<vmem>>) offsets(%dma_start3A_204 : memref<256xi32, #tpu.memory_space<vmem>>) semaphore(%arg15 : memref<!tpu.dma_semaphore, #tpu.memory_space<semaphore_mem>>)
      } else {
      }
      %ge3A_157 = arith.constant 1 : i32
      %ge3A_158 = arith.cmpi sge, %add3A_140, %ge3A_157 : i32
      %convert_element_type3A_159 = arith.extui %ge3A_158 : i1 to i32
      %cond3A_160 = arith.constant 0 : i32
      %cond3A_161 = arith.cmpi ne, %convert_element_type3A_159, %cond3A_160 : i32
      scf.if %cond3A_161 {
        %dma_wait3A_200 = arith.constant 0 : i32
        %dma_wait3A_201 = arith.constant 0 : i32
        %dma_wait3A_202 = tpu.memref_slice %arg7[%dma_wait3A_200, %dma_wait3A_201] : memref<409600x128xf32, #tpu.memory_space<hbm>> -> memref<128x128xf32, #tpu.memory_space<hbm>>
        %dma_wait3A_203 = arith.constant 0 : i32
        %dma_wait3A_204 = arith.constant 0 : i32
        %dma_wait3A_205 = tpu.memref_slice %arg7[%dma_wait3A_203, %dma_wait3A_204] : memref<409600x128xf32, #tpu.memory_space<hbm>> -> memref<128x128xf32, #tpu.memory_space<hbm>>
        tpu.wait_dma2 semaphore(%arg17 : memref<!tpu.dma_semaphore, #tpu.memory_space<semaphore_mem>>) src(%arg11 : memref<128x128xf32, #tpu.memory_space<vmem>>) dst(%dma_wait3A_205 : memref<128x128xf32, #tpu.memory_space<hbm>>)
      } else {
      }
      %rem3A_162 = arith.constant 200 : i32
      %rem3A_163 = arith.remsi %add3A_143, %rem3A_162 : i32
      %scan3A_164 = arith.constant 0 : i32
      %scan3A_165 = arith.constant 0 : i32
      %scan3A_166 = arith.constant 64 : i32
      %scan3A_167 = arith.addi %scan3A_165, %scan3A_166 : i32
      %scan3A_168 = arith.constant 2 : i32
      %scan3A_169 = scf.for %scan3A_200 = %scan3A_165 to %scan3A_167 step %scan3A_168 iter_args(%scan3A_201 = %scan3A_164) -> (i32)  : i32 {
        %mul3A_202 = arith.constant 4 : i32
        %mul3A_203 = arith.muli %scan3A_200, %mul3A_202 : i32
        %add3A_204 = arith.addi %rem3A_163, %mul3A_203 : i32
        %add3A_205 = arith.constant 0 : i32
        %add3A_206 = arith.addi %add3A_204, %add3A_205 : i32
        %lt3A_207 = arith.constant 200 : i32
        %lt3A_208 = arith.cmpi slt, %add3A_206, %lt3A_207 : i32
        %sub3A_209 = arith.constant 200 : i32
        %sub3A_210 = arith.subi %add3A_206, %sub3A_209 : i32
        %select_n3A_211 = arith.select %lt3A_208, %add3A_206, %sub3A_210 : i32
        %lt3A_212 = arith.constant 200 : i32
        %lt3A_213 = arith.cmpi slt, %select_n3A_211, %lt3A_212 : i32
        %sub3A_214 = arith.constant 200 : i32
        %sub3A_215 = arith.subi %select_n3A_211, %sub3A_214 : i32
        %select_n3A_216 = arith.select %lt3A_213, %select_n3A_211, %sub3A_215 : i32
        %add3A_217 = arith.constant 0 : i32
        %add3A_218 = arith.addi %mul3A_203, %add3A_217 : i32
        %get3A_219 = arith.index_cast %add3A_218 : i32 to index
        %get3A_220 = arith.constant 0 : index
        %get3A_221 = tpu.vector_load %arg10[%get3A_219, %get3A_220] {strides = array<i32>} : memref<256x128xf32, #tpu.memory_space<vmem>>, vector<1x16xf32>,
        %get3A_222 = vector.shape_cast %get3A_221 : vector<1x16xf32> to vector<16xf32>
        %get3A_223 = arith.index_cast %select_n3A_216 : i32 to index
        %get3A_224 = arith.constant 0 : index
        %get3A_225 = tpu.vector_load %arg12[%get3A_223, %get3A_224] {strides = array<i32>} : memref<200x64xf32, #tpu.memory_space<vmem>>, vector<1x16xf32>,
        %get3A_226 = vector.shape_cast %get3A_225 : vector<1x16xf32> to vector<16xf32>
        %add3A_227 = arith.addf %get3A_222, %get3A_226 : vector<16xf32>
        %add3A_228 = arith.constant 0 : i32
        %add3A_229 = arith.addi %mul3A_203, %add3A_228 : i32
        %get3A_230 = arith.index_cast %add3A_229 : i32 to index
        %get3A_231 = arith.constant 16 : index
        %get3A_232 = tpu.vector_load %arg10[%get3A_230, %get3A_231] {strides = array<i32>} : memref<256x128xf32, #tpu.memory_space<vmem>>, vector<1x16xf32>,
        %get3A_233 = vector.shape_cast %get3A_232 : vector<1x16xf32> to vector<16xf32>
        %get3A_234 = arith.index_cast %select_n3A_216 : i32 to index
        %get3A_235 = arith.constant 16 : index
        %get3A_236 = tpu.vector_load %arg12[%get3A_234, %get3A_235] {strides = array<i32>} : memref<200x64xf32, #tpu.memory_space<vmem>>, vector<1x16xf32>,
        %get3A_237 = vector.shape_cast %get3A_236 : vector<1x16xf32> to vector<16xf32>
        %add3A_238 = arith.addf %get3A_233, %get3A_237 : vector<16xf32>
        %add3A_239 = arith.constant 0 : i32
        %add3A_240 = arith.addi %mul3A_203, %add3A_239 : i32
        %get3A_241 = arith.index_cast %add3A_240 : i32 to index
        %get3A_242 = arith.constant 32 : index
        %get3A_243 = tpu.vector_load %arg10[%get3A_241, %get3A_242] {strides = array<i32>} : memref<256x128xf32, #tpu.memory_space<vmem>>, vector<1x16xf32>,
        %get3A_244 = vector.shape_cast %get3A_243 : vector<1x16xf32> to vector<16xf32>
        %get3A_245 = arith.index_cast %select_n3A_216 : i32 to index
        %get3A_246 = arith.constant 32 : index
        %get3A_247 = tpu.vector_load %arg12[%get3A_245, %get3A_246] {strides = array<i32>} : memref<200x64xf32, #tpu.memory_space<vmem>>, vector<1x16xf32>,
        %get3A_248 = vector.shape_cast %get3A_247 : vector<1x16xf32> to vector<16xf32>
        %add3A_249 = arith.addf %get3A_244, %get3A_248 : vector<16xf32>
        %add3A_250 = arith.constant 0 : i32
        %add3A_251 = arith.addi %mul3A_203, %add3A_250 : i32
        %get3A_252 = arith.index_cast %add3A_251 : i32 to index
        %get3A_253 = arith.constant 48 : index
        %get3A_254 = tpu.vector_load %arg10[%get3A_252, %get3A_253] {strides = array<i32>} : memref<256x128xf32, #tpu.memory_space<vmem>>, vector<1x16xf32>,
        %get3A_255 = vector.shape_cast %get3A_254 : vector<1x16xf32> to vector<16xf32>
        %get3A_256 = arith.index_cast %select_n3A_216 : i32 to index
        %get3A_257 = arith.constant 48 : index
        %get3A_258 = tpu.vector_load %arg12[%get3A_256, %get3A_257] {strides = array<i32>} : memref<200x64xf32, #tpu.memory_space<vmem>>, vector<1x16xf32>,
        %get3A_259 = vector.shape_cast %get3A_258 : vector<1x16xf32> to vector<16xf32>
        %add3A_260 = arith.addf %get3A_255, %get3A_259 : vector<16xf32>
        %add3A_261 = arith.addf %add3A_227, %add3A_238 : vector<16xf32>
        %add3A_262 = arith.addf %add3A_249, %add3A_260 : vector<16xf32>
        %add3A_263 = arith.addf %add3A_261, %add3A_262 : vector<16xf32>
        %mul3A_264 = arith.mulf %add3A_227, %add3A_227 : vector<16xf32>
        %mul3A_265 = arith.mulf %add3A_238, %add3A_238 : vector<16xf32>
        %add3A_266 = arith.addf %mul3A_264, %mul3A_265 : vector<16xf32>
        %mul3A_267 = arith.mulf %add3A_249, %add3A_249 : vector<16xf32>
        %mul3A_268 = arith.mulf %add3A_260, %add3A_260 : vector<16xf32>
        %add3A_269 = arith.addf %mul3A_267, %mul3A_268 : vector<16xf32>
        %add3A_270 = arith.addf %add3A_266, %add3A_269 : vector<16xf32>
        %add3A_271 = arith.constant 1 : i32
        %add3A_272 = arith.addi %add3A_204, %add3A_271 : i32
        %lt3A_273 = arith.constant 200 : i32
        %lt3A_274 = arith.cmpi slt, %add3A_272, %lt3A_273 : i32
        %sub3A_275 = arith.constant 200 : i32
        %sub3A_276 = arith.subi %add3A_272, %sub3A_275 : i32
        %select_n3A_277 = arith.select %lt3A_274, %add3A_272, %sub3A_276 : i32
        %lt3A_278 = arith.constant 200 : i32
        %lt3A_279 = arith.cmpi slt, %select_n3A_277, %lt3A_278 : i32
        %sub3A_280 = arith.constant 200 : i32
        %sub3A_281 = arith.subi %select_n3A_277, %sub3A_280 : i32
        %select_n3A_282 = arith.select %lt3A_279, %select_n3A_277, %sub3A_281 : i32
        %add3A_283 = arith.constant 1 : i32
        %add3A_284 = arith.addi %mul3A_203, %add3A_283 : i32
        %get3A_285 = arith.index_cast %add3A_284 : i32 to index
        %get3A_286 = arith.constant 0 : index
        %get3A_287 = tpu.vector_load %arg10[%get3A_285, %get3A_286] {strides = array<i32>} : memref<256x128xf32, #tpu.memory_space<vmem>>, vector<1x16xf32>,
        %get3A_288 = vector.shape_cast %get3A_287 : vector<1x16xf32> to vector<16xf32>
        %get3A_289 = arith.index_cast %select_n3A_282 : i32 to index
        %get3A_290 = arith.constant 0 : index
        %get3A_291 = tpu.vector_load %arg12[%get3A_289, %get3A_290] {strides = array<i32>} : memref<200x64xf32, #tpu.memory_space<vmem>>, vector<1x16xf32>,
        %get3A_292 = vector.shape_cast %get3A_291 : vector<1x16xf32> to vector<16xf32>
        %add3A_293 = arith.addf %get3A_288, %get3A_292 : vector<16xf32>
        %add3A_294 = arith.constant 1 : i32
        %add3A_295 = arith.addi %mul3A_203, %add3A_294 : i32
        %get3A_296 = arith.index_cast %add3A_295 : i32 to index
        %get3A_297 = arith.constant 16 : index
        %get3A_298 = tpu.vector_load %arg10[%get3A_296, %get3A_297] {strides = array<i32>} : memref<256x128xf32, #tpu.memory_space<vmem>>, vector<1x16xf32>,
        %get3A_299 = vector.shape_cast %get3A_298 : vector<1x16xf32> to vector<16xf32>
        %get3A_300 = arith.index_cast %select_n3A_282 : i32 to index
        %get3A_301 = arith.constant 16 : index
        %get3A_302 = tpu.vector_load %arg12[%get3A_300, %get3A_301] {strides = array<i32>} : memref<200x64xf32, #tpu.memory_space<vmem>>, vector<1x16xf32>,
        %get3A_303 = vector.shape_cast %get3A_302 : vector<1x16xf32> to vector<16xf32>
        %add3A_304 = arith.addf %get3A_299, %get3A_303 : vector<16xf32>
        %add3A_305 = arith.constant 1 : i32
        %add3A_306 = arith.addi %mul3A_203, %add3A_305 : i32
        %get3A_307 = arith.index_cast %add3A_306 : i32 to index
        %get3A_308 = arith.constant 32 : index
        %get3A_309 = tpu.vector_load %arg10[%get3A_307, %get3A_308] {strides = array<i32>} : memref<256x128xf32, #tpu.memory_space<vmem>>, vector<1x16xf32>,
        %get3A_310 = vector.shape_cast %get3A_309 : vector<1x16xf32> to vector<16xf32>
        %get3A_311 = arith.index_cast %select_n3A_282 : i32 to index
        %get3A_312 = arith.constant 32 : index
        %get3A_313 = tpu.vector_load %arg12[%get3A_311, %get3A_312] {strides = array<i32>} : memref<200x64xf32, #tpu.memory_space<vmem>>, vector<1x16xf32>,
        %get3A_314 = vector.shape_cast %get3A_313 : vector<1x16xf32> to vector<16xf32>
        %add3A_315 = arith.addf %get3A_310, %get3A_314 : vector<16xf32>
        %add3A_316 = arith.constant 1 : i32
        %add3A_317 = arith.addi %mul3A_203, %add3A_316 : i32
        %get3A_318 = arith.index_cast %add3A_317 : i32 to index
        %get3A_319 = arith.constant 48 : index
        %get3A_320 = tpu.vector_load %arg10[%get3A_318, %get3A_319] {strides = array<i32>} : memref<256x128xf32, #tpu.memory_space<vmem>>, vector<1x16xf32>,
        %get3A_321 = vector.shape_cast %get3A_320 : vector<1x16xf32> to vector<16xf32>
        %get3A_322 = arith.index_cast %select_n3A_282 : i32 to index
        %get3A_323 = arith.constant 48 : index
        %get3A_324 = tpu.vector_load %arg12[%get3A_322, %get3A_323] {strides = array<i32>} : memref<200x64xf32, #tpu.memory_space<vmem>>, vector<1x16xf32>,
        %get3A_325 = vector.shape_cast %get3A_324 : vector<1x16xf32> to vector<16xf32>
        %add3A_326 = arith.addf %get3A_321, %get3A_325 : vector<16xf32>
        %add3A_327 = arith.addf %add3A_293, %add3A_304 : vector<16xf32>
        %add3A_328 = arith.addf %add3A_315, %add3A_326 : vector<16xf32>
        %add3A_329 = arith.addf %add3A_327, %add3A_328 : vector<16xf32>
        %mul3A_330 = arith.mulf %add3A_293, %add3A_293 : vector<16xf32>
        %mul3A_331 = arith.mulf %add3A_304, %add3A_304 : vector<16xf32>
        %add3A_332 = arith.addf %mul3A_330, %mul3A_331 : vector<16xf32>
        %mul3A_333 = arith.mulf %add3A_315, %add3A_315 : vector<16xf32>
        %mul3A_334 = arith.mulf %add3A_326, %add3A_326 : vector<16xf32>
        %add3A_335 = arith.addf %mul3A_333, %mul3A_334 : vector<16xf32>
        %add3A_336 = arith.addf %add3A_332, %add3A_335 : vector<16xf32>
        %add3A_337 = arith.constant 2 : i32
        %add3A_338 = arith.addi %add3A_204, %add3A_337 : i32
        %lt3A_339 = arith.constant 200 : i32
        %lt3A_340 = arith.cmpi slt, %add3A_338, %lt3A_339 : i32
        %sub3A_341 = arith.constant 200 : i32
        %sub3A_342 = arith.subi %add3A_338, %sub3A_341 : i32
        %select_n3A_343 = arith.select %lt3A_340, %add3A_338, %sub3A_342 : i32
        %lt3A_344 = arith.constant 200 : i32
        %lt3A_345 = arith.cmpi slt, %select_n3A_343, %lt3A_344 : i32
        %sub3A_346 = arith.constant 200 : i32
        %sub3A_347 = arith.subi %select_n3A_343, %sub3A_346 : i32
        %select_n3A_348 = arith.select %lt3A_345, %select_n3A_343, %sub3A_347 : i32
        %add3A_349 = arith.constant 2 : i32
        %add3A_350 = arith.addi %mul3A_203, %add3A_349 : i32
        %get3A_351 = arith.index_cast %add3A_350 : i32 to index
        %get3A_352 = arith.constant 0 : index
        %get3A_353 = tpu.vector_load %arg10[%get3A_351, %get3A_352] {strides = array<i32>} : memref<256x128xf32, #tpu.memory_space<vmem>>, vector<1x16xf32>,
        %get3A_354 = vector.shape_cast %get3A_353 : vector<1x16xf32> to vector<16xf32>
        %get3A_355 = arith.index_cast %select_n3A_348 : i32 to index
        %get3A_356 = arith.constant 0 : index
        %get3A_357 = tpu.vector_load %arg12[%get3A_355, %get3A_356] {strides = array<i32>} : memref<200x64xf32, #tpu.memory_space<vmem>>, vector<1x16xf32>,
        %get3A_358 = vector.shape_cast %get3A_357 : vector<1x16xf32> to vector<16xf32>
        %add3A_359 = arith.addf %get3A_354, %get3A_358 : vector<16xf32>
        %add3A_360 = arith.constant 2 : i32
        %add3A_361 = arith.addi %mul3A_203, %add3A_360 : i32
        %get3A_362 = arith.index_cast %add3A_361 : i32 to index
        %get3A_363 = arith.constant 16 : index
        %get3A_364 = tpu.vector_load %arg10[%get3A_362, %get3A_363] {strides = array<i32>} : memref<256x128xf32, #tpu.memory_space<vmem>>, vector<1x16xf32>,
        %get3A_365 = vector.shape_cast %get3A_364 : vector<1x16xf32> to vector<16xf32>
        %get3A_366 = arith.index_cast %select_n3A_348 : i32 to index
        %get3A_367 = arith.constant 16 : index
        %get3A_368 = tpu.vector_load %arg12[%get3A_366, %get3A_367] {strides = array<i32>} : memref<200x64xf32, #tpu.memory_space<vmem>>, vector<1x16xf32>,
        %get3A_369 = vector.shape_cast %get3A_368 : vector<1x16xf32> to vector<16xf32>
        %add3A_370 = arith.addf %get3A_365, %get3A_369 : vector<16xf32>
        %add3A_371 = arith.constant 2 : i32
        %add3A_372 = arith.addi %mul3A_203, %add3A_371 : i32
        %get3A_373 = arith.index_cast %add3A_372 : i32 to index
        %get3A_374 = arith.constant 32 : index
        %get3A_375 = tpu.vector_load %arg10[%get3A_373, %get3A_374] {strides = array<i32>} : memref<256x128xf32, #tpu.memory_space<vmem>>, vector<1x16xf32>,
        %get3A_376 = vector.shape_cast %get3A_375 : vector<1x16xf32> to vector<16xf32>
        %get3A_377 = arith.index_cast %select_n3A_348 : i32 to index
        %get3A_378 = arith.constant 32 : index
        %get3A_379 = tpu.vector_load %arg12[%get3A_377, %get3A_378] {strides = array<i32>} : memref<200x64xf32, #tpu.memory_space<vmem>>, vector<1x16xf32>,
        %get3A_380 = vector.shape_cast %get3A_379 : vector<1x16xf32> to vector<16xf32>
        %add3A_381 = arith.addf %get3A_376, %get3A_380 : vector<16xf32>
        %add3A_382 = arith.constant 2 : i32
        %add3A_383 = arith.addi %mul3A_203, %add3A_382 : i32
        %get3A_384 = arith.index_cast %add3A_383 : i32 to index
        %get3A_385 = arith.constant 48 : index
        %get3A_386 = tpu.vector_load %arg10[%get3A_384, %get3A_385] {strides = array<i32>} : memref<256x128xf32, #tpu.memory_space<vmem>>, vector<1x16xf32>,
        %get3A_387 = vector.shape_cast %get3A_386 : vector<1x16xf32> to vector<16xf32>
        %get3A_388 = arith.index_cast %select_n3A_348 : i32 to index
        %get3A_389 = arith.constant 48 : index
        %get3A_390 = tpu.vector_load %arg12[%get3A_388, %get3A_389] {strides = array<i32>} : memref<200x64xf32, #tpu.memory_space<vmem>>, vector<1x16xf32>,
        %get3A_391 = vector.shape_cast %get3A_390 : vector<1x16xf32> to vector<16xf32>
        %add3A_392 = arith.addf %get3A_387, %get3A_391 : vector<16xf32>
        %add3A_393 = arith.addf %add3A_359, %add3A_370 : vector<16xf32>
        %add3A_394 = arith.addf %add3A_381, %add3A_392 : vector<16xf32>
        %add3A_395 = arith.addf %add3A_393, %add3A_394 : vector<16xf32>
        %mul3A_396 = arith.mulf %add3A_359, %add3A_359 : vector<16xf32>
        %mul3A_397 = arith.mulf %add3A_370, %add3A_370 : vector<16xf32>
        %add3A_398 = arith.addf %mul3A_396, %mul3A_397 : vector<16xf32>
        %mul3A_399 = arith.mulf %add3A_381, %add3A_381 : vector<16xf32>
        %mul3A_400 = arith.mulf %add3A_392, %add3A_392 : vector<16xf32>
        %add3A_401 = arith.addf %mul3A_399, %mul3A_400 : vector<16xf32>
        %add3A_402 = arith.addf %add3A_398, %add3A_401 : vector<16xf32>
        %add3A_403 = arith.constant 3 : i32
        %add3A_404 = arith.addi %add3A_204, %add3A_403 : i32
        %lt3A_405 = arith.constant 200 : i32
        %lt3A_406 = arith.cmpi slt, %add3A_404, %lt3A_405 : i32
        %sub3A_407 = arith.constant 200 : i32
        %sub3A_408 = arith.subi %add3A_404, %sub3A_407 : i32
        %select_n3A_409 = arith.select %lt3A_406, %add3A_404, %sub3A_408 : i32
        %lt3A_410 = arith.constant 200 : i32
        %lt3A_411 = arith.cmpi slt, %select_n3A_409, %lt3A_410 : i32
        %sub3A_412 = arith.constant 200 : i32
        %sub3A_413 = arith.subi %select_n3A_409, %sub3A_412 : i32
        %select_n3A_414 = arith.select %lt3A_411, %select_n3A_409, %sub3A_413 : i32
        %add3A_415 = arith.constant 3 : i32
        %add3A_416 = arith.addi %mul3A_203, %add3A_415 : i32
        %get3A_417 = arith.index_cast %add3A_416 : i32 to index
        %get3A_418 = arith.constant 0 : index
        %get3A_419 = tpu.vector_load %arg10[%get3A_417, %get3A_418] {strides = array<i32>} : memref<256x128xf32, #tpu.memory_space<vmem>>, vector<1x16xf32>,
        %get3A_420 = vector.shape_cast %get3A_419 : vector<1x16xf32> to vector<16xf32>
        %get3A_421 = arith.index_cast %select_n3A_414 : i32 to index
        %get3A_422 = arith.constant 0 : index
        %get3A_423 = tpu.vector_load %arg12[%get3A_421, %get3A_422] {strides = array<i32>} : memref<200x64xf32, #tpu.memory_space<vmem>>, vector<1x16xf32>,
        %get3A_424 = vector.shape_cast %get3A_423 : vector<1x16xf32> to vector<16xf32>
        %add3A_425 = arith.addf %get3A_420, %get3A_424 : vector<16xf32>
        %add3A_426 = arith.constant 3 : i32
        %add3A_427 = arith.addi %mul3A_203, %add3A_426 : i32
        %get3A_428 = arith.index_cast %add3A_427 : i32 to index
        %get3A_429 = arith.constant 16 : index
        %get3A_430 = tpu.vector_load %arg10[%get3A_428, %get3A_429] {strides = array<i32>} : memref<256x128xf32, #tpu.memory_space<vmem>>, vector<1x16xf32>,
        %get3A_431 = vector.shape_cast %get3A_430 : vector<1x16xf32> to vector<16xf32>
        %get3A_432 = arith.index_cast %select_n3A_414 : i32 to index
        %get3A_433 = arith.constant 16 : index
        %get3A_434 = tpu.vector_load %arg12[%get3A_432, %get3A_433] {strides = array<i32>} : memref<200x64xf32, #tpu.memory_space<vmem>>, vector<1x16xf32>,
        %get3A_435 = vector.shape_cast %get3A_434 : vector<1x16xf32> to vector<16xf32>
        %add3A_436 = arith.addf %get3A_431, %get3A_435 : vector<16xf32>
        %add3A_437 = arith.constant 3 : i32
        %add3A_438 = arith.addi %mul3A_203, %add3A_437 : i32
        %get3A_439 = arith.index_cast %add3A_438 : i32 to index
        %get3A_440 = arith.constant 32 : index
        %get3A_441 = tpu.vector_load %arg10[%get3A_439, %get3A_440] {strides = array<i32>} : memref<256x128xf32, #tpu.memory_space<vmem>>, vector<1x16xf32>,
        %get3A_442 = vector.shape_cast %get3A_441 : vector<1x16xf32> to vector<16xf32>
        %get3A_443 = arith.index_cast %select_n3A_414 : i32 to index
        %get3A_444 = arith.constant 32 : index
        %get3A_445 = tpu.vector_load %arg12[%get3A_443, %get3A_444] {strides = array<i32>} : memref<200x64xf32, #tpu.memory_space<vmem>>, vector<1x16xf32>,
        %get3A_446 = vector.shape_cast %get3A_445 : vector<1x16xf32> to vector<16xf32>
        %add3A_447 = arith.addf %get3A_442, %get3A_446 : vector<16xf32>
        %add3A_448 = arith.constant 3 : i32
        %add3A_449 = arith.addi %mul3A_203, %add3A_448 : i32
        %get3A_450 = arith.index_cast %add3A_449 : i32 to index
        %get3A_451 = arith.constant 48 : index
        %get3A_452 = tpu.vector_load %arg10[%get3A_450, %get3A_451] {strides = array<i32>} : memref<256x128xf32, #tpu.memory_space<vmem>>, vector<1x16xf32>,
        %get3A_453 = vector.shape_cast %get3A_452 : vector<1x16xf32> to vector<16xf32>
        %get3A_454 = arith.index_cast %select_n3A_414 : i32 to index
        %get3A_455 = arith.constant 48 : index
        %get3A_456 = tpu.vector_load %arg12[%get3A_454, %get3A_455] {strides = array<i32>} : memref<200x64xf32, #tpu.memory_space<vmem>>, vector<1x16xf32>,
        %get3A_457 = vector.shape_cast %get3A_456 : vector<1x16xf32> to vector<16xf32>
        %add3A_458 = arith.addf %get3A_453, %get3A_457 : vector<16xf32>
        %add3A_459 = arith.addf %add3A_425, %add3A_436 : vector<16xf32>
        %add3A_460 = arith.addf %add3A_447, %add3A_458 : vector<16xf32>
        %add3A_461 = arith.addf %add3A_459, %add3A_460 : vector<16xf32>
        %mul3A_462 = arith.mulf %add3A_425, %add3A_425 : vector<16xf32>
        %mul3A_463 = arith.mulf %add3A_436, %add3A_436 : vector<16xf32>
        %add3A_464 = arith.addf %mul3A_462, %mul3A_463 : vector<16xf32>
        %mul3A_465 = arith.mulf %add3A_447, %add3A_447 : vector<16xf32>
        %mul3A_466 = arith.mulf %add3A_458, %add3A_458 : vector<16xf32>
        %add3A_467 = arith.addf %mul3A_465, %mul3A_466 : vector<16xf32>
        %add3A_468 = arith.addf %add3A_464, %add3A_467 : vector<16xf32>
        %gather3A = vector.shape_cast %reshape3A : vector<16x1xi32> to vector<16xi32>
        %gather3A_469 = tpu.dynamic_gather %add3A_263[%gather3A] in [0] : vector<16xf32>, vector<16xi32> -> vector<16xf32>
        %add3A_470 = arith.addf %add3A_263, %gather3A_469 : vector<16xf32>
        %gather3A_471 = vector.shape_cast %reshape3A : vector<16x1xi32> to vector<16xi32>
        %gather3A_472 = tpu.dynamic_gather %add3A_329[%gather3A_471] in [0] : vector<16xf32>, vector<16xi32> -> vector<16xf32>
        %add3A_473 = arith.addf %add3A_329, %gather3A_472 : vector<16xf32>
        %gather3A_474 = vector.shape_cast %reshape3A : vector<16x1xi32> to vector<16xi32>
        %gather3A_475 = tpu.dynamic_gather %add3A_395[%gather3A_474] in [0] : vector<16xf32>, vector<16xi32> -> vector<16xf32>
        %add3A_476 = arith.addf %add3A_395, %gather3A_475 : vector<16xf32>
        %gather3A_477 = vector.shape_cast %reshape3A : vector<16x1xi32> to vector<16xi32>
        %gather3A_478 = tpu.dynamic_gather %add3A_461[%gather3A_477] in [0] : vector<16xf32>, vector<16xi32> -> vector<16xf32>
        %add3A_479 = arith.addf %add3A_461, %gather3A_478 : vector<16xf32>
        %select_n3A_480 = arith.select %lt3A_41, %add3A_470, %add3A_473 : vector<16xi1>, vector<16xf32>
        %select_n3A_481 = arith.select %lt3A_41, %add3A_476, %add3A_479 : vector<16xi1>, vector<16xf32>
        %gather3A_482 = vector.shape_cast %reshape3A_31 : vector<16x1xi32> to vector<16xi32>
        %gather3A_483 = tpu.dynamic_gather %select_n3A_480[%gather3A_482] in [0] : vector<16xf32>, vector<16xi32> -> vector<16xf32>
        %add3A_484 = arith.addf %select_n3A_480, %gather3A_483 : vector<16xf32>
        %gather3A_485 = vector.shape_cast %reshape3A_31 : vector<16x1xi32> to vector<16xi32>
        %gather3A_486 = tpu.dynamic_gather %select_n3A_481[%gather3A_485] in [0] : vector<16xf32>, vector<16xi32> -> vector<16xf32>
        %add3A_487 = arith.addf %select_n3A_481, %gather3A_486 : vector<16xf32>
        %select_n3A_488 = arith.select %eq3A_45, %add3A_484, %add3A_487 : vector<16xi1>, vector<16xf32>
        %gather3A_489 = vector.shape_cast %reshape3A_35 : vector<16x1xi32> to vector<16xi32>
        %gather3A_490 = tpu.dynamic_gather %select_n3A_488[%gather3A_489] in [0] : vector<16xf32>, vector<16xi32> -> vector<16xf32>
        %add3A_491 = arith.addf %select_n3A_488, %gather3A_490 : vector<16xf32>
        %gather3A_492 = vector.shape_cast %reshape3A_39 : vector<16x1xi32> to vector<16xi32>
        %gather3A_493 = tpu.dynamic_gather %add3A_491[%gather3A_492] in [0] : vector<16xf32>, vector<16xi32> -> vector<16xf32>
        %add3A_494 = arith.addf %add3A_491, %gather3A_493 : vector<16xf32>
        %gather3A_495 = vector.shape_cast %reshape3A : vector<16x1xi32> to vector<16xi32>
        %gather3A_496 = tpu.dynamic_gather %add3A_270[%gather3A_495] in [0] : vector<16xf32>, vector<16xi32> -> vector<16xf32>
        %add3A_497 = arith.addf %add3A_270, %gather3A_496 : vector<16xf32>
        %gather3A_498 = vector.shape_cast %reshape3A : vector<16x1xi32> to vector<16xi32>
        %gather3A_499 = tpu.dynamic_gather %add3A_336[%gather3A_498] in [0] : vector<16xf32>, vector<16xi32> -> vector<16xf32>
        %add3A_500 = arith.addf %add3A_336, %gather3A_499 : vector<16xf32>
        %gather3A_501 = vector.shape_cast %reshape3A : vector<16x1xi32> to vector<16xi32>
        %gather3A_502 = tpu.dynamic_gather %add3A_402[%gather3A_501] in [0] : vector<16xf32>, vector<16xi32> -> vector<16xf32>
        %add3A_503 = arith.addf %add3A_402, %gather3A_502 : vector<16xf32>
        %gather3A_504 = vector.shape_cast %reshape3A : vector<16x1xi32> to vector<16xi32>
        %gather3A_505 = tpu.dynamic_gather %add3A_468[%gather3A_504] in [0] : vector<16xf32>, vector<16xi32> -> vector<16xf32>
        %add3A_506 = arith.addf %add3A_468, %gather3A_505 : vector<16xf32>
        %select_n3A_507 = arith.select %lt3A_41, %add3A_497, %add3A_500 : vector<16xi1>, vector<16xf32>
        %select_n3A_508 = arith.select %lt3A_41, %add3A_503, %add3A_506 : vector<16xi1>, vector<16xf32>
        %gather3A_509 = vector.shape_cast %reshape3A_31 : vector<16x1xi32> to vector<16xi32>
        %gather3A_510 = tpu.dynamic_gather %select_n3A_507[%gather3A_509] in [0] : vector<16xf32>, vector<16xi32> -> vector<16xf32>
        %add3A_511 = arith.addf %select_n3A_507, %gather3A_510 : vector<16xf32>
        %gather3A_512 = vector.shape_cast %reshape3A_31 : vector<16x1xi32> to vector<16xi32>
        %gather3A_513 = tpu.dynamic_gather %select_n3A_508[%gather3A_512] in [0] : vector<16xf32>, vector<16xi32> -> vector<16xf32>
        %add3A_514 = arith.addf %select_n3A_508, %gather3A_513 : vector<16xf32>
        %select_n3A_515 = arith.select %eq3A_45, %add3A_511, %add3A_514 : vector<16xi1>, vector<16xf32>
        %gather3A_516 = vector.shape_cast %reshape3A_35 : vector<16x1xi32> to vector<16xi32>
        %gather3A_517 = tpu.dynamic_gather %select_n3A_515[%gather3A_516] in [0] : vector<16xf32>, vector<16xi32> -> vector<16xf32>
        %add3A_518 = arith.addf %select_n3A_515, %gather3A_517 : vector<16xf32>
        %gather3A_519 = vector.shape_cast %reshape3A_39 : vector<16x1xi32> to vector<16xi32>
        %gather3A_520 = tpu.dynamic_gather %add3A_518[%gather3A_519] in [0] : vector<16xf32>, vector<16xi32> -> vector<16xf32>
        %add3A_521 = arith.addf %add3A_518, %gather3A_520 : vector<16xf32>
        %mul3A_522 = vector.broadcast %scan3A : f32 to vector<16xf32>
        %mul3A_523 = arith.mulf %add3A_494, %mul3A_522 : vector<16xf32>
        %mul3A_524 = vector.broadcast %scan3A : f32 to vector<16xf32>
        %mul3A_525 = arith.mulf %add3A_521, %mul3A_524 : vector<16xf32>
        %mul3A_526 = arith.mulf %mul3A_523, %mul3A_523 : vector<16xf32>
        %sub3A_527 = arith.subf %mul3A_525, %mul3A_526 : vector<16xf32>
        %add3A_528 = arith.constant 9.99999974E-6 : f32
        %add3A_529 = vector.broadcast %add3A_528 : f32 to vector<16xf32>
        %add3A_530 = arith.addf %sub3A_527, %add3A_529 : vector<16xf32>
        %bitcast_convert_type3A = tpu.bitcast %add3A_530 : vector<16xf32> -> vector<16xi32>
        %broadcast_in_dim3A = arith.constant 1597463007 : i32
        %broadcast_in_dim3A_531 = vector.broadcast %broadcast_in_dim3A : i32 to vector<16xi32>
        %shift_right_logical3A = arith.constant 1 : i32
        %shift_right_logical3A_532 = vector.broadcast %shift_right_logical3A : i32 to vector<16xi32>
        %shift_right_logical3A_533 = arith.shrui %bitcast_convert_type3A, %shift_right_logical3A_532 : vector<16xi32>
        %sub3A_534 = arith.subi %broadcast_in_dim3A_531, %shift_right_logical3A_533 : vector<16xi32>
        %bitcast_convert_type3A_535 = tpu.bitcast %sub3A_534 : vector<16xi32> -> vector<16xf32>
        %mul3A_536 = arith.constant 5.000000e-01 : f32
        %mul3A_537 = vector.broadcast %mul3A_536 : f32 to vector<16xf32>
        %mul3A_538 = arith.mulf %add3A_530, %mul3A_537 : vector<16xf32>
        %mul3A_539 = arith.mulf %mul3A_538, %bitcast_convert_type3A_535 : vector<16xf32>
        %mul3A_540 = arith.mulf %mul3A_539, %bitcast_convert_type3A_535 : vector<16xf32>
        %sub3A_541 = arith.constant 1.500000e+00 : f32
        %sub3A_542 = vector.broadcast %sub3A_541 : f32 to vector<16xf32>
        %sub3A_543 = arith.subf %sub3A_542, %mul3A_540 : vector<16xf32>
        %mul3A_544 = arith.mulf %bitcast_convert_type3A_535, %sub3A_543 : vector<16xf32>
        %mul3A_545 = arith.mulf %mul3A_538, %mul3A_544 : vector<16xf32>
        %mul3A_546 = arith.mulf %mul3A_545, %mul3A_544 : vector<16xf32>
        %sub3A_547 = arith.constant 1.500000e+00 : f32
        %sub3A_548 = vector.broadcast %sub3A_547 : f32 to vector<16xf32>
        %sub3A_549 = arith.subf %sub3A_548, %mul3A_546 : vector<16xf32>
        %mul3A_550 = arith.mulf %mul3A_544, %sub3A_549 : vector<16xf32>
        %gather3A_551 = vector.shape_cast %reshape3A_52 : vector<16x1xi32> to vector<16xi32>
        %gather3A_552 = tpu.dynamic_gather %mul3A_523[%gather3A_551] in [0] : vector<16xf32>, vector<16xi32> -> vector<16xf32>
        %gather3A_553 = vector.shape_cast %reshape3A_52 : vector<16x1xi32> to vector<16xi32>
        %gather3A_554 = tpu.dynamic_gather %mul3A_550[%gather3A_553] in [0] : vector<16xf32>, vector<16xi32> -> vector<16xf32>
        %sub3A_555 = arith.subf %add3A_227, %gather3A_552 : vector<16xf32>
        %mul3A_556 = arith.mulf %sub3A_555, %gather3A_554 : vector<16xf32>
        %mul3A_557 = arith.mulf %mul3A_556, %get3A_4 : vector<16xf32>
        %add3A_558 = arith.addf %mul3A_557, %get3A_16 : vector<16xf32>
        %mul3A_559 = arith.constant 2 : i32
        %mul3A_560 = arith.muli %scan3A_200, %mul3A_559 : i32
        %add3A_561 = arith.constant 0 : i32
        %add3A_562 = arith.addi %mul3A_560, %add3A_561 : i32
        %swap3A = arith.index_cast %add3A_562 : i32 to index
        %swap3A_563 = arith.constant 0 : index
        %swap3A_564 = tpu.vector_load %arg11[%swap3A, %swap3A_563] {strides = array<i32>} : memref<128x128xf32, #tpu.memory_space<vmem>>, vector<1x16xf32>,
        %swap3A_565 = vector.shape_cast %swap3A_564 : vector<1x16xf32> to vector<16xf32>
        %swap3A_566 = vector.shape_cast %add3A_558 : vector<16xf32> to vector<1x16xf32>
        tpu.vector_store %arg11[%swap3A, %swap3A_563], %swap3A_566 {strides = array<i32>} : memref<128x128xf32, #tpu.memory_space<vmem>>, vector<1x16xf32>,
        %sub3A_567 = arith.subf %add3A_238, %gather3A_552 : vector<16xf32>
        %mul3A_568 = arith.mulf %sub3A_567, %gather3A_554 : vector<16xf32>
        %mul3A_569 = arith.mulf %mul3A_568, %get3A_7 : vector<16xf32>
        %add3A_570 = arith.addf %mul3A_569, %get3A_19 : vector<16xf32>
        %mul3A_571 = arith.constant 2 : i32
        %mul3A_572 = arith.muli %scan3A_200, %mul3A_571 : i32
        %add3A_573 = arith.constant 0 : i32
        %add3A_574 = arith.addi %mul3A_572, %add3A_573 : i32
        %swap3A_575 = arith.index_cast %add3A_574 : i32 to index
        %swap3A_576 = arith.constant 16 : index
        %swap3A_577 = tpu.vector_load %arg11[%swap3A_575, %swap3A_576] {strides = array<i32>} : memref<128x128xf32, #tpu.memory_space<vmem>>, vector<1x16xf32>,
        %swap3A_578 = vector.shape_cast %swap3A_577 : vector<1x16xf32> to vector<16xf32>
        %swap3A_579 = vector.shape_cast %add3A_570 : vector<16xf32> to vector<1x16xf32>
        tpu.vector_store %arg11[%swap3A_575, %swap3A_576], %swap3A_579 {strides = array<i32>} : memref<128x128xf32, #tpu.memory_space<vmem>>, vector<1x16xf32>,
        %sub3A_580 = arith.subf %add3A_249, %gather3A_552 : vector<16xf32>
        %mul3A_581 = arith.mulf %sub3A_580, %gather3A_554 : vector<16xf32>
        %mul3A_582 = arith.mulf %mul3A_581, %get3A_10 : vector<16xf32>
        %add3A_583 = arith.addf %mul3A_582, %get3A_22 : vector<16xf32>
        %mul3A_584 = arith.constant 2 : i32
        %mul3A_585 = arith.muli %scan3A_200, %mul3A_584 : i32
        %add3A_586 = arith.constant 0 : i32
        %add3A_587 = arith.addi %mul3A_585, %add3A_586 : i32
        %swap3A_588 = arith.index_cast %add3A_587 : i32 to index
        %swap3A_589 = arith.constant 32 : index
        %swap3A_590 = tpu.vector_load %arg11[%swap3A_588, %swap3A_589] {strides = array<i32>} : memref<128x128xf32, #tpu.memory_space<vmem>>, vector<1x16xf32>,
        %swap3A_591 = vector.shape_cast %swap3A_590 : vector<1x16xf32> to vector<16xf32>
        %swap3A_592 = vector.shape_cast %add3A_583 : vector<16xf32> to vector<1x16xf32>
        tpu.vector_store %arg11[%swap3A_588, %swap3A_589], %swap3A_592 {strides = array<i32>} : memref<128x128xf32, #tpu.memory_space<vmem>>, vector<1x16xf32>,
        %sub3A_593 = arith.subf %add3A_260, %gather3A_552 : vector<16xf32>
        %mul3A_594 = arith.mulf %sub3A_593, %gather3A_554 : vector<16xf32>
        %mul3A_595 = arith.mulf %mul3A_594, %get3A_13 : vector<16xf32>
        %add3A_596 = arith.addf %mul3A_595, %get3A_25 : vector<16xf32>
        %mul3A_597 = arith.constant 2 : i32
        %mul3A_598 = arith.muli %scan3A_200, %mul3A_597 : i32
        %add3A_599 = arith.constant 0 : i32
        %add3A_600 = arith.addi %mul3A_598, %add3A_599 : i32
        %swap3A_601 = arith.index_cast %add3A_600 : i32 to index
        %swap3A_602 = arith.constant 48 : index
        %swap3A_603 = tpu.vector_load %arg11[%swap3A_601, %swap3A_602] {strides = array<i32>} : memref<128x128xf32, #tpu.memory_space<vmem>>, vector<1x16xf32>,
        %swap3A_604 = vector.shape_cast %swap3A_603 : vector<1x16xf32> to vector<16xf32>
        %swap3A_605 = vector.shape_cast %add3A_596 : vector<16xf32> to vector<1x16xf32>
        tpu.vector_store %arg11[%swap3A_601, %swap3A_602], %swap3A_605 {strides = array<i32>} : memref<128x128xf32, #tpu.memory_space<vmem>>, vector<1x16xf32>,
        %gather3A_606 = vector.shape_cast %reshape3A_56 : vector<16x1xi32> to vector<16xi32>
        %gather3A_607 = tpu.dynamic_gather %mul3A_523[%gather3A_606] in [0] : vector<16xf32>, vector<16xi32> -> vector<16xf32>
        %gather3A_608 = vector.shape_cast %reshape3A_56 : vector<16x1xi32> to vector<16xi32>
        %gather3A_609 = tpu.dynamic_gather %mul3A_550[%gather3A_608] in [0] : vector<16xf32>, vector<16xi32> -> vector<16xf32>
        %sub3A_610 = arith.subf %add3A_293, %gather3A_607 : vector<16xf32>
        %mul3A_611 = arith.mulf %sub3A_610, %gather3A_609 : vector<16xf32>
        %mul3A_612 = arith.mulf %mul3A_611, %get3A_4 : vector<16xf32>
        %add3A_613 = arith.addf %mul3A_612, %get3A_16 : vector<16xf32>
        %mul3A_614 = arith.constant 2 : i32
        %mul3A_615 = arith.muli %scan3A_200, %mul3A_614 : i32
        %add3A_616 = arith.constant 0 : i32
        %add3A_617 = arith.addi %mul3A_615, %add3A_616 : i32
        %swap3A_618 = arith.index_cast %add3A_617 : i32 to index
        %swap3A_619 = arith.constant 64 : index
        %swap3A_620 = tpu.vector_load %arg11[%swap3A_618, %swap3A_619] {strides = array<i32>} : memref<128x128xf32, #tpu.memory_space<vmem>>, vector<1x16xf32>,
        %swap3A_621 = vector.shape_cast %swap3A_620 : vector<1x16xf32> to vector<16xf32>
        %swap3A_622 = vector.shape_cast %add3A_613 : vector<16xf32> to vector<1x16xf32>
        tpu.vector_store %arg11[%swap3A_618, %swap3A_619], %swap3A_622 {strides = array<i32>} : memref<128x128xf32, #tpu.memory_space<vmem>>, vector<1x16xf32>,
        %sub3A_623 = arith.subf %add3A_304, %gather3A_607 : vector<16xf32>
        %mul3A_624 = arith.mulf %sub3A_623, %gather3A_609 : vector<16xf32>
        %mul3A_625 = arith.mulf %mul3A_624, %get3A_7 : vector<16xf32>
        %add3A_626 = arith.addf %mul3A_625, %get3A_19 : vector<16xf32>
        %mul3A_627 = arith.constant 2 : i32
        %mul3A_628 = arith.muli %scan3A_200, %mul3A_627 : i32
        %add3A_629 = arith.constant 0 : i32
        %add3A_630 = arith.addi %mul3A_628, %add3A_629 : i32
        %swap3A_631 = arith.index_cast %add3A_630 : i32 to index
        %swap3A_632 = arith.constant 80 : index
        %swap3A_633 = tpu.vector_load %arg11[%swap3A_631, %swap3A_632] {strides = array<i32>} : memref<128x128xf32, #tpu.memory_space<vmem>>, vector<1x16xf32>,
        %swap3A_634 = vector.shape_cast %swap3A_633 : vector<1x16xf32> to vector<16xf32>
        %swap3A_635 = vector.shape_cast %add3A_626 : vector<16xf32> to vector<1x16xf32>
        tpu.vector_store %arg11[%swap3A_631, %swap3A_632], %swap3A_635 {strides = array<i32>} : memref<128x128xf32, #tpu.memory_space<vmem>>, vector<1x16xf32>,
        %sub3A_636 = arith.subf %add3A_315, %gather3A_607 : vector<16xf32>
        %mul3A_637 = arith.mulf %sub3A_636, %gather3A_609 : vector<16xf32>
        %mul3A_638 = arith.mulf %mul3A_637, %get3A_10 : vector<16xf32>
        %add3A_639 = arith.addf %mul3A_638, %get3A_22 : vector<16xf32>
        %mul3A_640 = arith.constant 2 : i32
        %mul3A_641 = arith.muli %scan3A_200, %mul3A_640 : i32
        %add3A_642 = arith.constant 0 : i32
        %add3A_643 = arith.addi %mul3A_641, %add3A_642 : i32
        %swap3A_644 = arith.index_cast %add3A_643 : i32 to index
        %swap3A_645 = arith.constant 96 : index
        %swap3A_646 = tpu.vector_load %arg11[%swap3A_644, %swap3A_645] {strides = array<i32>} : memref<128x128xf32, #tpu.memory_space<vmem>>, vector<1x16xf32>,
        %swap3A_647 = vector.shape_cast %swap3A_646 : vector<1x16xf32> to vector<16xf32>
        %swap3A_648 = vector.shape_cast %add3A_639 : vector<16xf32> to vector<1x16xf32>
        tpu.vector_store %arg11[%swap3A_644, %swap3A_645], %swap3A_648 {strides = array<i32>} : memref<128x128xf32, #tpu.memory_space<vmem>>, vector<1x16xf32>,
        %sub3A_649 = arith.subf %add3A_326, %gather3A_607 : vector<16xf32>
        %mul3A_650 = arith.mulf %sub3A_649, %gather3A_609 : vector<16xf32>
        %mul3A_651 = arith.mulf %mul3A_650, %get3A_13 : vector<16xf32>
        %add3A_652 = arith.addf %mul3A_651, %get3A_25 : vector<16xf32>
        %mul3A_653 = arith.constant 2 : i32
        %mul3A_654 = arith.muli %scan3A_200, %mul3A_653 : i32
        %add3A_655 = arith.constant 0 : i32
        %add3A_656 = arith.addi %mul3A_654, %add3A_655 : i32
        %swap3A_657 = arith.index_cast %add3A_656 : i32 to index
        %swap3A_658 = arith.constant 112 : index
        %swap3A_659 = tpu.vector_load %arg11[%swap3A_657, %swap3A_658] {strides = array<i32>} : memref<128x128xf32, #tpu.memory_space<vmem>>, vector<1x16xf32>,
        %swap3A_660 = vector.shape_cast %swap3A_659 : vector<1x16xf32> to vector<16xf32>
        %swap3A_661 = vector.shape_cast %add3A_652 : vector<16xf32> to vector<1x16xf32>
        tpu.vector_store %arg11[%swap3A_657, %swap3A_658], %swap3A_661 {strides = array<i32>} : memref<128x128xf32, #tpu.memory_space<vmem>>, vector<1x16xf32>,
        %gather3A_662 = vector.shape_cast %reshape3A_60 : vector<16x1xi32> to vector<16xi32>
        %gather3A_663 = tpu.dynamic_gather %mul3A_523[%gather3A_662] in [0] : vector<16xf32>, vector<16xi32> -> vector<16xf32>
        %gather3A_664 = vector.shape_cast %reshape3A_60 : vector<16x1xi32> to vector<16xi32>
        %gather3A_665 = tpu.dynamic_gather %mul3A_550[%gather3A_664] in [0] : vector<16xf32>, vector<16xi32> -> vector<16xf32>
        %sub3A_666 = arith.subf %add3A_359, %gather3A_663 : vector<16xf32>
        %mul3A_667 = arith.mulf %sub3A_666, %gather3A_665 : vector<16xf32>
        %mul3A_668 = arith.mulf %mul3A_667, %get3A_4 : vector<16xf32>
        %add3A_669 = arith.addf %mul3A_668, %get3A_16 : vector<16xf32>
        %mul3A_670 = arith.constant 2 : i32
        %mul3A_671 = arith.muli %scan3A_200, %mul3A_670 : i32
        %add3A_672 = arith.constant 1 : i32
        %add3A_673 = arith.addi %mul3A_671, %add3A_672 : i32
        %swap3A_674 = arith.index_cast %add3A_673 : i32 to index
        %swap3A_675 = arith.constant 0 : index
        %swap3A_676 = tpu.vector_load %arg11[%swap3A_674, %swap3A_675] {strides = array<i32>} : memref<128x128xf32, #tpu.memory_space<vmem>>, vector<1x16xf32>,
        %swap3A_677 = vector.shape_cast %swap3A_676 : vector<1x16xf32> to vector<16xf32>
        %swap3A_678 = vector.shape_cast %add3A_669 : vector<16xf32> to vector<1x16xf32>
        tpu.vector_store %arg11[%swap3A_674, %swap3A_675], %swap3A_678 {strides = array<i32>} : memref<128x128xf32, #tpu.memory_space<vmem>>, vector<1x16xf32>,
        %sub3A_679 = arith.subf %add3A_370, %gather3A_663 : vector<16xf32>
        %mul3A_680 = arith.mulf %sub3A_679, %gather3A_665 : vector<16xf32>
        %mul3A_681 = arith.mulf %mul3A_680, %get3A_7 : vector<16xf32>
        %add3A_682 = arith.addf %mul3A_681, %get3A_19 : vector<16xf32>
        %mul3A_683 = arith.constant 2 : i32
        %mul3A_684 = arith.muli %scan3A_200, %mul3A_683 : i32
        %add3A_685 = arith.constant 1 : i32
        %add3A_686 = arith.addi %mul3A_684, %add3A_685 : i32
        %swap3A_687 = arith.index_cast %add3A_686 : i32 to index
        %swap3A_688 = arith.constant 16 : index
        %swap3A_689 = tpu.vector_load %arg11[%swap3A_687, %swap3A_688] {strides = array<i32>} : memref<128x128xf32, #tpu.memory_space<vmem>>, vector<1x16xf32>,
        %swap3A_690 = vector.shape_cast %swap3A_689 : vector<1x16xf32> to vector<16xf32>
        %swap3A_691 = vector.shape_cast %add3A_682 : vector<16xf32> to vector<1x16xf32>
        tpu.vector_store %arg11[%swap3A_687, %swap3A_688], %swap3A_691 {strides = array<i32>} : memref<128x128xf32, #tpu.memory_space<vmem>>, vector<1x16xf32>,
        %sub3A_692 = arith.subf %add3A_381, %gather3A_663 : vector<16xf32>
        %mul3A_693 = arith.mulf %sub3A_692, %gather3A_665 : vector<16xf32>
        %mul3A_694 = arith.mulf %mul3A_693, %get3A_10 : vector<16xf32>
        %add3A_695 = arith.addf %mul3A_694, %get3A_22 : vector<16xf32>
        %mul3A_696 = arith.constant 2 : i32
        %mul3A_697 = arith.muli %scan3A_200, %mul3A_696 : i32
        %add3A_698 = arith.constant 1 : i32
        %add3A_699 = arith.addi %mul3A_697, %add3A_698 : i32
        %swap3A_700 = arith.index_cast %add3A_699 : i32 to index
        %swap3A_701 = arith.constant 32 : index
        %swap3A_702 = tpu.vector_load %arg11[%swap3A_700, %swap3A_701] {strides = array<i32>} : memref<128x128xf32, #tpu.memory_space<vmem>>, vector<1x16xf32>,
        %swap3A_703 = vector.shape_cast %swap3A_702 : vector<1x16xf32> to vector<16xf32>
        %swap3A_704 = vector.shape_cast %add3A_695 : vector<16xf32> to vector<1x16xf32>
        tpu.vector_store %arg11[%swap3A_700, %swap3A_701], %swap3A_704 {strides = array<i32>} : memref<128x128xf32, #tpu.memory_space<vmem>>, vector<1x16xf32>,
        %sub3A_705 = arith.subf %add3A_392, %gather3A_663 : vector<16xf32>
        %mul3A_706 = arith.mulf %sub3A_705, %gather3A_665 : vector<16xf32>
        %mul3A_707 = arith.mulf %mul3A_706, %get3A_13 : vector<16xf32>
        %add3A_708 = arith.addf %mul3A_707, %get3A_25 : vector<16xf32>
        %mul3A_709 = arith.constant 2 : i32
        %mul3A_710 = arith.muli %scan3A_200, %mul3A_709 : i32
        %add3A_711 = arith.constant 1 : i32
        %add3A_712 = arith.addi %mul3A_710, %add3A_711 : i32
        %swap3A_713 = arith.index_cast %add3A_712 : i32 to index
        %swap3A_714 = arith.constant 48 : index
        %swap3A_715 = tpu.vector_load %arg11[%swap3A_713, %swap3A_714] {strides = array<i32>} : memref<128x128xf32, #tpu.memory_space<vmem>>, vector<1x16xf32>,
        %swap3A_716 = vector.shape_cast %swap3A_715 : vector<1x16xf32> to vector<16xf32>
        %swap3A_717 = vector.shape_cast %add3A_708 : vector<16xf32> to vector<1x16xf32>
        tpu.vector_store %arg11[%swap3A_713, %swap3A_714], %swap3A_717 {strides = array<i32>} : memref<128x128xf32, #tpu.memory_space<vmem>>, vector<1x16xf32>,
        %gather3A_718 = vector.shape_cast %reshape3A_64 : vector<16x1xi32> to vector<16xi32>
        %gather3A_719 = tpu.dynamic_gather %mul3A_523[%gather3A_718] in [0] : vector<16xf32>, vector<16xi32> -> vector<16xf32>
        %gather3A_720 = vector.shape_cast %reshape3A_64 : vector<16x1xi32> to vector<16xi32>
        %gather3A_721 = tpu.dynamic_gather %mul3A_550[%gather3A_720] in [0] : vector<16xf32>, vector<16xi32> -> vector<16xf32>
        %sub3A_722 = arith.subf %add3A_425, %gather3A_719 : vector<16xf32>
        %mul3A_723 = arith.mulf %sub3A_722, %gather3A_721 : vector<16xf32>
        %mul3A_724 = arith.mulf %mul3A_723, %get3A_4 : vector<16xf32>
        %add3A_725 = arith.addf %mul3A_724, %get3A_16 : vector<16xf32>
        %mul3A_726 = arith.constant 2 : i32
        %mul3A_727 = arith.muli %scan3A_200, %mul3A_726 : i32
        %add3A_728 = arith.constant 1 : i32
        %add3A_729 = arith.addi %mul3A_727, %add3A_728 : i32
        %swap3A_730 = arith.index_cast %add3A_729 : i32 to index
        %swap3A_731 = arith.constant 64 : index
        %swap3A_732 = tpu.vector_load %arg11[%swap3A_730, %swap3A_731] {strides = array<i32>} : memref<128x128xf32, #tpu.memory_space<vmem>>, vector<1x16xf32>,
        %swap3A_733 = vector.shape_cast %swap3A_732 : vector<1x16xf32> to vector<16xf32>
        %swap3A_734 = vector.shape_cast %add3A_725 : vector<16xf32> to vector<1x16xf32>
        tpu.vector_store %arg11[%swap3A_730, %swap3A_731], %swap3A_734 {strides = array<i32>} : memref<128x128xf32, #tpu.memory_space<vmem>>, vector<1x16xf32>,
        %sub3A_735 = arith.subf %add3A_436, %gather3A_719 : vector<16xf32>
        %mul3A_736 = arith.mulf %sub3A_735, %gather3A_721 : vector<16xf32>
        %mul3A_737 = arith.mulf %mul3A_736, %get3A_7 : vector<16xf32>
        %add3A_738 = arith.addf %mul3A_737, %get3A_19 : vector<16xf32>
        %mul3A_739 = arith.constant 2 : i32
        %mul3A_740 = arith.muli %scan3A_200, %mul3A_739 : i32
        %add3A_741 = arith.constant 1 : i32
        %add3A_742 = arith.addi %mul3A_740, %add3A_741 : i32
        %swap3A_743 = arith.index_cast %add3A_742 : i32 to index
        %swap3A_744 = arith.constant 80 : index
        %swap3A_745 = tpu.vector_load %arg11[%swap3A_743, %swap3A_744] {strides = array<i32>} : memref<128x128xf32, #tpu.memory_space<vmem>>, vector<1x16xf32>,
        %swap3A_746 = vector.shape_cast %swap3A_745 : vector<1x16xf32> to vector<16xf32>
        %swap3A_747 = vector.shape_cast %add3A_738 : vector<16xf32> to vector<1x16xf32>
        tpu.vector_store %arg11[%swap3A_743, %swap3A_744], %swap3A_747 {strides = array<i32>} : memref<128x128xf32, #tpu.memory_space<vmem>>, vector<1x16xf32>,
        %sub3A_748 = arith.subf %add3A_447, %gather3A_719 : vector<16xf32>
        %mul3A_749 = arith.mulf %sub3A_748, %gather3A_721 : vector<16xf32>
        %mul3A_750 = arith.mulf %mul3A_749, %get3A_10 : vector<16xf32>
        %add3A_751 = arith.addf %mul3A_750, %get3A_22 : vector<16xf32>
        %mul3A_752 = arith.constant 2 : i32
        %mul3A_753 = arith.muli %scan3A_200, %mul3A_752 : i32
        %add3A_754 = arith.constant 1 : i32
        %add3A_755 = arith.addi %mul3A_753, %add3A_754 : i32
        %swap3A_756 = arith.index_cast %add3A_755 : i32 to index
        %swap3A_757 = arith.constant 96 : index
        %swap3A_758 = tpu.vector_load %arg11[%swap3A_756, %swap3A_757] {strides = array<i32>} : memref<128x128xf32, #tpu.memory_space<vmem>>, vector<1x16xf32>,
        %swap3A_759 = vector.shape_cast %swap3A_758 : vector<1x16xf32> to vector<16xf32>
        %swap3A_760 = vector.shape_cast %add3A_751 : vector<16xf32> to vector<1x16xf32>
        tpu.vector_store %arg11[%swap3A_756, %swap3A_757], %swap3A_760 {strides = array<i32>} : memref<128x128xf32, #tpu.memory_space<vmem>>, vector<1x16xf32>,
        %sub3A_761 = arith.subf %add3A_458, %gather3A_719 : vector<16xf32>
        %mul3A_762 = arith.mulf %sub3A_761, %gather3A_721 : vector<16xf32>
        %mul3A_763 = arith.mulf %mul3A_762, %get3A_13 : vector<16xf32>
        %add3A_764 = arith.addf %mul3A_763, %get3A_25 : vector<16xf32>
        %mul3A_765 = arith.constant 2 : i32
        %mul3A_766 = arith.muli %scan3A_200, %mul3A_765 : i32
        %add3A_767 = arith.constant 1 : i32
        %add3A_768 = arith.addi %mul3A_766, %add3A_767 : i32
        %swap3A_769 = arith.index_cast %add3A_768 : i32 to index
        %swap3A_770 = arith.constant 112 : index
        %swap3A_771 = tpu.vector_load %arg11[%swap3A_769, %swap3A_770] {strides = array<i32>} : memref<128x128xf32, #tpu.memory_space<vmem>>, vector<1x16xf32>,
        %swap3A_772 = vector.shape_cast %swap3A_771 : vector<1x16xf32> to vector<16xf32>
        %swap3A_773 = vector.shape_cast %add3A_764 : vector<16xf32> to vector<1x16xf32>
        tpu.vector_store %arg11[%swap3A_769, %swap3A_770], %swap3A_773 {strides = array<i32>} : memref<128x128xf32, #tpu.memory_space<vmem>>, vector<1x16xf32>,
        %scan3A_774 = arith.constant 0 : i32
        %scan3A_775 = arith.constant 1 : i32
        %scan3A_776 = arith.addi %scan3A_200, %scan3A_775 : i32
        %mul3A_777 = arith.constant 4 : i32
        %mul3A_778 = arith.muli %scan3A_776, %mul3A_777 : i32
        %add3A_779 = arith.addi %rem3A_163, %mul3A_778 : i32
        %add3A_780 = arith.constant 0 : i32
        %add3A_781 = arith.addi %add3A_779, %add3A_780 : i32
        %lt3A_782 = arith.constant 200 : i32
        %lt3A_783 = arith.cmpi slt, %add3A_781, %lt3A_782 : i32
        %sub3A_784 = arith.constant 200 : i32
        %sub3A_785 = arith.subi %add3A_781, %sub3A_784 : i32
        %select_n3A_786 = arith.select %lt3A_783, %add3A_781, %sub3A_785 : i32
        %lt3A_787 = arith.constant 200 : i32
        %lt3A_788 = arith.cmpi slt, %select_n3A_786, %lt3A_787 : i32
        %sub3A_789 = arith.constant 200 : i32
        %sub3A_790 = arith.subi %select_n3A_786, %sub3A_789 : i32
        %select_n3A_791 = arith.select %lt3A_788, %select_n3A_786, %sub3A_790 : i32
        %add3A_792 = arith.constant 0 : i32
        %add3A_793 = arith.addi %mul3A_778, %add3A_792 : i32
        %get3A_794 = arith.index_cast %add3A_793 : i32 to index
        %get3A_795 = arith.constant 0 : index
        %get3A_796 = tpu.vector_load %arg10[%get3A_794, %get3A_795] {strides = array<i32>} : memref<256x128xf32, #tpu.memory_space<vmem>>, vector<1x16xf32>,
        %get3A_797 = vector.shape_cast %get3A_796 : vector<1x16xf32> to vector<16xf32>
        %get3A_798 = arith.index_cast %select_n3A_791 : i32 to index
        %get3A_799 = arith.constant 0 : index
        %get3A_800 = tpu.vector_load %arg12[%get3A_798, %get3A_799] {strides = array<i32>} : memref<200x64xf32, #tpu.memory_space<vmem>>, vector<1x16xf32>,
        %get3A_801 = vector.shape_cast %get3A_800 : vector<1x16xf32> to vector<16xf32>
        %add3A_802 = arith.addf %get3A_797, %get3A_801 : vector<16xf32>
        %add3A_803 = arith.constant 0 : i32
        %add3A_804 = arith.addi %mul3A_778, %add3A_803 : i32
        %get3A_805 = arith.index_cast %add3A_804 : i32 to index
        %get3A_806 = arith.constant 16 : index
        %get3A_807 = tpu.vector_load %arg10[%get3A_805, %get3A_806] {strides = array<i32>} : memref<256x128xf32, #tpu.memory_space<vmem>>, vector<1x16xf32>,
        %get3A_808 = vector.shape_cast %get3A_807 : vector<1x16xf32> to vector<16xf32>
        %get3A_809 = arith.index_cast %select_n3A_791 : i32 to index
        %get3A_810 = arith.constant 16 : index
        %get3A_811 = tpu.vector_load %arg12[%get3A_809, %get3A_810] {strides = array<i32>} : memref<200x64xf32, #tpu.memory_space<vmem>>, vector<1x16xf32>,
        %get3A_812 = vector.shape_cast %get3A_811 : vector<1x16xf32> to vector<16xf32>
        %add3A_813 = arith.addf %get3A_808, %get3A_812 : vector<16xf32>
        %add3A_814 = arith.constant 0 : i32
        %add3A_815 = arith.addi %mul3A_778, %add3A_814 : i32
        %get3A_816 = arith.index_cast %add3A_815 : i32 to index
        %get3A_817 = arith.constant 32 : index
        %get3A_818 = tpu.vector_load %arg10[%get3A_816, %get3A_817] {strides = array<i32>} : memref<256x128xf32, #tpu.memory_space<vmem>>, vector<1x16xf32>,
        %get3A_819 = vector.shape_cast %get3A_818 : vector<1x16xf32> to vector<16xf32>
        %get3A_820 = arith.index_cast %select_n3A_791 : i32 to index
        %get3A_821 = arith.constant 32 : index
        %get3A_822 = tpu.vector_load %arg12[%get3A_820, %get3A_821] {strides = array<i32>} : memref<200x64xf32, #tpu.memory_space<vmem>>, vector<1x16xf32>,
        %get3A_823 = vector.shape_cast %get3A_822 : vector<1x16xf32> to vector<16xf32>
        %add3A_824 = arith.addf %get3A_819, %get3A_823 : vector<16xf32>
        %add3A_825 = arith.constant 0 : i32
        %add3A_826 = arith.addi %mul3A_778, %add3A_825 : i32
        %get3A_827 = arith.index_cast %add3A_826 : i32 to index
        %get3A_828 = arith.constant 48 : index
        %get3A_829 = tpu.vector_load %arg10[%get3A_827, %get3A_828] {strides = array<i32>} : memref<256x128xf32, #tpu.memory_space<vmem>>, vector<1x16xf32>,
        %get3A_830 = vector.shape_cast %get3A_829 : vector<1x16xf32> to vector<16xf32>
        %get3A_831 = arith.index_cast %select_n3A_791 : i32 to index
        %get3A_832 = arith.constant 48 : index
        %get3A_833 = tpu.vector_load %arg12[%get3A_831, %get3A_832] {strides = array<i32>} : memref<200x64xf32, #tpu.memory_space<vmem>>, vector<1x16xf32>,
        %get3A_834 = vector.shape_cast %get3A_833 : vector<1x16xf32> to vector<16xf32>
        %add3A_835 = arith.addf %get3A_830, %get3A_834 : vector<16xf32>
        %add3A_836 = arith.addf %add3A_802, %add3A_813 : vector<16xf32>
        %add3A_837 = arith.addf %add3A_824, %add3A_835 : vector<16xf32>
        %add3A_838 = arith.addf %add3A_836, %add3A_837 : vector<16xf32>
        %mul3A_839 = arith.mulf %add3A_802, %add3A_802 : vector<16xf32>
        %mul3A_840 = arith.mulf %add3A_813, %add3A_813 : vector<16xf32>
        %add3A_841 = arith.addf %mul3A_839, %mul3A_840 : vector<16xf32>
        %mul3A_842 = arith.mulf %add3A_824, %add3A_824 : vector<16xf32>
        %mul3A_843 = arith.mulf %add3A_835, %add3A_835 : vector<16xf32>
        %add3A_844 = arith.addf %mul3A_842, %mul3A_843 : vector<16xf32>
        %add3A_845 = arith.addf %add3A_841, %add3A_844 : vector<16xf32>
        %add3A_846 = arith.constant 1 : i32
        %add3A_847 = arith.addi %add3A_779, %add3A_846 : i32
        %lt3A_848 = arith.constant 200 : i32
        %lt3A_849 = arith.cmpi slt, %add3A_847, %lt3A_848 : i32
        %sub3A_850 = arith.constant 200 : i32
        %sub3A_851 = arith.subi %add3A_847, %sub3A_850 : i32
        %select_n3A_852 = arith.select %lt3A_849, %add3A_847, %sub3A_851 : i32
        %lt3A_853 = arith.constant 200 : i32
        %lt3A_854 = arith.cmpi slt, %select_n3A_852, %lt3A_853 : i32
        %sub3A_855 = arith.constant 200 : i32
        %sub3A_856 = arith.subi %select_n3A_852, %sub3A_855 : i32
        %select_n3A_857 = arith.select %lt3A_854, %select_n3A_852, %sub3A_856 : i32
        %add3A_858 = arith.constant 1 : i32
        %add3A_859 = arith.addi %mul3A_778, %add3A_858 : i32
        %get3A_860 = arith.index_cast %add3A_859 : i32 to index
        %get3A_861 = arith.constant 0 : index
        %get3A_862 = tpu.vector_load %arg10[%get3A_860, %get3A_861] {strides = array<i32>} : memref<256x128xf32, #tpu.memory_space<vmem>>, vector<1x16xf32>,
        %get3A_863 = vector.shape_cast %get3A_862 : vector<1x16xf32> to vector<16xf32>
        %get3A_864 = arith.index_cast %select_n3A_857 : i32 to index
        %get3A_865 = arith.constant 0 : index
        %get3A_866 = tpu.vector_load %arg12[%get3A_864, %get3A_865] {strides = array<i32>} : memref<200x64xf32, #tpu.memory_space<vmem>>, vector<1x16xf32>,
        %get3A_867 = vector.shape_cast %get3A_866 : vector<1x16xf32> to vector<16xf32>
        %add3A_868 = arith.addf %get3A_863, %get3A_867 : vector<16xf32>
        %add3A_869 = arith.constant 1 : i32
        %add3A_870 = arith.addi %mul3A_778, %add3A_869 : i32
        %get3A_871 = arith.index_cast %add3A_870 : i32 to index
        %get3A_872 = arith.constant 16 : index
        %get3A_873 = tpu.vector_load %arg10[%get3A_871, %get3A_872] {strides = array<i32>} : memref<256x128xf32, #tpu.memory_space<vmem>>, vector<1x16xf32>,
        %get3A_874 = vector.shape_cast %get3A_873 : vector<1x16xf32> to vector<16xf32>
        %get3A_875 = arith.index_cast %select_n3A_857 : i32 to index
        %get3A_876 = arith.constant 16 : index
        %get3A_877 = tpu.vector_load %arg12[%get3A_875, %get3A_876] {strides = array<i32>} : memref<200x64xf32, #tpu.memory_space<vmem>>, vector<1x16xf32>,
        %get3A_878 = vector.shape_cast %get3A_877 : vector<1x16xf32> to vector<16xf32>
        %add3A_879 = arith.addf %get3A_874, %get3A_878 : vector<16xf32>
        %add3A_880 = arith.constant 1 : i32
        %add3A_881 = arith.addi %mul3A_778, %add3A_880 : i32
        %get3A_882 = arith.index_cast %add3A_881 : i32 to index
        %get3A_883 = arith.constant 32 : index
        %get3A_884 = tpu.vector_load %arg10[%get3A_882, %get3A_883] {strides = array<i32>} : memref<256x128xf32, #tpu.memory_space<vmem>>, vector<1x16xf32>,
        %get3A_885 = vector.shape_cast %get3A_884 : vector<1x16xf32> to vector<16xf32>
        %get3A_886 = arith.index_cast %select_n3A_857 : i32 to index
        %get3A_887 = arith.constant 32 : index
        %get3A_888 = tpu.vector_load %arg12[%get3A_886, %get3A_887] {strides = array<i32>} : memref<200x64xf32, #tpu.memory_space<vmem>>, vector<1x16xf32>,
        %get3A_889 = vector.shape_cast %get3A_888 : vector<1x16xf32> to vector<16xf32>
        %add3A_890 = arith.addf %get3A_885, %get3A_889 : vector<16xf32>
        %add3A_891 = arith.constant 1 : i32
        %add3A_892 = arith.addi %mul3A_778, %add3A_891 : i32
        %get3A_893 = arith.index_cast %add3A_892 : i32 to index
        %get3A_894 = arith.constant 48 : index
        %get3A_895 = tpu.vector_load %arg10[%get3A_893, %get3A_894] {strides = array<i32>} : memref<256x128xf32, #tpu.memory_space<vmem>>, vector<1x16xf32>,
        %get3A_896 = vector.shape_cast %get3A_895 : vector<1x16xf32> to vector<16xf32>
        %get3A_897 = arith.index_cast %select_n3A_857 : i32 to index
        %get3A_898 = arith.constant 48 : index
        %get3A_899 = tpu.vector_load %arg12[%get3A_897, %get3A_898] {strides = array<i32>} : memref<200x64xf32, #tpu.memory_space<vmem>>, vector<1x16xf32>,
        %get3A_900 = vector.shape_cast %get3A_899 : vector<1x16xf32> to vector<16xf32>
        %add3A_901 = arith.addf %get3A_896, %get3A_900 : vector<16xf32>
        %add3A_902 = arith.addf %add3A_868, %add3A_879 : vector<16xf32>
        %add3A_903 = arith.addf %add3A_890, %add3A_901 : vector<16xf32>
        %add3A_904 = arith.addf %add3A_902, %add3A_903 : vector<16xf32>
        %mul3A_905 = arith.mulf %add3A_868, %add3A_868 : vector<16xf32>
        %mul3A_906 = arith.mulf %add3A_879, %add3A_879 : vector<16xf32>
        %add3A_907 = arith.addf %mul3A_905, %mul3A_906 : vector<16xf32>
        %mul3A_908 = arith.mulf %add3A_890, %add3A_890 : vector<16xf32>
        %mul3A_909 = arith.mulf %add3A_901, %add3A_901 : vector<16xf32>
        %add3A_910 = arith.addf %mul3A_908, %mul3A_909 : vector<16xf32>
        %add3A_911 = arith.addf %add3A_907, %add3A_910 : vector<16xf32>
        %add3A_912 = arith.constant 2 : i32
        %add3A_913 = arith.addi %add3A_779, %add3A_912 : i32
        %lt3A_914 = arith.constant 200 : i32
        %lt3A_915 = arith.cmpi slt, %add3A_913, %lt3A_914 : i32
        %sub3A_916 = arith.constant 200 : i32
        %sub3A_917 = arith.subi %add3A_913, %sub3A_916 : i32
        %select_n3A_918 = arith.select %lt3A_915, %add3A_913, %sub3A_917 : i32
        %lt3A_919 = arith.constant 200 : i32
        %lt3A_920 = arith.cmpi slt, %select_n3A_918, %lt3A_919 : i32
        %sub3A_921 = arith.constant 200 : i32
        %sub3A_922 = arith.subi %select_n3A_918, %sub3A_921 : i32
        %select_n3A_923 = arith.select %lt3A_920, %select_n3A_918, %sub3A_922 : i32
        %add3A_924 = arith.constant 2 : i32
        %add3A_925 = arith.addi %mul3A_778, %add3A_924 : i32
        %get3A_926 = arith.index_cast %add3A_925 : i32 to index
        %get3A_927 = arith.constant 0 : index
        %get3A_928 = tpu.vector_load %arg10[%get3A_926, %get3A_927] {strides = array<i32>} : memref<256x128xf32, #tpu.memory_space<vmem>>, vector<1x16xf32>,
        %get3A_929 = vector.shape_cast %get3A_928 : vector<1x16xf32> to vector<16xf32>
        %get3A_930 = arith.index_cast %select_n3A_923 : i32 to index
        %get3A_931 = arith.constant 0 : index
        %get3A_932 = tpu.vector_load %arg12[%get3A_930, %get3A_931] {strides = array<i32>} : memref<200x64xf32, #tpu.memory_space<vmem>>, vector<1x16xf32>,
        %get3A_933 = vector.shape_cast %get3A_932 : vector<1x16xf32> to vector<16xf32>
        %add3A_934 = arith.addf %get3A_929, %get3A_933 : vector<16xf32>
        %add3A_935 = arith.constant 2 : i32
        %add3A_936 = arith.addi %mul3A_778, %add3A_935 : i32
        %get3A_937 = arith.index_cast %add3A_936 : i32 to index
        %get3A_938 = arith.constant 16 : index
        %get3A_939 = tpu.vector_load %arg10[%get3A_937, %get3A_938] {strides = array<i32>} : memref<256x128xf32, #tpu.memory_space<vmem>>, vector<1x16xf32>,
        %get3A_940 = vector.shape_cast %get3A_939 : vector<1x16xf32> to vector<16xf32>
        %get3A_941 = arith.index_cast %select_n3A_923 : i32 to index
        %get3A_942 = arith.constant 16 : index
        %get3A_943 = tpu.vector_load %arg12[%get3A_941, %get3A_942] {strides = array<i32>} : memref<200x64xf32, #tpu.memory_space<vmem>>, vector<1x16xf32>,
        %get3A_944 = vector.shape_cast %get3A_943 : vector<1x16xf32> to vector<16xf32>
        %add3A_945 = arith.addf %get3A_940, %get3A_944 : vector<16xf32>
        %add3A_946 = arith.constant 2 : i32
        %add3A_947 = arith.addi %mul3A_778, %add3A_946 : i32
        %get3A_948 = arith.index_cast %add3A_947 : i32 to index
        %get3A_949 = arith.constant 32 : index
        %get3A_950 = tpu.vector_load %arg10[%get3A_948, %get3A_949] {strides = array<i32>} : memref<256x128xf32, #tpu.memory_space<vmem>>, vector<1x16xf32>,
        %get3A_951 = vector.shape_cast %get3A_950 : vector<1x16xf32> to vector<16xf32>
        %get3A_952 = arith.index_cast %select_n3A_923 : i32 to index
        %get3A_953 = arith.constant 32 : index
        %get3A_954 = tpu.vector_load %arg12[%get3A_952, %get3A_953] {strides = array<i32>} : memref<200x64xf32, #tpu.memory_space<vmem>>, vector<1x16xf32>,
        %get3A_955 = vector.shape_cast %get3A_954 : vector<1x16xf32> to vector<16xf32>
        %add3A_956 = arith.addf %get3A_951, %get3A_955 : vector<16xf32>
        %add3A_957 = arith.constant 2 : i32
        %add3A_958 = arith.addi %mul3A_778, %add3A_957 : i32
        %get3A_959 = arith.index_cast %add3A_958 : i32 to index
        %get3A_960 = arith.constant 48 : index
        %get3A_961 = tpu.vector_load %arg10[%get3A_959, %get3A_960] {strides = array<i32>} : memref<256x128xf32, #tpu.memory_space<vmem>>, vector<1x16xf32>,
        %get3A_962 = vector.shape_cast %get3A_961 : vector<1x16xf32> to vector<16xf32>
        %get3A_963 = arith.index_cast %select_n3A_923 : i32 to index
        %get3A_964 = arith.constant 48 : index
        %get3A_965 = tpu.vector_load %arg12[%get3A_963, %get3A_964] {strides = array<i32>} : memref<200x64xf32, #tpu.memory_space<vmem>>, vector<1x16xf32>,
        %get3A_966 = vector.shape_cast %get3A_965 : vector<1x16xf32> to vector<16xf32>
        %add3A_967 = arith.addf %get3A_962, %get3A_966 : vector<16xf32>
        %add3A_968 = arith.addf %add3A_934, %add3A_945 : vector<16xf32>
        %add3A_969 = arith.addf %add3A_956, %add3A_967 : vector<16xf32>
        %add3A_970 = arith.addf %add3A_968, %add3A_969 : vector<16xf32>
        %mul3A_971 = arith.mulf %add3A_934, %add3A_934 : vector<16xf32>
        %mul3A_972 = arith.mulf %add3A_945, %add3A_945 : vector<16xf32>
        %add3A_973 = arith.addf %mul3A_971, %mul3A_972 : vector<16xf32>
        %mul3A_974 = arith.mulf %add3A_956, %add3A_956 : vector<16xf32>
        %mul3A_975 = arith.mulf %add3A_967, %add3A_967 : vector<16xf32>
        %add3A_976 = arith.addf %mul3A_974, %mul3A_975 : vector<16xf32>
        %add3A_977 = arith.addf %add3A_973, %add3A_976 : vector<16xf32>
        %add3A_978 = arith.constant 3 : i32
        %add3A_979 = arith.addi %add3A_779, %add3A_978 : i32
        %lt3A_980 = arith.constant 200 : i32
        %lt3A_981 = arith.cmpi slt, %add3A_979, %lt3A_980 : i32
        %sub3A_982 = arith.constant 200 : i32
        %sub3A_983 = arith.subi %add3A_979, %sub3A_982 : i32
        %select_n3A_984 = arith.select %lt3A_981, %add3A_979, %sub3A_983 : i32
        %lt3A_985 = arith.constant 200 : i32
        %lt3A_986 = arith.cmpi slt, %select_n3A_984, %lt3A_985 : i32
        %sub3A_987 = arith.constant 200 : i32
        %sub3A_988 = arith.subi %select_n3A_984, %sub3A_987 : i32
        %select_n3A_989 = arith.select %lt3A_986, %select_n3A_984, %sub3A_988 : i32
        %add3A_990 = arith.constant 3 : i32
        %add3A_991 = arith.addi %mul3A_778, %add3A_990 : i32
        %get3A_992 = arith.index_cast %add3A_991 : i32 to index
        %get3A_993 = arith.constant 0 : index
        %get3A_994 = tpu.vector_load %arg10[%get3A_992, %get3A_993] {strides = array<i32>} : memref<256x128xf32, #tpu.memory_space<vmem>>, vector<1x16xf32>,
        %get3A_995 = vector.shape_cast %get3A_994 : vector<1x16xf32> to vector<16xf32>
        %get3A_996 = arith.index_cast %select_n3A_989 : i32 to index
        %get3A_997 = arith.constant 0 : index
        %get3A_998 = tpu.vector_load %arg12[%get3A_996, %get3A_997] {strides = array<i32>} : memref<200x64xf32, #tpu.memory_space<vmem>>, vector<1x16xf32>,
        %get3A_999 = vector.shape_cast %get3A_998 : vector<1x16xf32> to vector<16xf32>
        %add3A_1000 = arith.addf %get3A_995, %get3A_999 : vector<16xf32>
        %add3A_1001 = arith.constant 3 : i32
        %add3A_1002 = arith.addi %mul3A_778, %add3A_1001 : i32
        %get3A_1003 = arith.index_cast %add3A_1002 : i32 to index
        %get3A_1004 = arith.constant 16 : index
        %get3A_1005 = tpu.vector_load %arg10[%get3A_1003, %get3A_1004] {strides = array<i32>} : memref<256x128xf32, #tpu.memory_space<vmem>>, vector<1x16xf32>,
        %get3A_1006 = vector.shape_cast %get3A_1005 : vector<1x16xf32> to vector<16xf32>
        %get3A_1007 = arith.index_cast %select_n3A_989 : i32 to index
        %get3A_1008 = arith.constant 16 : index
        %get3A_1009 = tpu.vector_load %arg12[%get3A_1007, %get3A_1008] {strides = array<i32>} : memref<200x64xf32, #tpu.memory_space<vmem>>, vector<1x16xf32>,
        %get3A_1010 = vector.shape_cast %get3A_1009 : vector<1x16xf32> to vector<16xf32>
        %add3A_1011 = arith.addf %get3A_1006, %get3A_1010 : vector<16xf32>
        %add3A_1012 = arith.constant 3 : i32
        %add3A_1013 = arith.addi %mul3A_778, %add3A_1012 : i32
        %get3A_1014 = arith.index_cast %add3A_1013 : i32 to index
        %get3A_1015 = arith.constant 32 : index
        %get3A_1016 = tpu.vector_load %arg10[%get3A_1014, %get3A_1015] {strides = array<i32>} : memref<256x128xf32, #tpu.memory_space<vmem>>, vector<1x16xf32>,
        %get3A_1017 = vector.shape_cast %get3A_1016 : vector<1x16xf32> to vector<16xf32>
        %get3A_1018 = arith.index_cast %select_n3A_989 : i32 to index
        %get3A_1019 = arith.constant 32 : index
        %get3A_1020 = tpu.vector_load %arg12[%get3A_1018, %get3A_1019] {strides = array<i32>} : memref<200x64xf32, #tpu.memory_space<vmem>>, vector<1x16xf32>,
        %get3A_1021 = vector.shape_cast %get3A_1020 : vector<1x16xf32> to vector<16xf32>
        %add3A_1022 = arith.addf %get3A_1017, %get3A_1021 : vector<16xf32>
        %add3A_1023 = arith.constant 3 : i32
        %add3A_1024 = arith.addi %mul3A_778, %add3A_1023 : i32
        %get3A_1025 = arith.index_cast %add3A_1024 : i32 to index
        %get3A_1026 = arith.constant 48 : index
        %get3A_1027 = tpu.vector_load %arg10[%get3A_1025, %get3A_1026] {strides = array<i32>} : memref<256x128xf32, #tpu.memory_space<vmem>>, vector<1x16xf32>,
        %get3A_1028 = vector.shape_cast %get3A_1027 : vector<1x16xf32> to vector<16xf32>
        %get3A_1029 = arith.index_cast %select_n3A_989 : i32 to index
        %get3A_1030 = arith.constant 48 : index
        %get3A_1031 = tpu.vector_load %arg12[%get3A_1029, %get3A_1030] {strides = array<i32>} : memref<200x64xf32, #tpu.memory_space<vmem>>, vector<1x16xf32>,
        %get3A_1032 = vector.shape_cast %get3A_1031 : vector<1x16xf32> to vector<16xf32>
        %add3A_1033 = arith.addf %get3A_1028, %get3A_1032 : vector<16xf32>
        %add3A_1034 = arith.addf %add3A_1000, %add3A_1011 : vector<16xf32>
        %add3A_1035 = arith.addf %add3A_1022, %add3A_1033 : vector<16xf32>
        %add3A_1036 = arith.addf %add3A_1034, %add3A_1035 : vector<16xf32>
        %mul3A_1037 = arith.mulf %add3A_1000, %add3A_1000 : vector<16xf32>
        %mul3A_1038 = arith.mulf %add3A_1011, %add3A_1011 : vector<16xf32>
        %add3A_1039 = arith.addf %mul3A_1037, %mul3A_1038 : vector<16xf32>
        %mul3A_1040 = arith.mulf %add3A_1022, %add3A_1022 : vector<16xf32>
        %mul3A_1041 = arith.mulf %add3A_1033, %add3A_1033 : vector<16xf32>
        %add3A_1042 = arith.addf %mul3A_1040, %mul3A_1041 : vector<16xf32>
        %add3A_1043 = arith.addf %add3A_1039, %add3A_1042 : vector<16xf32>
        %gather3A_1044 = vector.shape_cast %reshape3A : vector<16x1xi32> to vector<16xi32>
        %gather3A_1045 = tpu.dynamic_gather %add3A_838[%gather3A_1044] in [0] : vector<16xf32>, vector<16xi32> -> vector<16xf32>
        %add3A_1046 = arith.addf %add3A_838, %gather3A_1045 : vector<16xf32>
        %gather3A_1047 = vector.shape_cast %reshape3A : vector<16x1xi32> to vector<16xi32>
        %gather3A_1048 = tpu.dynamic_gather %add3A_904[%gather3A_1047] in [0] : vector<16xf32>, vector<16xi32> -> vector<16xf32>
        %add3A_1049 = arith.addf %add3A_904, %gather3A_1048 : vector<16xf32>
        %gather3A_1050 = vector.shape_cast %reshape3A : vector<16x1xi32> to vector<16xi32>
        %gather3A_1051 = tpu.dynamic_gather %add3A_970[%gather3A_1050] in [0] : vector<16xf32>, vector<16xi32> -> vector<16xf32>
        %add3A_1052 = arith.addf %add3A_970, %gather3A_1051 : vector<16xf32>
        %gather3A_1053 = vector.shape_cast %reshape3A : vector<16x1xi32> to vector<16xi32>
        %gather3A_1054 = tpu.dynamic_gather %add3A_1036[%gather3A_1053] in [0] : vector<16xf32>, vector<16xi32> -> vector<16xf32>
        %add3A_1055 = arith.addf %add3A_1036, %gather3A_1054 : vector<16xf32>
        %select_n3A_1056 = arith.select %lt3A_41, %add3A_1046, %add3A_1049 : vector<16xi1>, vector<16xf32>
        %select_n3A_1057 = arith.select %lt3A_41, %add3A_1052, %add3A_1055 : vector<16xi1>, vector<16xf32>
        %gather3A_1058 = vector.shape_cast %reshape3A_31 : vector<16x1xi32> to vector<16xi32>
        %gather3A_1059 = tpu.dynamic_gather %select_n3A_1056[%gather3A_1058] in [0] : vector<16xf32>, vector<16xi32> -> vector<16xf32>
        %add3A_1060 = arith.addf %select_n3A_1056, %gather3A_1059 : vector<16xf32>
        %gather3A_1061 = vector.shape_cast %reshape3A_31 : vector<16x1xi32> to vector<16xi32>
        %gather3A_1062 = tpu.dynamic_gather %select_n3A_1057[%gather3A_1061] in [0] : vector<16xf32>, vector<16xi32> -> vector<16xf32>
        %add3A_1063 = arith.addf %select_n3A_1057, %gather3A_1062 : vector<16xf32>
        %select_n3A_1064 = arith.select %eq3A_45, %add3A_1060, %add3A_1063 : vector<16xi1>, vector<16xf32>
        %gather3A_1065 = vector.shape_cast %reshape3A_35 : vector<16x1xi32> to vector<16xi32>
        %gather3A_1066 = tpu.dynamic_gather %select_n3A_1064[%gather3A_1065] in [0] : vector<16xf32>, vector<16xi32> -> vector<16xf32>
        %add3A_1067 = arith.addf %select_n3A_1064, %gather3A_1066 : vector<16xf32>
        %gather3A_1068 = vector.shape_cast %reshape3A_39 : vector<16x1xi32> to vector<16xi32>
        %gather3A_1069 = tpu.dynamic_gather %add3A_1067[%gather3A_1068] in [0] : vector<16xf32>, vector<16xi32> -> vector<16xf32>
        %add3A_1070 = arith.addf %add3A_1067, %gather3A_1069 : vector<16xf32>
        %gather3A_1071 = vector.shape_cast %reshape3A : vector<16x1xi32> to vector<16xi32>
        %gather3A_1072 = tpu.dynamic_gather %add3A_845[%gather3A_1071] in [0] : vector<16xf32>, vector<16xi32> -> vector<16xf32>
        %add3A_1073 = arith.addf %add3A_845, %gather3A_1072 : vector<16xf32>
        %gather3A_1074 = vector.shape_cast %reshape3A : vector<16x1xi32> to vector<16xi32>
        %gather3A_1075 = tpu.dynamic_gather %add3A_911[%gather3A_1074] in [0] : vector<16xf32>, vector<16xi32> -> vector<16xf32>
        %add3A_1076 = arith.addf %add3A_911, %gather3A_1075 : vector<16xf32>
        %gather3A_1077 = vector.shape_cast %reshape3A : vector<16x1xi32> to vector<16xi32>
        %gather3A_1078 = tpu.dynamic_gather %add3A_977[%gather3A_1077] in [0] : vector<16xf32>, vector<16xi32> -> vector<16xf32>
        %add3A_1079 = arith.addf %add3A_977, %gather3A_1078 : vector<16xf32>
        %gather3A_1080 = vector.shape_cast %reshape3A : vector<16x1xi32> to vector<16xi32>
        %gather3A_1081 = tpu.dynamic_gather %add3A_1043[%gather3A_1080] in [0] : vector<16xf32>, vector<16xi32> -> vector<16xf32>
        %add3A_1082 = arith.addf %add3A_1043, %gather3A_1081 : vector<16xf32>
        %select_n3A_1083 = arith.select %lt3A_41, %add3A_1073, %add3A_1076 : vector<16xi1>, vector<16xf32>
        %select_n3A_1084 = arith.select %lt3A_41, %add3A_1079, %add3A_1082 : vector<16xi1>, vector<16xf32>
        %gather3A_1085 = vector.shape_cast %reshape3A_31 : vector<16x1xi32> to vector<16xi32>
        %gather3A_1086 = tpu.dynamic_gather %select_n3A_1083[%gather3A_1085] in [0] : vector<16xf32>, vector<16xi32> -> vector<16xf32>
        %add3A_1087 = arith.addf %select_n3A_1083, %gather3A_1086 : vector<16xf32>
        %gather3A_1088 = vector.shape_cast %reshape3A_31 : vector<16x1xi32> to vector<16xi32>
        %gather3A_1089 = tpu.dynamic_gather %select_n3A_1084[%gather3A_1088] in [0] : vector<16xf32>, vector<16xi32> -> vector<16xf32>
        %add3A_1090 = arith.addf %select_n3A_1084, %gather3A_1089 : vector<16xf32>
        %select_n3A_1091 = arith.select %eq3A_45, %add3A_1087, %add3A_1090 : vector<16xi1>, vector<16xf32>
        %gather3A_1092 = vector.shape_cast %reshape3A_35 : vector<16x1xi32> to vector<16xi32>
        %gather3A_1093 = tpu.dynamic_gather %select_n3A_1091[%gather3A_1092] in [0] : vector<16xf32>, vector<16xi32> -> vector<16xf32>
        %add3A_1094 = arith.addf %select_n3A_1091, %gather3A_1093 : vector<16xf32>
        %gather3A_1095 = vector.shape_cast %reshape3A_39 : vector<16x1xi32> to vector<16xi32>
        %gather3A_1096 = tpu.dynamic_gather %add3A_1094[%gather3A_1095] in [0] : vector<16xf32>, vector<16xi32> -> vector<16xf32>
        %add3A_1097 = arith.addf %add3A_1094, %gather3A_1096 : vector<16xf32>
        %mul3A_1098 = vector.broadcast %scan3A : f32 to vector<16xf32>
        %mul3A_1099 = arith.mulf %add3A_1070, %mul3A_1098 : vector<16xf32>
        %mul3A_1100 = vector.broadcast %scan3A : f32 to vector<16xf32>
        %mul3A_1101 = arith.mulf %add3A_1097, %mul3A_1100 : vector<16xf32>
        %mul3A_1102 = arith.mulf %mul3A_1099, %mul3A_1099 : vector<16xf32>
        %sub3A_1103 = arith.subf %mul3A_1101, %mul3A_1102 : vector<16xf32>
        %add3A_1104 = arith.constant 9.99999974E-6 : f32
        %add3A_1105 = vector.broadcast %add3A_1104 : f32 to vector<16xf32>
        %add3A_1106 = arith.addf %sub3A_1103, %add3A_1105 : vector<16xf32>
        %bitcast_convert_type3A_1107 = tpu.bitcast %add3A_1106 : vector<16xf32> -> vector<16xi32>
        %broadcast_in_dim3A_1108 = arith.constant 1597463007 : i32
        %broadcast_in_dim3A_1109 = vector.broadcast %broadcast_in_dim3A_1108 : i32 to vector<16xi32>
        %shift_right_logical3A_1110 = arith.constant 1 : i32
        %shift_right_logical3A_1111 = vector.broadcast %shift_right_logical3A_1110 : i32 to vector<16xi32>
        %shift_right_logical3A_1112 = arith.shrui %bitcast_convert_type3A_1107, %shift_right_logical3A_1111 : vector<16xi32>
        %sub3A_1113 = arith.subi %broadcast_in_dim3A_1109, %shift_right_logical3A_1112 : vector<16xi32>
        %bitcast_convert_type3A_1114 = tpu.bitcast %sub3A_1113 : vector<16xi32> -> vector<16xf32>
        %mul3A_1115 = arith.constant 5.000000e-01 : f32
        %mul3A_1116 = vector.broadcast %mul3A_1115 : f32 to vector<16xf32>
        %mul3A_1117 = arith.mulf %add3A_1106, %mul3A_1116 : vector<16xf32>
        %mul3A_1118 = arith.mulf %mul3A_1117, %bitcast_convert_type3A_1114 : vector<16xf32>
        %mul3A_1119 = arith.mulf %mul3A_1118, %bitcast_convert_type3A_1114 : vector<16xf32>
        %sub3A_1120 = arith.constant 1.500000e+00 : f32
        %sub3A_1121 = vector.broadcast %sub3A_1120 : f32 to vector<16xf32>
        %sub3A_1122 = arith.subf %sub3A_1121, %mul3A_1119 : vector<16xf32>
        %mul3A_1123 = arith.mulf %bitcast_convert_type3A_1114, %sub3A_1122 : vector<16xf32>
        %mul3A_1124 = arith.mulf %mul3A_1117, %mul3A_1123 : vector<16xf32>
        %mul3A_1125 = arith.mulf %mul3A_1124, %mul3A_1123 : vector<16xf32>
        %sub3A_1126 = arith.constant 1.500000e+00 : f32
        %sub3A_1127 = vector.broadcast %sub3A_1126 : f32 to vector<16xf32>
        %sub3A_1128 = arith.subf %sub3A_1127, %mul3A_1125 : vector<16xf32>
        %mul3A_1129 = arith.mulf %mul3A_1123, %sub3A_1128 : vector<16xf32>
        %gather3A_1130 = vector.shape_cast %reshape3A_52 : vector<16x1xi32> to vector<16xi32>
        %gather3A_1131 = tpu.dynamic_gather %mul3A_1099[%gather3A_1130] in [0] : vector<16xf32>, vector<16xi32> -> vector<16xf32>
        %gather3A_1132 = vector.shape_cast %reshape3A_52 : vector<16x1xi32> to vector<16xi32>
        %gather3A_1133 = tpu.dynamic_gather %mul3A_1129[%gather3A_1132] in [0] : vector<16xf32>, vector<16xi32> -> vector<16xf32>
        %sub3A_1134 = arith.subf %add3A_802, %gather3A_1131 : vector<16xf32>
        %mul3A_1135 = arith.mulf %sub3A_1134, %gather3A_1133 : vector<16xf32>
        %mul3A_1136 = arith.mulf %mul3A_1135, %get3A_4 : vector<16xf32>
        %add3A_1137 = arith.addf %mul3A_1136, %get3A_16 : vector<16xf32>
        %mul3A_1138 = arith.constant 2 : i32
        %mul3A_1139 = arith.muli %scan3A_776, %mul3A_1138 : i32
        %add3A_1140 = arith.constant 0 : i32
        %add3A_1141 = arith.addi %mul3A_1139, %add3A_1140 : i32
        %swap3A_1142 = arith.index_cast %add3A_1141 : i32 to index
        %swap3A_1143 = arith.constant 0 : index
        %swap3A_1144 = tpu.vector_load %arg11[%swap3A_1142, %swap3A_1143] {strides = array<i32>} : memref<128x128xf32, #tpu.memory_space<vmem>>, vector<1x16xf32>,
        %swap3A_1145 = vector.shape_cast %swap3A_1144 : vector<1x16xf32> to vector<16xf32>
        %swap3A_1146 = vector.shape_cast %add3A_1137 : vector<16xf32> to vector<1x16xf32>
        tpu.vector_store %arg11[%swap3A_1142, %swap3A_1143], %swap3A_1146 {strides = array<i32>} : memref<128x128xf32, #tpu.memory_space<vmem>>, vector<1x16xf32>,
        %sub3A_1147 = arith.subf %add3A_813, %gather3A_1131 : vector<16xf32>
        %mul3A_1148 = arith.mulf %sub3A_1147, %gather3A_1133 : vector<16xf32>
        %mul3A_1149 = arith.mulf %mul3A_1148, %get3A_7 : vector<16xf32>
        %add3A_1150 = arith.addf %mul3A_1149, %get3A_19 : vector<16xf32>
        %mul3A_1151 = arith.constant 2 : i32
        %mul3A_1152 = arith.muli %scan3A_776, %mul3A_1151 : i32
        %add3A_1153 = arith.constant 0 : i32
        %add3A_1154 = arith.addi %mul3A_1152, %add3A_1153 : i32
        %swap3A_1155 = arith.index_cast %add3A_1154 : i32 to index
        %swap3A_1156 = arith.constant 16 : index
        %swap3A_1157 = tpu.vector_load %arg11[%swap3A_1155, %swap3A_1156] {strides = array<i32>} : memref<128x128xf32, #tpu.memory_space<vmem>>, vector<1x16xf32>,
        %swap3A_1158 = vector.shape_cast %swap3A_1157 : vector<1x16xf32> to vector<16xf32>
        %swap3A_1159 = vector.shape_cast %add3A_1150 : vector<16xf32> to vector<1x16xf32>
        tpu.vector_store %arg11[%swap3A_1155, %swap3A_1156], %swap3A_1159 {strides = array<i32>} : memref<128x128xf32, #tpu.memory_space<vmem>>, vector<1x16xf32>,
        %sub3A_1160 = arith.subf %add3A_824, %gather3A_1131 : vector<16xf32>
        %mul3A_1161 = arith.mulf %sub3A_1160, %gather3A_1133 : vector<16xf32>
        %mul3A_1162 = arith.mulf %mul3A_1161, %get3A_10 : vector<16xf32>
        %add3A_1163 = arith.addf %mul3A_1162, %get3A_22 : vector<16xf32>
        %mul3A_1164 = arith.constant 2 : i32
        %mul3A_1165 = arith.muli %scan3A_776, %mul3A_1164 : i32
        %add3A_1166 = arith.constant 0 : i32
        %add3A_1167 = arith.addi %mul3A_1165, %add3A_1166 : i32
        %swap3A_1168 = arith.index_cast %add3A_1167 : i32 to index
        %swap3A_1169 = arith.constant 32 : index
        %swap3A_1170 = tpu.vector_load %arg11[%swap3A_1168, %swap3A_1169] {strides = array<i32>} : memref<128x128xf32, #tpu.memory_space<vmem>>, vector<1x16xf32>,
        %swap3A_1171 = vector.shape_cast %swap3A_1170 : vector<1x16xf32> to vector<16xf32>
        %swap3A_1172 = vector.shape_cast %add3A_1163 : vector<16xf32> to vector<1x16xf32>
        tpu.vector_store %arg11[%swap3A_1168, %swap3A_1169], %swap3A_1172 {strides = array<i32>} : memref<128x128xf32, #tpu.memory_space<vmem>>, vector<1x16xf32>,
        %sub3A_1173 = arith.subf %add3A_835, %gather3A_1131 : vector<16xf32>
        %mul3A_1174 = arith.mulf %sub3A_1173, %gather3A_1133 : vector<16xf32>
        %mul3A_1175 = arith.mulf %mul3A_1174, %get3A_13 : vector<16xf32>
        %add3A_1176 = arith.addf %mul3A_1175, %get3A_25 : vector<16xf32>
        %mul3A_1177 = arith.constant 2 : i32
        %mul3A_1178 = arith.muli %scan3A_776, %mul3A_1177 : i32
        %add3A_1179 = arith.constant 0 : i32
        %add3A_1180 = arith.addi %mul3A_1178, %add3A_1179 : i32
        %swap3A_1181 = arith.index_cast %add3A_1180 : i32 to index
        %swap3A_1182 = arith.constant 48 : index
        %swap3A_1183 = tpu.vector_load %arg11[%swap3A_1181, %swap3A_1182] {strides = array<i32>} : memref<128x128xf32, #tpu.memory_space<vmem>>, vector<1x16xf32>,
        %swap3A_1184 = vector.shape_cast %swap3A_1183 : vector<1x16xf32> to vector<16xf32>
        %swap3A_1185 = vector.shape_cast %add3A_1176 : vector<16xf32> to vector<1x16xf32>
        tpu.vector_store %arg11[%swap3A_1181, %swap3A_1182], %swap3A_1185 {strides = array<i32>} : memref<128x128xf32, #tpu.memory_space<vmem>>, vector<1x16xf32>,
        %gather3A_1186 = vector.shape_cast %reshape3A_56 : vector<16x1xi32> to vector<16xi32>
        %gather3A_1187 = tpu.dynamic_gather %mul3A_1099[%gather3A_1186] in [0] : vector<16xf32>, vector<16xi32> -> vector<16xf32>
        %gather3A_1188 = vector.shape_cast %reshape3A_56 : vector<16x1xi32> to vector<16xi32>
        %gather3A_1189 = tpu.dynamic_gather %mul3A_1129[%gather3A_1188] in [0] : vector<16xf32>, vector<16xi32> -> vector<16xf32>
        %sub3A_1190 = arith.subf %add3A_868, %gather3A_1187 : vector<16xf32>
        %mul3A_1191 = arith.mulf %sub3A_1190, %gather3A_1189 : vector<16xf32>
        %mul3A_1192 = arith.mulf %mul3A_1191, %get3A_4 : vector<16xf32>
        %add3A_1193 = arith.addf %mul3A_1192, %get3A_16 : vector<16xf32>
        %mul3A_1194 = arith.constant 2 : i32
        %mul3A_1195 = arith.muli %scan3A_776, %mul3A_1194 : i32
        %add3A_1196 = arith.constant 0 : i32
        %add3A_1197 = arith.addi %mul3A_1195, %add3A_1196 : i32
        %swap3A_1198 = arith.index_cast %add3A_1197 : i32 to index
        %swap3A_1199 = arith.constant 64 : index
        %swap3A_1200 = tpu.vector_load %arg11[%swap3A_1198, %swap3A_1199] {strides = array<i32>} : memref<128x128xf32, #tpu.memory_space<vmem>>, vector<1x16xf32>,
        %swap3A_1201 = vector.shape_cast %swap3A_1200 : vector<1x16xf32> to vector<16xf32>
        %swap3A_1202 = vector.shape_cast %add3A_1193 : vector<16xf32> to vector<1x16xf32>
        tpu.vector_store %arg11[%swap3A_1198, %swap3A_1199], %swap3A_1202 {strides = array<i32>} : memref<128x128xf32, #tpu.memory_space<vmem>>, vector<1x16xf32>,
        %sub3A_1203 = arith.subf %add3A_879, %gather3A_1187 : vector<16xf32>
        %mul3A_1204 = arith.mulf %sub3A_1203, %gather3A_1189 : vector<16xf32>
        %mul3A_1205 = arith.mulf %mul3A_1204, %get3A_7 : vector<16xf32>
        %add3A_1206 = arith.addf %mul3A_1205, %get3A_19 : vector<16xf32>
        %mul3A_1207 = arith.constant 2 : i32
        %mul3A_1208 = arith.muli %scan3A_776, %mul3A_1207 : i32
        %add3A_1209 = arith.constant 0 : i32
        %add3A_1210 = arith.addi %mul3A_1208, %add3A_1209 : i32
        %swap3A_1211 = arith.index_cast %add3A_1210 : i32 to index
        %swap3A_1212 = arith.constant 80 : index
        %swap3A_1213 = tpu.vector_load %arg11[%swap3A_1211, %swap3A_1212] {strides = array<i32>} : memref<128x128xf32, #tpu.memory_space<vmem>>, vector<1x16xf32>,
        %swap3A_1214 = vector.shape_cast %swap3A_1213 : vector<1x16xf32> to vector<16xf32>
        %swap3A_1215 = vector.shape_cast %add3A_1206 : vector<16xf32> to vector<1x16xf32>
        tpu.vector_store %arg11[%swap3A_1211, %swap3A_1212], %swap3A_1215 {strides = array<i32>} : memref<128x128xf32, #tpu.memory_space<vmem>>, vector<1x16xf32>,
        %sub3A_1216 = arith.subf %add3A_890, %gather3A_1187 : vector<16xf32>
        %mul3A_1217 = arith.mulf %sub3A_1216, %gather3A_1189 : vector<16xf32>
        %mul3A_1218 = arith.mulf %mul3A_1217, %get3A_10 : vector<16xf32>
        %add3A_1219 = arith.addf %mul3A_1218, %get3A_22 : vector<16xf32>
        %mul3A_1220 = arith.constant 2 : i32
        %mul3A_1221 = arith.muli %scan3A_776, %mul3A_1220 : i32
        %add3A_1222 = arith.constant 0 : i32
        %add3A_1223 = arith.addi %mul3A_1221, %add3A_1222 : i32
        %swap3A_1224 = arith.index_cast %add3A_1223 : i32 to index
        %swap3A_1225 = arith.constant 96 : index
        %swap3A_1226 = tpu.vector_load %arg11[%swap3A_1224, %swap3A_1225] {strides = array<i32>} : memref<128x128xf32, #tpu.memory_space<vmem>>, vector<1x16xf32>,
        %swap3A_1227 = vector.shape_cast %swap3A_1226 : vector<1x16xf32> to vector<16xf32>
        %swap3A_1228 = vector.shape_cast %add3A_1219 : vector<16xf32> to vector<1x16xf32>
        tpu.vector_store %arg11[%swap3A_1224, %swap3A_1225], %swap3A_1228 {strides = array<i32>} : memref<128x128xf32, #tpu.memory_space<vmem>>, vector<1x16xf32>,
        %sub3A_1229 = arith.subf %add3A_901, %gather3A_1187 : vector<16xf32>
        %mul3A_1230 = arith.mulf %sub3A_1229, %gather3A_1189 : vector<16xf32>
        %mul3A_1231 = arith.mulf %mul3A_1230, %get3A_13 : vector<16xf32>
        %add3A_1232 = arith.addf %mul3A_1231, %get3A_25 : vector<16xf32>
        %mul3A_1233 = arith.constant 2 : i32
        %mul3A_1234 = arith.muli %scan3A_776, %mul3A_1233 : i32
        %add3A_1235 = arith.constant 0 : i32
        %add3A_1236 = arith.addi %mul3A_1234, %add3A_1235 : i32
        %swap3A_1237 = arith.index_cast %add3A_1236 : i32 to index
        %swap3A_1238 = arith.constant 112 : index
        %swap3A_1239 = tpu.vector_load %arg11[%swap3A_1237, %swap3A_1238] {strides = array<i32>} : memref<128x128xf32, #tpu.memory_space<vmem>>, vector<1x16xf32>,
        %swap3A_1240 = vector.shape_cast %swap3A_1239 : vector<1x16xf32> to vector<16xf32>
        %swap3A_1241 = vector.shape_cast %add3A_1232 : vector<16xf32> to vector<1x16xf32>
        tpu.vector_store %arg11[%swap3A_1237, %swap3A_1238], %swap3A_1241 {strides = array<i32>} : memref<128x128xf32, #tpu.memory_space<vmem>>, vector<1x16xf32>,
        %gather3A_1242 = vector.shape_cast %reshape3A_60 : vector<16x1xi32> to vector<16xi32>
        %gather3A_1243 = tpu.dynamic_gather %mul3A_1099[%gather3A_1242] in [0] : vector<16xf32>, vector<16xi32> -> vector<16xf32>
        %gather3A_1244 = vector.shape_cast %reshape3A_60 : vector<16x1xi32> to vector<16xi32>
        %gather3A_1245 = tpu.dynamic_gather %mul3A_1129[%gather3A_1244] in [0] : vector<16xf32>, vector<16xi32> -> vector<16xf32>
        %sub3A_1246 = arith.subf %add3A_934, %gather3A_1243 : vector<16xf32>
        %mul3A_1247 = arith.mulf %sub3A_1246, %gather3A_1245 : vector<16xf32>
        %mul3A_1248 = arith.mulf %mul3A_1247, %get3A_4 : vector<16xf32>
        %add3A_1249 = arith.addf %mul3A_1248, %get3A_16 : vector<16xf32>
        %mul3A_1250 = arith.constant 2 : i32
        %mul3A_1251 = arith.muli %scan3A_776, %mul3A_1250 : i32
        %add3A_1252 = arith.constant 1 : i32
        %add3A_1253 = arith.addi %mul3A_1251, %add3A_1252 : i32
        %swap3A_1254 = arith.index_cast %add3A_1253 : i32 to index
        %swap3A_1255 = arith.constant 0 : index
        %swap3A_1256 = tpu.vector_load %arg11[%swap3A_1254, %swap3A_1255] {strides = array<i32>} : memref<128x128xf32, #tpu.memory_space<vmem>>, vector<1x16xf32>,
        %swap3A_1257 = vector.shape_cast %swap3A_1256 : vector<1x16xf32> to vector<16xf32>
        %swap3A_1258 = vector.shape_cast %add3A_1249 : vector<16xf32> to vector<1x16xf32>
        tpu.vector_store %arg11[%swap3A_1254, %swap3A_1255], %swap3A_1258 {strides = array<i32>} : memref<128x128xf32, #tpu.memory_space<vmem>>, vector<1x16xf32>,
        %sub3A_1259 = arith.subf %add3A_945, %gather3A_1243 : vector<16xf32>
        %mul3A_1260 = arith.mulf %sub3A_1259, %gather3A_1245 : vector<16xf32>
        %mul3A_1261 = arith.mulf %mul3A_1260, %get3A_7 : vector<16xf32>
        %add3A_1262 = arith.addf %mul3A_1261, %get3A_19 : vector<16xf32>
        %mul3A_1263 = arith.constant 2 : i32
        %mul3A_1264 = arith.muli %scan3A_776, %mul3A_1263 : i32
        %add3A_1265 = arith.constant 1 : i32
        %add3A_1266 = arith.addi %mul3A_1264, %add3A_1265 : i32
        %swap3A_1267 = arith.index_cast %add3A_1266 : i32 to index
        %swap3A_1268 = arith.constant 16 : index
        %swap3A_1269 = tpu.vector_load %arg11[%swap3A_1267, %swap3A_1268] {strides = array<i32>} : memref<128x128xf32, #tpu.memory_space<vmem>>, vector<1x16xf32>,
        %swap3A_1270 = vector.shape_cast %swap3A_1269 : vector<1x16xf32> to vector<16xf32>
        %swap3A_1271 = vector.shape_cast %add3A_1262 : vector<16xf32> to vector<1x16xf32>
        tpu.vector_store %arg11[%swap3A_1267, %swap3A_1268], %swap3A_1271 {strides = array<i32>} : memref<128x128xf32, #tpu.memory_space<vmem>>, vector<1x16xf32>,
        %sub3A_1272 = arith.subf %add3A_956, %gather3A_1243 : vector<16xf32>
        %mul3A_1273 = arith.mulf %sub3A_1272, %gather3A_1245 : vector<16xf32>
        %mul3A_1274 = arith.mulf %mul3A_1273, %get3A_10 : vector<16xf32>
        %add3A_1275 = arith.addf %mul3A_1274, %get3A_22 : vector<16xf32>
        %mul3A_1276 = arith.constant 2 : i32
        %mul3A_1277 = arith.muli %scan3A_776, %mul3A_1276 : i32
        %add3A_1278 = arith.constant 1 : i32
        %add3A_1279 = arith.addi %mul3A_1277, %add3A_1278 : i32
        %swap3A_1280 = arith.index_cast %add3A_1279 : i32 to index
        %swap3A_1281 = arith.constant 32 : index
        %swap3A_1282 = tpu.vector_load %arg11[%swap3A_1280, %swap3A_1281] {strides = array<i32>} : memref<128x128xf32, #tpu.memory_space<vmem>>, vector<1x16xf32>,
        %swap3A_1283 = vector.shape_cast %swap3A_1282 : vector<1x16xf32> to vector<16xf32>
        %swap3A_1284 = vector.shape_cast %add3A_1275 : vector<16xf32> to vector<1x16xf32>
        tpu.vector_store %arg11[%swap3A_1280, %swap3A_1281], %swap3A_1284 {strides = array<i32>} : memref<128x128xf32, #tpu.memory_space<vmem>>, vector<1x16xf32>,
        %sub3A_1285 = arith.subf %add3A_967, %gather3A_1243 : vector<16xf32>
        %mul3A_1286 = arith.mulf %sub3A_1285, %gather3A_1245 : vector<16xf32>
        %mul3A_1287 = arith.mulf %mul3A_1286, %get3A_13 : vector<16xf32>
        %add3A_1288 = arith.addf %mul3A_1287, %get3A_25 : vector<16xf32>
        %mul3A_1289 = arith.constant 2 : i32
        %mul3A_1290 = arith.muli %scan3A_776, %mul3A_1289 : i32
        %add3A_1291 = arith.constant 1 : i32
        %add3A_1292 = arith.addi %mul3A_1290, %add3A_1291 : i32
        %swap3A_1293 = arith.index_cast %add3A_1292 : i32 to index
        %swap3A_1294 = arith.constant 48 : index
        %swap3A_1295 = tpu.vector_load %arg11[%swap3A_1293, %swap3A_1294] {strides = array<i32>} : memref<128x128xf32, #tpu.memory_space<vmem>>, vector<1x16xf32>,
        %swap3A_1296 = vector.shape_cast %swap3A_1295 : vector<1x16xf32> to vector<16xf32>
        %swap3A_1297 = vector.shape_cast %add3A_1288 : vector<16xf32> to vector<1x16xf32>
        tpu.vector_store %arg11[%swap3A_1293, %swap3A_1294], %swap3A_1297 {strides = array<i32>} : memref<128x128xf32, #tpu.memory_space<vmem>>, vector<1x16xf32>,
        %gather3A_1298 = vector.shape_cast %reshape3A_64 : vector<16x1xi32> to vector<16xi32>
        %gather3A_1299 = tpu.dynamic_gather %mul3A_1099[%gather3A_1298] in [0] : vector<16xf32>, vector<16xi32> -> vector<16xf32>
        %gather3A_1300 = vector.shape_cast %reshape3A_64 : vector<16x1xi32> to vector<16xi32>
        %gather3A_1301 = tpu.dynamic_gather %mul3A_1129[%gather3A_1300] in [0] : vector<16xf32>, vector<16xi32> -> vector<16xf32>
        %sub3A_1302 = arith.subf %add3A_1000, %gather3A_1299 : vector<16xf32>
        %mul3A_1303 = arith.mulf %sub3A_1302, %gather3A_1301 : vector<16xf32>
        %mul3A_1304 = arith.mulf %mul3A_1303, %get3A_4 : vector<16xf32>
        %add3A_1305 = arith.addf %mul3A_1304, %get3A_16 : vector<16xf32>
        %mul3A_1306 = arith.constant 2 : i32
        %mul3A_1307 = arith.muli %scan3A_776, %mul3A_1306 : i32
        %add3A_1308 = arith.constant 1 : i32
        %add3A_1309 = arith.addi %mul3A_1307, %add3A_1308 : i32
        %swap3A_1310 = arith.index_cast %add3A_1309 : i32 to index
        %swap3A_1311 = arith.constant 64 : index
        %swap3A_1312 = tpu.vector_load %arg11[%swap3A_1310, %swap3A_1311] {strides = array<i32>} : memref<128x128xf32, #tpu.memory_space<vmem>>, vector<1x16xf32>,
        %swap3A_1313 = vector.shape_cast %swap3A_1312 : vector<1x16xf32> to vector<16xf32>
        %swap3A_1314 = vector.shape_cast %add3A_1305 : vector<16xf32> to vector<1x16xf32>
        tpu.vector_store %arg11[%swap3A_1310, %swap3A_1311], %swap3A_1314 {strides = array<i32>} : memref<128x128xf32, #tpu.memory_space<vmem>>, vector<1x16xf32>,
        %sub3A_1315 = arith.subf %add3A_1011, %gather3A_1299 : vector<16xf32>
        %mul3A_1316 = arith.mulf %sub3A_1315, %gather3A_1301 : vector<16xf32>
        %mul3A_1317 = arith.mulf %mul3A_1316, %get3A_7 : vector<16xf32>
        %add3A_1318 = arith.addf %mul3A_1317, %get3A_19 : vector<16xf32>
        %mul3A_1319 = arith.constant 2 : i32
        %mul3A_1320 = arith.muli %scan3A_776, %mul3A_1319 : i32
        %add3A_1321 = arith.constant 1 : i32
        %add3A_1322 = arith.addi %mul3A_1320, %add3A_1321 : i32
        %swap3A_1323 = arith.index_cast %add3A_1322 : i32 to index
        %swap3A_1324 = arith.constant 80 : index
        %swap3A_1325 = tpu.vector_load %arg11[%swap3A_1323, %swap3A_1324] {strides = array<i32>} : memref<128x128xf32, #tpu.memory_space<vmem>>, vector<1x16xf32>,
        %swap3A_1326 = vector.shape_cast %swap3A_1325 : vector<1x16xf32> to vector<16xf32>
        %swap3A_1327 = vector.shape_cast %add3A_1318 : vector<16xf32> to vector<1x16xf32>
        tpu.vector_store %arg11[%swap3A_1323, %swap3A_1324], %swap3A_1327 {strides = array<i32>} : memref<128x128xf32, #tpu.memory_space<vmem>>, vector<1x16xf32>,
        %sub3A_1328 = arith.subf %add3A_1022, %gather3A_1299 : vector<16xf32>
        %mul3A_1329 = arith.mulf %sub3A_1328, %gather3A_1301 : vector<16xf32>
        %mul3A_1330 = arith.mulf %mul3A_1329, %get3A_10 : vector<16xf32>
        %add3A_1331 = arith.addf %mul3A_1330, %get3A_22 : vector<16xf32>
        %mul3A_1332 = arith.constant 2 : i32
        %mul3A_1333 = arith.muli %scan3A_776, %mul3A_1332 : i32
        %add3A_1334 = arith.constant 1 : i32
        %add3A_1335 = arith.addi %mul3A_1333, %add3A_1334 : i32
        %swap3A_1336 = arith.index_cast %add3A_1335 : i32 to index
        %swap3A_1337 = arith.constant 96 : index
        %swap3A_1338 = tpu.vector_load %arg11[%swap3A_1336, %swap3A_1337] {strides = array<i32>} : memref<128x128xf32, #tpu.memory_space<vmem>>, vector<1x16xf32>,
        %swap3A_1339 = vector.shape_cast %swap3A_1338 : vector<1x16xf32> to vector<16xf32>
        %swap3A_1340 = vector.shape_cast %add3A_1331 : vector<16xf32> to vector<1x16xf32>
        tpu.vector_store %arg11[%swap3A_1336, %swap3A_1337], %swap3A_1340 {strides = array<i32>} : memref<128x128xf32, #tpu.memory_space<vmem>>, vector<1x16xf32>,
        %sub3A_1341 = arith.subf %add3A_1033, %gather3A_1299 : vector<16xf32>
        %mul3A_1342 = arith.mulf %sub3A_1341, %gather3A_1301 : vector<16xf32>
        %mul3A_1343 = arith.mulf %mul3A_1342, %get3A_13 : vector<16xf32>
        %add3A_1344 = arith.addf %mul3A_1343, %get3A_25 : vector<16xf32>
        %mul3A_1345 = arith.constant 2 : i32
        %mul3A_1346 = arith.muli %scan3A_776, %mul3A_1345 : i32
        %add3A_1347 = arith.constant 1 : i32
        %add3A_1348 = arith.addi %mul3A_1346, %add3A_1347 : i32
        %swap3A_1349 = arith.index_cast %add3A_1348 : i32 to index
        %swap3A_1350 = arith.constant 112 : index
        %swap3A_1351 = tpu.vector_load %arg11[%swap3A_1349, %swap3A_1350] {strides = array<i32>} : memref<128x128xf32, #tpu.memory_space<vmem>>, vector<1x16xf32>,
        %swap3A_1352 = vector.shape_cast %swap3A_1351 : vector<1x16xf32> to vector<16xf32>
        %swap3A_1353 = vector.shape_cast %add3A_1344 : vector<16xf32> to vector<1x16xf32>
        tpu.vector_store %arg11[%swap3A_1349, %swap3A_1350], %swap3A_1353 {strides = array<i32>} : memref<128x128xf32, #tpu.memory_space<vmem>>, vector<1x16xf32>,
        %scan3A_1354 = arith.constant 0 : i32
        scf.yield %scan3A_1354 : i32
      }
      %scan3A_170 = arith.constant 64 : i32
      %jit3A_171 = arith.constant 2 : i32
      %div3A_172 = arith.divsi %add3A_143, %jit3A_171 : i32
      %sign3A_173 = arith.constant 0 : i32
      %sign3A_174 = arith.cmpi sgt, %add3A_143, %sign3A_173 : i32
      %sign3A_175 = arith.extui %sign3A_174 : i1 to i32
      %sign3A_176 = arith.constant 0 : i32
      %sign3A_177 = arith.cmpi slt, %add3A_143, %sign3A_176 : i32
      %sign3A_178 = arith.extui %sign3A_177 : i1 to i32
      %sign3A_179 = arith.subi %sign3A_175, %sign3A_178 : i32
      %sign3A_180 = arith.constant 0 : i32
      %sign3A_181 = arith.cmpi sgt, %jit3A_171, %sign3A_180 : i32
      %sign3A_182 = arith.extui %sign3A_181 : i1 to i32
      %sign3A_183 = arith.constant 0 : i32
      %sign3A_184 = arith.cmpi slt, %jit3A_171, %sign3A_183 : i32
      %sign3A_185 = arith.extui %sign3A_184 : i1 to i32
      %sign3A_186 = arith.subi %sign3A_182, %sign3A_185 : i32
      %ne3A_187 = arith.cmpi ne, %sign3A_179, %sign3A_186 : i32
      %rem3A_188 = arith.remsi %add3A_143, %jit3A_171 : i32
      %ne3A_189 = arith.constant 0 : i32
      %ne3A_190 = arith.cmpi ne, %rem3A_188, %ne3A_189 : i32
      %and3A_191 = arith.andi %ne3A_187, %ne3A_190 : i1
      %sub3A_192 = arith.constant 1 : i32
      %sub3A_193 = arith.subi %div3A_172, %sub3A_192 : i32
      %select_n3A_194 = arith.select %and3A_191, %sub3A_193, %div3A_172 : i32
      %dma_start3A_195 = arith.constant 0 : i32
      %dma_start3A_196 = tpu.memref_slice %arg7[%select_n3A_194, %dma_start3A_195] : memref<409600x128xf32, #tpu.memory_space<hbm>> -> memref<128x128xf32, #tpu.memory_space<hbm>>
      %dma_start3A_197 = arith.constant 0 : i32
      %dma_start3A_198 = tpu.memref_slice %arg7[%select_n3A_194, %dma_start3A_197] : memref<409600x128xf32, #tpu.memory_space<hbm>> -> memref<128x128xf32, #tpu.memory_space<hbm>>
      tpu.enqueue_dma source(%arg11 : memref<128x128xf32, #tpu.memory_space<vmem>>) target(%dma_start3A_198 : memref<128x128xf32, #tpu.memory_space<hbm>>) target_semaphore(%arg17 : memref<!tpu.dma_semaphore, #tpu.memory_space<semaphore_mem>>)
      %scan3A_199 = arith.constant 0 : i32
      scf.yield %scan3A_199 : i32
    }
    %scan3A_77 = arith.constant 50 : i32
    %dma_wait3A = arith.constant 0 : i32
    %dma_wait3A_78 = arith.constant 0 : i32
    %dma_wait3A_79 = tpu.memref_slice %arg7[%dma_wait3A, %dma_wait3A_78] : memref<409600x128xf32, #tpu.memory_space<hbm>> -> memref<128x128xf32, #tpu.memory_space<hbm>>
    %dma_wait3A_80 = arith.constant 0 : i32
    %dma_wait3A_81 = arith.constant 0 : i32
    %dma_wait3A_82 = tpu.memref_slice %arg7[%dma_wait3A_80, %dma_wait3A_81] : memref<409600x128xf32, #tpu.memory_space<hbm>> -> memref<128x128xf32, #tpu.memory_space<hbm>>
    tpu.wait_dma2 semaphore(%arg17 : memref<!tpu.dma_semaphore, #tpu.memory_space<semaphore_mem>>) src(%arg11 : memref<128x128xf32, #tpu.memory_space<vmem>>) dst(%dma_wait3A_82 : memref<128x128xf32, #tpu.memory_space<hbm>>)
    return
  }
}

</mosaic_0001>

<sc_bundles>
// kernel: kernel.3.cloned.1.call-start
scs
__scs_entry_jumppad:
0x0: {  	(pc) =	sbr.rel $0x88, $3  }
0x1: {  	(tag) =	ssettag $0x0;
	lr =	simm.s32 $0x1  }
0x2: {  	[smem:$0x3F9C] =	sst lr;
	_ =	strace $0xD0000000  }
0x3: {  	_ = 	snop  }
0x4: {  	_ = 	snop  }
0x5: {  	_ = 	snop  }
0x6: {  	_ = 	snop  }
0x7: {  	_ = 	snop  }
__scs_overlays_trampoline_lowered:
0x8: {  	[smem:$0x3FAB] =	sst s0  }
0x9: {  	[smem:$0x3FAC] =	sst s1  }
0xa: {  	[smem:$0x3FAD] =	sst s2  }
0xb: {  	[smem:$0x3FAE] =	sst s3  }
0xc: {  	[smem:$0x3FAF] =	sst s4  }
0xd: {  	[smem:$0x3FB0] =	sst s5  }
0xe: {  	[smem:$0x3FB1] =	sst s6  }
0xf: {  	[smem:$0x3FB2] =	sst s7  }
0x10: {  	[smem:$0x3FB3] =	sst s8  }
0x11: {  	[smem:$0x3FB4] =	sst s9;
	s0 =	simm.s32 @!p0 $0x0  }
0x12: {  	s1 =	sld [smem:$0x3F9A];
	s0 =	simm.s32 @p0 $0x1  }
0x13: {  	[smem:$0x3FB5] =	sst s0;
	s0 =	simm.s32 @!p1 $0x0  }
0x14: {  	s2 =	sld [smem:$0x3F99];
	s0 =	simm.s32 @p1 $0x1  }
0x15: {  	[smem:$0x3FB6] =	sst s0;
	s0 =	simm.s32 @!p2 $0x0  }
0x16: {  	s3 =	sld [smem:$0x3FDB];
	s0 =	simm.s32 @p2 $0x1  }
0x17: {  	s4 =	simm.s32 $0x1BF5;
	[smem:$0x3FB8] =	sst s0  }
0x18: {  	s0 =	sld [smem:$0x3F9B];
	_ =	swait.ge [sflag:s4], $0x0  }
0x19: {  	s7 =	sld [smem:$0x3F9C]  }
0x1a: {  	s8 =	sadd.s32 $0xFFFFE003, lr  }
0x1b: {  	s9 =	sadd.s32 $0xFFFFFEF7, lr;
	s5 =	simm.s32 $0xFFFFFFFF;
	p2 =	slt.u32 s8, $0xFFFFF086  }
0x1c: {  	p1 =	slt.u32 s9, $0xF7A;
	s5 =	simm.s32 @!p2 $0x0  }
0x1d: {  	s5 =	simm.s32 @p1 $0x1;
	p0 =	seq.s32 s7, s2  }
0x1e: {  	s7 =	smul.u32 @!p0 $0xF7A, s2;
	p2 =	seq.s32 @!p0 s5, $0x0  }
0x1f: {  	s9 =	smul.u32 $0xF7A, s1;
	s8 =	simm.s32 @!p0 $0x1BF5;
	p2 =	por !p2, p0  }
0x20: {  	[sflag:s8] =	ssyncset.s32 @!p0 $0xFFFFF086;
	s6 =	sadd.s32 @!p0 s3, s7;
	s7 =	simm.s32 @!p0 $0x108  }
0x21: {  	s3 =	sadd.s32 s3, s9;
	s6 =	sadd.s32 @!p0 $0x88, s6;
	s7 =	simm.s32 @p2 $0x1082  }
0x22: {  	[simem:s7], [sflag:s8] =	dma.local @!p0 [hbm:s6], $0xF7A  }
0x23: {  	s9 =	sor.u32 $0xD0000000, s2;
	s6 =	simm.s32 $0x108;
	_ =	swait.ge @!p0 [sflag:s8], $0x0  }
0x24: {  	s3 =	sadd.s32 $0x88, s3;
	s6 =	simm.s32 @!p1 $0x1082;
	[sflag:s4] =	ssyncset.s32 $0xFFFFF086  }
0x25: {  	[simem:s6], [sflag:s4] =	dma.local [hbm:s3], $0xF7A  }
0x26: {  	[smem:$0x3F9C] =	sst s1;
	(tag) =	ssettag s2;
	_ =	strace s9  }
0x27: {  	s1 =	sld [smem:$0x3FAC]  }
0x28: {  	s2 =	sld [smem:$0x3FAD]  }
0x29: {  	s4 =	sld [smem:$0x3FAF]  }
0x2a: {  	p0 =	seq.s32 s5, $0x0;
	s5 =	sld [smem:$0x3FB0]  }
0x2b: {  	s6 =	sld [smem:$0x3FB1]  }
0x2c: {  	s7 =	sld [smem:$0x3FB2]  }
0x2d: {  	s3 =	simm.s32 $0x108;
	s8 =	sld [smem:$0x3FB3]  }
0x2e: {  	s3 =	simm.s32 @!p0 $0x1082;
	s9 =	sld [smem:$0x3FB4]  }
0x2f: {  	lr =	sadd.s32 s0, s3;
	s0 =	sld [smem:$0x3FAB]  }
0x30: {  	s3 =	sld [smem:$0x3FAE]  }
0x31: {  	[smem:$0x3FB7] =	sst s10  }
0x32: {  	s10 =	sld [smem:$0x3FB5];
	_ =	sdelay $0x3  }
0x33: {  	p0 =	seq.s32 s10, $0x1;
	s10 =	sld [smem:$0x3FB7];
	_ =	sdelay $0x3  }
0x34: {  	[smem:$0x3FB7] =	sst s10  }
0x35: {  	s10 =	sld [smem:$0x3FB6];
	_ =	sdelay $0x3  }
0x36: {  	p1 =	seq.s32 s10, $0x1;
	s10 =	sld [smem:$0x3FB7];
	_ =	sdelay $0x3  }
0x37: {  	[smem:$0x3FB7] =	sst s10  }
0x38: {  	s10 =	sld [smem:$0x3FB8]  }
0x39: {  	_ = 	snop;
	(pc) =	sbr.ind lr, $3  }
0x3a: {  	_ = 	snop  }
0x3b: {  	_ = 	snop  }
0x3c: {  	p2 =	seq.s32 s10, $0x1;
	s10 =	sld [smem:$0x3FB7]  }
0x3d: {  	_ =	shalt  }
0x3e: {  	_ =	shalt  }
0x3f: {  	_ =	shalt  }
0x40: {  	_ =	shalt  }
0x41: {  	_ =	shalt  }
0x42: {  	_ =	shalt  }
0x43: {  	_ =	shalt  }
0x44: {  	_ =	shalt  }
0x45: {  	_ =	shalt  }
0x46: {  	_ =	shalt  }
0x47: {  	_ =	shalt  }
0x48: {  	_ =	shalt  }
0x49: {  	_ =	shalt  }
0x4a: {  	_ =	shalt  }
0x4b: {  	_ =	shalt  }
0x4c: {  	_ =	shalt  }
0x4d: {  	_ =	shalt  }
0x4e: {  	_ =	shalt  }
0x4f: {  	_ =	shalt  }
0x50: {  	_ =	shalt  }
0x51: {  	_ =	shalt  }
0x52: {  	_ =	shalt  }
0x53: {  	_ =	shalt  }
0x54: {  	_ =	shalt  }
0x55: {  	_ =	shalt  }
0x56: {  	_ =	shalt  }
0x57: {  	_ =	shalt  }
0x58: {  	_ =	shalt  }
0x59: {  	_ =	shalt  }
0x5a: {  	_ =	shalt  }
0x5b: {  	_ =	shalt  }
0x5c: {  	_ =	shalt  }
0x5d: {  	_ =	shalt  }
0x5e: {  	_ =	shalt  }
0x5f: {  	_ =	shalt  }
0x60: {  	_ =	shalt  }
0x61: {  	_ =	shalt  }
0x62: {  	_ =	shalt  }
0x63: {  	_ =	shalt  }
0x64: {  	_ =	shalt  }
0x65: {  	_ =	shalt  }
0x66: {  	_ =	shalt  }
0x67: {  	_ =	shalt  }
0x68: {  	_ =	shalt  }
0x69: {  	_ =	shalt  }
0x6a: {  	_ =	shalt  }
0x6b: {  	_ =	shalt  }
0x6c: {  	_ =	shalt  }
0x6d: {  	_ =	shalt  }
0x6e: {  	_ =	shalt  }
0x6f: {  	_ =	shalt  }
0x70: {  	_ =	shalt  }
0x71: {  	_ =	shalt  }
0x72: {  	_ =	shalt  }
0x73: {  	_ =	shalt  }
0x74: {  	_ =	shalt  }
0x75: {  	_ =	shalt  }
0x76: {  	_ =	shalt  }
0x77: {  	_ =	shalt  }
0x78: {  	_ =	shalt  }
0x79: {  	_ =	shalt  }
0x7a: {  	_ =	shalt  }
0x7b: {  	_ =	shalt  }
0x7c: {  	_ =	shalt  }
0x7d: {  	_ =	shalt  }
0x7e: {  	_ =	shalt  }
0x7f: {  	_ =	shalt  }
0x80: {  	_ =	shalt  }
0x81: {  	_ =	shalt  }
0x82: {  	_ =	shalt  }
0x83: {  	_ =	shalt  }
0x84: {  	_ =	shalt  }
0x85: {  	_ =	shalt  }
0x86: {  	_ =	shalt  }
0x87: {  	_ =	shalt  }
.Lfunc_end0:
.L_simem_size_0:
called_computation.1_lowered:
.L_overlay_start_0:
0x88: {  	s2 =	sld [smem:$0x3FD9]  }
0x89: {  	s3 =	sld [smem:$0x3FFE];
	_ =	sdelay $0x1  }
0x8a: {  	s1 =	srdreg.scid  }
0x8b: {  	s0 =	sand.u32 $0x1, s1  }
0x8c: {  	s17 =	sshll.u32 s0, $0xA;
	s2 =	sadd.s32 s3, s2  }
0x8d: {  	s2 =	sadd.s32 s2, s17  }
0x8e: {  	[smem:$0x3FC3] =	sst s2  }
0x8f: {  	_ = 	snop  }
0x90: {  	s2 =	sld [smem:$0x3FC7]  }
0x91: {  	s18 =	sld [smem:$0x3FC6]  }
0x92: {  	s4 =	sld [smem:$0x3FD0];
	(tm) =	ssettm $0x1  }
0x93: {  	s5 =	sld [smem:$0x3FFB];
	_ =	sdelay $0x3  }
0x94: {  	_ =	strace s5  }
0x95: {  	s5 =	sld [smem:$0x3FFC];
	_ =	sdelay $0x3  }
0x96: {  	_ =	strace s5  }
0x97: {  	s5 =	sld [smem:$0x3FFD];
	_ =	sdelay $0x3  }
0x98: {  	_ =	strace s5  }
0x99: {  	_ =	strace $0x8FFFFFFF  }
0x9a: {  	s19 =	sld [smem:$0x3FDB];
	_ =	sdelay $0x1  }
0x9b: {  	s6 =	simm.s32 $_scs_section_size  }
0x9c: {  	s7 =	simm.s32 $_size__tile_overlayer_lowered;
	s8 =	simm.s32 $_tile_overlayer_lowered  }
0x9d: {  	s22 =	simm.s32 $0x1BFF;
	s21 =	sshll.u32 s8, $0x1;
	s5 =	sadd.s32 s6, s19  }
0x9e: {  	s9 =	simm.s32 $0x0;
	s20 =	sshll.u32 s7, $0x1;
	s7 =	sadd.s32 s21, s5  }
0x9f: {  	[timem:s9], [sflag:s22] =	dma.local [hbm:s7], s20  }
0xa0: {  	_ =	swait.ge [sflag:s22], s20  }
0xa1: {  	s6 =	ssub.s32 $0x0, s20;
	[sflag:s22] =	ssyncset.done $0x0  }
0xa2: {  	[sflag:s22] =	ssyncadd.s32 s6;
	_ =	sdelay $0x1  }
0xa3: {  	s23 =	simm.s32 $0x1B8B  }
0xa4: {  	_ =	swait.ge [sflag:s23], $0x1  }
0xa5: {  	[sflag:s23] =	ssyncset.done $0x0  }
0xa6: {  	s25 =	simm.s32 $0x1B8E;
	s24 =	sld [smem:$0x3FFE];
	[sflag:s23] =	ssyncadd.s32 $0xFFFFFFFF  }
0xa7: {  	s26 =	simm.s32 $execute0_lowered;
	[smem:$0x3FD2] =	sst s25  }
0xa8: {  	s7 =	sshll.u32 s26, $0x1;
	_ =	strace $0x80000046;
	[dreg:$0x1] =	wrdreg $0xFFFFFFFF  }
0xa9: {  	s28 =	simm.s32 $_size_execute0_lowered;
	s5 =	sadd.s32 s5, s7;
	[dreg:$0x0] =	wrdreg $0x0  }
0xaa: {  	s7 =	sshll.u32 s28, $0x1;
	[dreg:$0x2] =	wrdreg s5  }
0xab: {  	[dreg:$0x3] =	wrdreg s7  }
0xac: {  	[dreg:$0x4] =	wrdreg $0xC0  }
0xad: {  	_ =	task [dreg:s9], $0x5FFFF  }
0xae: {  	[dreg:$0x1] =	wrdreg $0xFFFFFFFF  }
0xaf: {  	[dreg:$0x0] =	wrdreg $0x60  }
0xb0: {  	[dreg:$0x2] =	wrdreg s24  }
0xb1: {  	[dreg:$0x3] =	wrdreg s2  }
0xb2: {  	[dreg:$0x4] =	wrdreg s18  }
0xb3: {  	[dreg:$0x5] =	wrdreg s4  }
0xb4: {  	[dreg:$0x6] =	wrdreg $0x9  }
0xb5: {  	_ =	task.clear_ibuf [dreg:s9], $0x7FFFF;
	_ =	strace $0x90000046  }
0xb6: {  	s29 =	simm.s32 $0x9;
	_ =	strace $0x80000048  }
0xb7: {  	_ =	swait.ge [sflag:s29], $0x1  }
0xb8: {  	[sflag:s29] =	ssyncadd.s32 $0xFFFFFFFF  }
0xb9: {  	_ =	strace $0x90000048  }
0xba: {  	_ =	sfence  }
0xbb: {  	s30 =	sld [smem:$0x0];
	_ =	sdelay $0x2  }
0xbc: {  	s31 =	sshll.u32 s1, $0xD;
	s1 =	sshrl.u32 s1, $0x2  }
0xbd: {  	s3 =	sand.u32 $0x4000, s31;
	s1 =	sadd.s32 s1, s30  }
0xbe: {  	s0 =	sor.u32 s3, s0;
	s1 =	sshll.u32 s1, $0x11  }
0xbf: {  	s0 =	sor.u32 s1, s0  }
0xc0: {  	s0 =	sadd.s32 $0x8F2B, s0  }
0xc1: {  	[sflag:s0] =	ssyncadd.remote.s32 $0x1  }
0xc2: {  	_ =	sfence.sel $0xFFFF  }
0xc3: {  	[dreg:$0x0] =	wrdreg $0xFFFFFFFF;
	(pc) =	sbr.abs _section_cstart, $3  }
0xc4: {  	[dreg:$0x1] =	wrdreg $0xFFFFFFFF  }
0xc5: {  	_ =	task.clear_ibuf [dreg:s9], $0x2FFFF;
	_ =	strace $0x9FFFFFFF  }
0xc6: {  	(tm) =	ssettm $0x7FFFFFFF  }
0xc7: {  	_ =	shalt  }
tec
execute0_lowered:
.L_overlay_start_1:
0x0: {  	(tag) =	ssettag $0x1  }
0x1: {  	v0 =	vimm.s32 $0xFEDCBA98  }
0x2: {  	v1 =	vimm.s32 $0x76543210;
	v0 =	vunpack.c.l.s4.s8 v0  }
0x3: {  	s0 =	rddreg [dreg:$0x0];
	s1 =	srdreg.scid;
	v2 =	vimm.s32 $0x32107654;
	v1 =	vunpack.c.l.s4.s8 v1  }
0x4: {  	s4 =	stileid.u32;
	s3 =	rddreg [dreg:$0x3];
	v3 =	vimm.s32 $0xDCFE98BA;
	v4 =	vimm.s32 $0x54761032;
	v0 =	vunpack.c.0.s8.s32 v0  }
0x5: {  	s5 =	simm.s32 $0x0;
	v5 =	vimm.s32 $0xEFCDAB89;
	v6 =	vimm.s32 $0x67452301;
	s15 =	simm.s32 $0x4;
	s19 =	simm.s32 $0x100;
	v1 =	vunpack.c.0.s8.s32 v1  }
0x6: {  	vm0 =	vmmov $0xff;
	vm1 =	vcmask $0x2F20;
	s21 =	simm.s32 $0x1;
	s22 =	simm.s32 $0xE400;
	s23 =	simm.s32 $0x16400;
	v0 =	vand.u32 $0xF, v0  }
0x7: {  	vm2 =	vcmask $0xF00;
	s24 =	simm.s32 $0x2;
	s1 =	sand.u32 $0x1, s1;
	s2 =	sshll.u32 s4, $0x1;
	v0 =	vcombine.low v0, v1;
	v1 =	vimm.s32 $0xBA98FEDC  }
0x8: {  	s25 =	simm.s32 $0x3;
	s29 =	smul.u32 $0xC800, s4;
	v2 =	vunpack.c.l.s4.s8 v2;
	v3 =	vunpack.c.l.s4.s8 v3;
	s2 =	sor.u32 s1, s2;
	v1 =	vunpack.c.l.s4.s8 v1  }
0x9: {  	s26 =	simm.s32 $0x0;
	[smem:$0x7FF] =	sst s5;
	v4 =	vunpack.c.l.s4.s8 v4;
	v5 =	vunpack.c.l.s4.s8 v5;
	v6 =	vunpack.c.l.s4.s8 v6;
	s6 =	smul.u32 $0x6400, s2  }
0xa: {  	s7 =	sadd.s32 $0xF5C800, s0;
	_ =	strace $0x80000047;
	s9 =	ssub.s32 $0x2, s1;
	v2 =	vunpack.c.0.s8.s32 v2;
	v3 =	vunpack.c.0.s8.s32 v3;
	v1 =	vunpack.c.0.s8.s32 v1  }
0xb: {  	s1 =	smul.u32 $0x6400, s1;
	s10 =	sshrl.u32 s9, $0x1;
	v4 =	vunpack.c.0.s8.s32 v4;
	v5 =	vunpack.c.0.s8.s32 v5;
	v6 =	vunpack.c.0.s8.s32 v6;
	s30 =	sshrl.u32 s6, $0x3  }
0xc: {  	v7 =	vlaneseq.u32;
	vm1 =	vmor vm2, vm1;
	s31 =	ssub.s32 s9, s10;
	s4 =	sadd.s32 s30, s0;
	s0 =	sadd.s32 $0xF5C000, s0;
	v1 =	vcombine.low v2, v1  }
0xd: {  	s11 =	sadd.s32 s1, s29;
	[dreg:$0x7] =	wrdreg s0;
	s4 =	sadd.s32 $0xF43000, s4;
	v2 =	vcombine.low v4, v3;
	v3 =	vcombine.low v6, v5;
	v4 =	vand.u32 $0x3, v7  }
0xe: {  	s18 =	sor.u32 $0x7, s11;
	s0 =	smax.u32 s31, $0x1;
	[dreg:$0x8] =	wrdreg s4;
	v7 =	vor.u32 $0xC, v7;
	v5 =	vor.u32 $0x8, v4;
	v6 =	vor.u32 $0x4, v4  }
0xf: {  	s13 =	sor.u32 $0x100, s11;
	s14 =	sor.u32 $0x107, s11;
	[dreg:$0x9] =	wrdreg s0;
	v1 =	vand.u32 $0xF, v1;
	v2 =	vand.u32 $0xF, v2;
	v3 =	vand.u32 $0xF, v3  }
.LBB2_1:
0x10: {  	s0 =	rddreg [dreg:$0x8]  }
0x11: {  	[tilespmem:s5], [sflag:$0x4] =	stream.linear.gather [hbm4b:s0+s5], $0x6400, $0x38;
	[tilespmem:$0x1D680] =	vst v63  }
0x12: {  	_ =	swait.ge [sflag:s15], $0x6400  }
0x13: {  	[sflag:s15] =	ssyncset.done $0x0  }
0x14: {  	s1 =	simm.s32 $0x1A400;
	s10 =	rddreg [dreg:$0x7];
	[sflag:s15] =	ssyncadd.s32 $0xFFFF9C00  }
0x15: {  	[tilespmem:s1], [sflag:$0x4] =	stream.linear.gather [hbm4b:s10+s5], $0x3200, $0x38;
	[tilespmem:$0x1D680] =	vst v63  }
0x16: {  	_ =	swait.ge [sflag:s15], $0x3200  }
0x17: {  	[sflag:s15] =	ssyncset.done $0x0  }
0x18: {  	[sflag:s15] =	ssyncadd.s32 $0xFFFFCE00  }
0x19: {  	s16 =	simm.s32 $0x1D600;
	s12 =	rddreg [dreg:$0x1]  }
0x1a: {  	[tilespmem:s16], [sflag:$0x4] =	stream.linear.gather [hbm4b:s12+s5], $0x40, $0x38;
	[tilespmem:$0x1D680] =	vst v63  }
0x1b: {  	_ =	swait.ge [sflag:s15], $0x40  }
0x1c: {  	[sflag:s15] =	ssyncset.done $0x0  }
0x1d: {  	[sflag:s15] =	ssyncadd.s32 $0xFFFFFFC0  }
0x1e: {  	s20 =	simm.s32 $0x1D640;
	s17 =	rddreg [dreg:$0x2]  }
0x1f: {  	[tilespmem:s20], [sflag:$0x4] =	stream.linear.gather [hbm4b:s17+s5], $0x40, $0x38;
	[tilespmem:$0x1D680] =	vst v63  }
0x20: {  	_ =	swait.ge [sflag:s15], $0x40  }
0x21: {  	[sflag:s15] =	ssyncset.done $0x0  }
0x22: {  	[sflag:s15] =	ssyncadd.s32 $0xFFFFFFC0  }
0x23: {  	v8 =	vld [tilespmem:$0x1D600]  }
0x24: {  	v9 =	vld [tilespmem:$0x1D610]  }
0x25: {  	v10 =	vld [tilespmem:$0x1D620]  }
0x26: {  	v11 =	vld [tilespmem:$0x1D630]  }
0x27: {  	v12 =	vld [tilespmem:$0x1D640]  }
0x28: {  	s30 =	simm.s32 $0x6400;
	s28 =	smov.u32 s14;
	s29 =	smov.u32 s13;
	v13 =	vld [tilespmem:$0x1D650]  }
0x29: {  	s31 =	smov.u32 s11;
	s4 =	simm.s32 $0x0;
	s12 =	smov.u32 s18;
	v14 =	vld [tilespmem:$0x1D660]  }
0x2a: {  	v15 =	vld [tilespmem:$0x1D670];
	[tilespmem:s30], [sflag:$0x1] =	stream.indirect.gather [hbm4b:s7+s19], $0x80, s5, s19, $0xb8  }
.LBB2_2:
0x2b: {  	s0 =	smulhi.u32 $0x51EB851F, s29  }
0x2c: {  	s1 =	smulhi.u32 $0x51EB851F, s31  }
0x2d: {  	s0 =	sshrl.u32 s0, $0x6  }
0x2e: {  	s1 =	sshrl.u32 s1, $0x6;
	s0 =	smul.u32 $0xFFFFFF38, s0  }
0x2f: {  	s1 =	smul.u32 $0xFFFFFF38, s1  }
0x30: {  	[dreg:$0x6] =	wrdreg s0  }
0x31: {  	[dreg:$0x5] =	wrdreg s1  }
0x32: {  	s16 =	sshllo.u32 s4, $0x1;
	_ =	swait.ge [sflag:s21], $0x8000  }
0x33: {  	p0 =	seq.s32 s4, $0x0;
	s0 =	sshll.u32 s16, $0x8;
	[sflag:s21] =	ssyncset.done $0x0  }
0x34: {  	s2 =	simm.s32 @!p0 $0x3;
	s17 =	sand.u32 $0x3FFFFF00, s0;
	[sflag:s21] =	ssyncadd.s32 $0xFFFF8000  }
0x35: {  	[tilespmem:s22], [sflag:$0x2] =	stream.indirect.gather [hbm4b:s7+s19], $0x80, s17, s19, $0xb8;
	[tilespmem:$0x1D680] =	vst v63  }
0x36: {  	s20 =	sshll.u32 s4, $0x9;
	s30 =	smov.u32 s12;
	_ =	swait.ge @!p0 [sflag:s2], $0x4000  }
0x37: {  	s1 =	sadd.s32 s6, s20;
	s16 =	simm.s32 $0x16500;
	[sflag:s2] =	ssyncset.done @!p0 $0x0  }
0x38: {  	s17 =	simm.s32 $0x6600;
	[sflag:s2] =	ssyncadd.s32 @!p0 $0xFFFFC000;
	s2 =	simm.s32 $0xFFFFFFFE  }
.LBB2_3:
0x39: {  	v16 =	vld [tilespmem:s17+$0xFFFFFE00]  }
0x3a: {  	v18 =	vld [tilespmem:s17+$0xFFFFFE10]  }
0x3b: {  	v20 =	vld [tilespmem:s17+$0xFFFFFE20]  }
0x3c: {  	s20 =	rddreg [dreg:$0x5];
	v25 =	vld [tilespmem:s17+$0xFFFFFE30]  }
0x3d: {  	v27 =	vld [tilespmem:s17+$0xFFFFFE80];
	s20 =	sadd.s32 s30, s20  }
0x3e: {  	v29 =	vld [tilespmem:s17+$0xFFFFFE90];
	s8 =	sadd.s32 $0xFFFFFFF9, s20  }
0x3f: {  	v31 =	vld [tilespmem:s17+$0xFFFFFEA0];
	s9 =	sadd.s32 $0xFFFFFF31, s20;
	p0 =	slt.u32 s8, $0xC8  }
0x40: {  	v33 =	vld [tilespmem:s17+$0xFFFFFEB0];
	s9 =	smov.u32 @p0 s8  }
0x41: {  	v35 =	vld [tilespmem:s17+$0xFFFFFF00];
	s8 =	sshll.u32 s9, $0x6  }
0x42: {  	v37 =	vld [tilespmem:s17+$0xFFFFFF10];
	p1 =	slt.s32 s9, $0xC8;
	s9 =	sadd.s32 $0xFFFFCE00, s8  }
0x43: {  	v62 =	vld [tilespmem:s17+$0xFFFFFF20];
	s9 =	smov.u32 @p1 s8  }
0x44: {  	s10 =	sadd.s32 $0xFFFFFF32, s20;
	s8 =	sadd.s32 $0xFFFFFFFA, s20;
	v17 =	vld [tilespmem:s9+$0x1A400]  }
0x45: {  	v19 =	vld [tilespmem:s9+$0x1A410];
	s10 =	smov.u32 @p0 s8  }
0x46: {  	v23 =	vld [tilespmem:s9+$0x1A420];
	s8 =	sshll.u32 s10, $0x6  }
0x47: {  	v26 =	vld [tilespmem:s9+$0x1A430];
	p1 =	slt.s32 s10, $0xC8;
	s9 =	sadd.s32 $0xFFFFCE00, s8  }
0x48: {  	v38 =	vld [tilespmem:s17+$0xFFFFFF30];
	s9 =	smov.u32 @p1 s8  }
0x49: {  	s10 =	sadd.s32 $0xFFFFFF33, s20;
	s8 =	sadd.s32 $0xFFFFFFFB, s20;
	v28 =	vld [tilespmem:s9+$0x1A400]  }
0x4a: {  	v30 =	vld [tilespmem:s9+$0x1A410];
	s10 =	smov.u32 @p0 s8  }
0x4b: {  	v32 =	vld [tilespmem:s9+$0x1A420];
	s8 =	sshll.u32 s10, $0x6;
	v21 =	vadd.f32 v17, v16;
	v22 =	vadd.f32 v19, v18  }
0x4c: {  	v34 =	vld [tilespmem:s9+$0x1A430];
	p1 =	slt.s32 s10, $0xC8;
	v24 =	vadd.f32 v23, v20;
	v16 =	vadd.f32 v26, v25;
	s9 =	sadd.s32 $0xFFFFCE00, s8  }
0x4d: {  	v52 =	vld [tilespmem:s17+$0xFFFFFF80];
	s9 =	smov.u32 @p1 s8;
	v19 =	vadd.f32 v22, v21  }
0x4e: {  	v23 =	vadd.f32 v16, v24;
	v48 =	vmul.f32 v21, v21;
	v49 =	vmul.f32 v22, v22;
	v36 =	vld [tilespmem:s9+$0x1A400]  }
0x4f: {  	v17 =	vld [tilespmem:s9+$0x1A410]  }
0x50: {  	s10 =	sadd.s32 $0xFFFFFF34, s20;
	s8 =	sadd.s32 $0xFFFFFFFC, s20;
	v51 =	vmul.f32 v24, v24;
	v63 =	vld [tilespmem:s9+$0x1A420];
	v40 =	vadd.f32 v23, v19;
	v50 =	vadd.f32 v49, v48  }
0x51: {  	v53 =	vmul.f32 v16, v16;
	s10 =	smov.u32 @p0 s8;
	v39 =	vld [tilespmem:s9+$0x1A430];
	v27 =	vadd.f32 v28, v27;
	v28 =	vadd.f32 v30, v29  }
0x52: {  	v55 =	vld [tilespmem:s17+$0xFFFFFF90];
	s8 =	sshll.u32 s10, $0x6;
	v30 =	vadd.f32 v32, v31;
	v31 =	vadd.f32 v34, v33  }
0x53: {  	v44 =	vld [tilespmem:s17+$0xFFFFFFA0];
	p0 =	slt.s32 s10, $0xC8;
	v23 =	vadd.f32 v53, v51;
	s9 =	sadd.s32 $0xFFFFCE00, s8;
	v56 =	vadd.f32 v28, v27;
	v57 =	vmul.f32 v27, v27  }
0x54: {  	v60 =	vld [tilespmem:s17+$0xFFFFFFB0];
	s9 =	smov.u32 @p0 s8;
	v41 =	vadd.f32 v31, v30;
	v42 =	vmul.f32 v28, v28;
	v43 =	vmul.f32 v30, v30  }
0x55: {  	v45 =	vmul.f32 v31, v31;
	v54 =	vld [tilespmem:s9+$0x1A400];
	v35 =	vadd.f32 v36, v35;
	v36 =	vadd.f32 v17, v37  }
0x56: {  	v58 =	vld [tilespmem:s9+$0x1A410];
	v20 =	vadd.f32 v63, v62;
	v17 =	vadd.f32 v39, v38  }
0x57: {  	v59 =	vld [tilespmem:s9+$0x1A420];
	v33 =	vadd.f32 v42, v57;
	v61 =	vadd.f32 v45, v43  }
0x58: {  	v62 =	vld [tilespmem:s9+$0x1A430];
	v45 =	vadd.f32 v23, v50;
	v26 =	vadd.f32 v41, v56  }
0x59: {  	v63 =	vadd.f32 v36, v35;
	v48 =	vadd.f32 v17, v20  }
0x5a: {  	v33 =	vadd.f32 v61, v33;
	v50 =	vmul.f32 v35, v35;
	v51 =	vmul.f32 v36, v36  }
0x5b: {  	v53 =	vmul.f32 v17, v17;
	v49 =	vadd.f32 v48, v63;
	v25 =	vadd.f32 v54, v52  }
0x5c: {  	v23 =	vadd.f32 v58, v55;
	v19 =	vadd.f32 v59, v44;
	v52 =	vmul.f32 v20, v20  }
0x5d: {  	v29 =	vadd.f32 v51, v50;
	v63 =	vperm.xlane v26, v0;
	v18 =	vadd.f32 v62, v60  }
0x5e: {  	v54 =	vadd.f32 v23, v25;
	v55 =	vmul.f32 v25, v25;
	v56 =	vmul.f32 v23, v23  }
0x5f: {  	v57 =	vmul.f32 v19, v19;
	v39 =	vadd.f32 v18, v19;
	v58 =	vmul.f32 v18, v18  }
0x60: {  	v62 =	vperm.xlane v40, v0;
	v32 =	vadd.f32 v53, v52;
	v60 =	vadd.f32 v56, v55  }
0x61: {  	v50 =	vperm.xlane v45, v0;
	v59 =	vadd.f32 v39, v54;
	v61 =	vadd.f32 v58, v57  }
0x62: {  	v46 =	vperm.xlane v49, v0;
	v26 =	vadd.f32 v63, v26;
	v47 =	vadd.f32 v62, v40  }
0x63: {  	v29 =	vadd.f32 v32, v29;
	v37 =	vadd.f32 v61, v60;
	v48 =	vperm.xlane v59, v0  }
0x64: {  	v51 =	vperm.xlane v33, v0;
	v49 =	vadd.f32 v46, v49;
	v26 =	vsel vm0, v47, v26  }
0x65: {  	v52 =	vperm.xlane v29, v0;
	v34 =	vadd.f32 v48, v59;
	v53 =	vperm.xlane v37, v0  }
0x66: {  	v33 =	vadd.f32 v51, v33;
	v54 =	vadd.f32 v50, v45;
	v55 =	vperm.xlane v26, v1  }
0x67: {  	v29 =	vadd.f32 v52, v29;
	v32 =	vsel vm0, v49, v34;
	v37 =	vadd.f32 v53, v37  }
0x68: {  	v56 =	vperm.xlane v32, v1  }
0x69: {  	v33 =	vsel vm0, v54, v33;
	v26 =	vadd.f32 v55, v26;
	v29 =	vsel vm0, v29, v37  }
0x6a: {  	v34 =	vperm.xlane v33, v1;
	v32 =	vadd.f32 v56, v32;
	v37 =	vperm.xlane v29, v1;
	_ =	sdelay $0x1  }
0x6b: {  	v57 =	vadd.f32 v34, v33;
	v26 =	vsel vm1, v26, v32;
	v29 =	vadd.f32 v37, v29  }
0x6c: {  	v58 =	vperm.xlane v26, v2  }
0x6d: {  	v29 =	vsel vm1, v57, v29  }
0x6e: {  	v26 =	vadd.f32 v26, v58;
	v32 =	vperm.xlane v29, v2;
	_ =	sdelay $0x1  }
0x6f: {  	v33 =	vperm.xlane v26, v3;
	v29 =	vadd.f32 v29, v32;
	_ =	sdelay $0x1  }
0x70: {  	v26 =	vadd.f32 v26, v33;
	v32 =	vperm.xlane v29, v3;
	_ =	sdelay $0x1  }
0x71: {  	v29 =	vadd.f32 v29, v32;
	v26 =	vmul.f32 $1.562500000e-02, v26;
	_ =	sdelay $0x1  }
0x72: {  	v29 =	vmul.f32 $1.562500000e-02, v29;
	v59 =	vmul.f32 v26, v26;
	_ =	sdelay $0x1  }
0x73: {  	v29 =	vsub.f32 v29, v59;
	_ =	sdelay $0x1  }
0x74: {  	v29 =	vadd.f32 $9.999999740e-06, v29;
	_ =	sdelay $0x1  }
0x75: {  	v60 =	vshrl.u32 v29, $0x1;
	v29 =	vmul.f32 $5.000000000e-01, v29  }
0x76: {  	v32 =	vsub.s32 $0x5F3759DF, v60  }
0x77: {  	v61 =	vmul.f32 v32, v29;
	_ =	sdelay $0x1  }
0x78: {  	v33 =	vmul.f32 v32, v61;
	_ =	sdelay $0x1  }
0x79: {  	v33 =	vsub.f32 $1.500000000e+00, v33;
	_ =	sdelay $0x1  }
0x7a: {  	v32 =	vmul.f32 v32, v33;
	_ =	sdelay $0x1  }
0x7b: {  	v29 =	vmul.f32 v32, v29  }
0x7c: {  	v62 =	vperm.xlane v26, v4  }
0x7d: {  	v29 =	vmul.f32 v29, v32  }
0x7e: {  	v21 =	vsub.f32 v21, v62  }
0x7f: {  	v37 =	vperm.xlane v26, v5;
	v22 =	vsub.f32 v22, v62;
	v29 =	vsub.f32 $1.500000000e+00, v29  }
0x80: {  	v39 =	vperm.xlane v26, v6;
	v24 =	vsub.f32 v24, v62;
	v16 =	vsub.f32 v16, v62  }
0x81: {  	v27 =	vsub.f32 v27, v37;
	v28 =	vsub.f32 v28, v37;
	v29 =	vmul.f32 v29, v32  }
0x82: {  	v26 =	vperm.xlane v26, v7;
	v30 =	vsub.f32 v30, v37;
	v31 =	vsub.f32 v31, v37  }
0x83: {  	v35 =	vsub.f32 v35, v39;
	v42 =	vsub.f32 v36, v39;
	v63 =	vperm.xlane v29, v4  }
0x84: {  	v20 =	vsub.f32 v20, v39;
	v17 =	vsub.f32 v17, v39;
	v38 =	vperm.xlane v29, v5  }
0x85: {  	v25 =	vsub.f32 v25, v26;
	v40 =	vperm.xlane v29, v6;
	v21 =	vmul.f32 v63, v21  }
0x86: {  	v23 =	vsub.f32 v23, v26;
	v51 =	vperm.xlane v29, v7;
	v22 =	vmul.f32 v63, v22  }
0x87: {  	v19 =	vsub.f32 v19, v26;
	v24 =	vmul.f32 v63, v24;
	v21 =	vmul.f32 v21, v8  }
0x88: {  	v18 =	vsub.f32 v18, v26;
	v16 =	vmul.f32 v63, v16;
	v22 =	vmul.f32 v22, v9  }
0x89: {  	v27 =	vmul.f32 v38, v27;
	v24 =	vmul.f32 v24, v10;
	v21 =	vadd.f32 v21, v12  }
0x8a: {  	v28 =	vmul.f32 v38, v28;
	v16 =	vmul.f32 v16, v11;
	v22 =	vadd.f32 v22, v13  }
0x8b: {  	v30 =	vmul.f32 v38, v30;
	v27 =	vmul.f32 v27, v8;
	v24 =	vadd.f32 v24, v14;
	[tilespmem:s16+$0xFFFFFF00] =	vst v21  }
0x8c: {  	v31 =	vmul.f32 v38, v31;
	v28 =	vmul.f32 v28, v9;
	v16 =	vadd.f32 v16, v15;
	[tilespmem:s16+$0xFFFFFF10] =	vst v22  }
0x8d: {  	v48 =	vmul.f32 v40, v42;
	v30 =	vmul.f32 v30, v10;
	v43 =	vadd.f32 v27, v12;
	[tilespmem:s16+$0xFFFFFF20] =	vst v24  }
0x8e: {  	v41 =	vmul.f32 v40, v35;
	v45 =	vmul.f32 v31, v11;
	v44 =	vadd.f32 v28, v13;
	[tilespmem:s16+$0xFFFFFF30] =	vst v16  }
0x8f: {  	v17 =	vmul.f32 v40, v17;
	v50 =	vmul.f32 v48, v9;
	v46 =	vadd.f32 v30, v14;
	[tilespmem:s16+$0xFFFFFF40] =	vst v43  }
0x90: {  	v20 =	vmul.f32 v40, v20;
	v47 =	vmul.f32 v41, v8;
	v49 =	vadd.f32 v45, v15;
	[tilespmem:s16+$0xFFFFFF50] =	vst v44  }
0x91: {  	v23 =	vmul.f32 v51, v23;
	v17 =	vmul.f32 v17, v11;
	v52 =	vadd.f32 v50, v13;
	[tilespmem:s16+$0xFFFFFF60] =	vst v46  }
0x92: {  	v53 =	vmul.f32 v51, v25;
	v20 =	vmul.f32 v20, v10;
	v16 =	vadd.f32 v47, v12;
	[tilespmem:s16+$0xFFFFFF70] =	vst v49  }
0x93: {  	v18 =	vmul.f32 v51, v18;
	v55 =	vmul.f32 v23, v9;
	v17 =	vadd.f32 v17, v15;
	[tilespmem:s16+$0xFFFFFF90] =	vst v52  }
0x94: {  	v19 =	vmul.f32 v51, v19;
	v54 =	vmul.f32 v53, v8;
	[tilespmem:s16+$0xFFFFFF80] =	vst v16;
	v16 =	vadd.f32 v20, v14  }
0x95: {  	v18 =	vmul.f32 v18, v11;
	[tilespmem:s16+$0xFFFFFFB0] =	vst v17;
	v17 =	vadd.f32 v55, v13  }
0x96: {  	s8 =	sadd.s32 $0xFFFFFFFD, s20;
	v19 =	vmul.f32 v19, v10;
	[tilespmem:s16+$0xFFFFFFA0] =	vst v16;
	v16 =	vadd.f32 v54, v12  }
0x97: {  	p0 =	slt.u32 s8, $0xC8;
	s9 =	sadd.s32 $0xFFFFFF35, s20;
	[tilespmem:s16+$0xFFFFFFD0] =	vst v17;
	v17 =	vadd.f32 v18, v15  }
0x98: {  	s9 =	smov.u32 @p0 s8;
	[tilespmem:s16+$0xFFFFFFC0] =	vst v16;
	v16 =	vadd.f32 v19, v14  }
0x99: {  	s8 =	sshll.u32 s9, $0x6;
	[tilespmem:s16+$0xFFFFFFF0] =	vst v17  }
0x9a: {  	p1 =	slt.s32 s9, $0xC8;
	s9 =	sadd.s32 $0xFFFFCE00, s8;
	[tilespmem:s16+$0xFFFFFFE0] =	vst v16  }
0x9b: {  	s9 =	smov.u32 @p1 s8;
	v16 =	vld [tilespmem:s17+$0x0]  }
0x9c: {  	v17 =	vld [tilespmem:s9+$0x1A400]  }
0x9d: {  	v56 =	vld [tilespmem:s17+$0x10]  }
0x9e: {  	v57 =	vld [tilespmem:s9+$0x1A410]  }
0x9f: {  	v58 =	vld [tilespmem:s17+$0x20]  }
0xa0: {  	v59 =	vld [tilespmem:s9+$0x1A420]  }
0xa1: {  	v60 =	vld [tilespmem:s17+$0x30]  }
0xa2: {  	v61 =	vld [tilespmem:s9+$0x1A430]  }
0xa3: {  	v27 =	vld [tilespmem:s17+$0x80]  }
0xa4: {  	v63 =	vld [tilespmem:s17+$0x90]  }
0xa5: {  	v45 =	vld [tilespmem:s17+$0xA0]  }
0xa6: {  	s10 =	sadd.s32 $0xFFFFFF36, s20;
	s8 =	sadd.s32 $0xFFFFFFFE, s20;
	v48 =	vld [tilespmem:s17+$0xB0]  }
0xa7: {  	s10 =	smov.u32 @p0 s8;
	v35 =	vld [tilespmem:s17+$0x100]  }
0xa8: {  	s8 =	sshll.u32 s10, $0x6;
	v49 =	vld [tilespmem:s17+$0x110]  }
0xa9: {  	p1 =	slt.s32 s10, $0xC8;
	s9 =	sadd.s32 $0xFFFFCE00, s8;
	v52 =	vld [tilespmem:s17+$0x130]  }
0xaa: {  	v25 =	vld [tilespmem:s17+$0x180];
	s9 =	smov.u32 @p1 s8  }
0xab: {  	s10 =	sadd.s32 $0xFFFFFF37, s20;
	s8 =	sadd.s32 $0xFFFFFFFF, s20;
	v62 =	vld [tilespmem:s9+$0x1A400]  }
0xac: {  	v44 =	vld [tilespmem:s9+$0x1A410];
	s10 =	smov.u32 @p0 s8  }
0xad: {  	v46 =	vld [tilespmem:s9+$0x1A420];
	s8 =	sshll.u32 s10, $0x6;
	v22 =	vadd.f32 v17, v16;
	v23 =	vadd.f32 v57, v56  }
0xae: {  	v47 =	vld [tilespmem:s9+$0x1A430];
	p1 =	slt.s32 s10, $0xC8;
	s9 =	sadd.s32 $0xFFFFCE00, s8;
	v24 =	vadd.f32 v59, v58;
	v18 =	vadd.f32 v61, v60  }
0xaf: {  	s9 =	smov.u32 @p1 s8;
	v17 =	vld [tilespmem:s17+$0x120]  }
0xb0: {  	v36 =	vld [tilespmem:s9+$0x1A400];
	v19 =	vadd.f32 v23, v22;
	v21 =	vadd.f32 v18, v24;
	v50 =	vmul.f32 v22, v22  }
0xb1: {  	s8 =	sadd.s32 $0xFFFFFF38, s20;
	v16 =	vld [tilespmem:s9+$0x1A410];
	v51 =	vmul.f32 v23, v23;
	v54 =	vmul.f32 v24, v24;
	v27 =	vadd.f32 v62, v27  }
0xb2: {  	v20 =	vld [tilespmem:s9+$0x1A420];
	s8 =	smov.u32 @p0 s20;
	v55 =	vmul.f32 v18, v18;
	v28 =	vadd.f32 v44, v63;
	v30 =	vadd.f32 v46, v45  }
0xb3: {  	v53 =	vld [tilespmem:s9+$0x1A430];
	s10 =	sshll.u32 s8, $0x6;
	v31 =	vadd.f32 v47, v48;
	v40 =	vadd.f32 v21, v19  }
0xb4: {  	v56 =	vld [tilespmem:s17+$0x190];
	p0 =	slt.s32 s8, $0xC8;
	s8 =	sadd.s32 $0xFFFFCE00, s10;
	v19 =	vadd.f32 v51, v50;
	v21 =	vadd.f32 v55, v54  }
0xb5: {  	v63 =	vld [tilespmem:s17+$0x1A0];
	s8 =	smov.u32 @p0 s10;
	v57 =	vadd.f32 v28, v27;
	v58 =	vmul.f32 v27, v27;
	v60 =	vadd.f32 v31, v30  }
0xb6: {  	v61 =	vmul.f32 v28, v28;
	v62 =	vmul.f32 v30, v30;
	v29 =	vld [tilespmem:s8+$0x1A400];
	v35 =	vadd.f32 v36, v35  }
0xb7: {  	v48 =	vmul.f32 v31, v31;
	v59 =	vld [tilespmem:s8+$0x1A410];
	v36 =	vadd.f32 v16, v49;
	v20 =	vadd.f32 v20, v17  }
0xb8: {  	v51 =	vld [tilespmem:s8+$0x1A430];
	v16 =	vadd.f32 v53, v52;
	v33 =	vadd.f32 v61, v58  }
0xb9: {  	v49 =	vld [tilespmem:s8+$0x1A420];
	v50 =	vadd.f32 v48, v62;
	v26 =	vadd.f32 v60, v57  }
0xba: {  	v17 =	vld [tilespmem:s17+$0x1B0];
	v52 =	vadd.f32 v36, v35;
	v53 =	vadd.f32 v16, v20  }
0xbb: {  	v45 =	vadd.f32 v21, v19;
	v33 =	vadd.f32 v50, v33;
	v57 =	vmul.f32 v20, v20  }
0xbc: {  	v58 =	vmul.f32 v16, v16;
	v50 =	vperm.xlane v26, v0;
	v54 =	vadd.f32 v53, v52  }
0xbd: {  	v25 =	vadd.f32 v29, v25;
	v21 =	vadd.f32 v59, v56  }
0xbe: {  	v55 =	vmul.f32 v35, v35;
	v32 =	vadd.f32 v58, v57;
	v26 =	vadd.f32 v50, v26  }
0xbf: {  	v56 =	vmul.f32 v36, v36;
	v19 =	vadd.f32 v49, v63;
	v17 =	vadd.f32 v51, v17  }
0xc0: {  	v59 =	vadd.f32 v21, v25;
	v60 =	vmul.f32 v25, v25;
	v61 =	vmul.f32 v21, v21  }
0xc1: {  	v39 =	vadd.f32 v17, v19;
	v62 =	vmul.f32 v19, v19;
	v63 =	vmul.f32 v17, v17  }
0xc2: {  	v49 =	vperm.xlane v40, v0;
	v29 =	vadd.f32 v56, v55;
	v47 =	vadd.f32 v61, v60  }
0xc3: {  	v46 =	vadd.f32 v39, v59;
	v48 =	vadd.f32 v63, v62  }
0xc4: {  	v51 =	vperm.xlane v54, v0;
	v55 =	vperm.xlane v45, v0;
	v52 =	vadd.f32 v49, v40  }
0xc5: {  	v29 =	vadd.f32 v32, v29;
	v37 =	vadd.f32 v48, v47;
	v53 =	vperm.xlane v46, v0  }
0xc6: {  	v56 =	vperm.xlane v33, v0;
	v54 =	vadd.f32 v51, v54;
	v26 =	vsel vm0, v52, v26  }
0xc7: {  	v57 =	vperm.xlane v29, v0;
	v34 =	vadd.f32 v53, v46;
	v58 =	vperm.xlane v37, v0  }
0xc8: {  	v33 =	vadd.f32 v56, v33;
	v59 =	vadd.f32 v55, v45;
	v60 =	vperm.xlane v26, v1  }
0xc9: {  	v29 =	vadd.f32 v57, v29;
	v32 =	vsel vm0, v54, v34;
	v37 =	vadd.f32 v58, v37  }
0xca: {  	v61 =	vperm.xlane v32, v1  }
0xcb: {  	v33 =	vsel vm0, v59, v33;
	v26 =	vadd.f32 v60, v26;
	v29 =	vsel vm0, v29, v37  }
0xcc: {  	v34 =	vperm.xlane v33, v1;
	v32 =	vadd.f32 v61, v32;
	v37 =	vperm.xlane v29, v1;
	_ =	sdelay $0x1  }
0xcd: {  	v62 =	vadd.f32 v34, v33;
	v26 =	vsel vm1, v26, v32;
	v29 =	vadd.f32 v37, v29  }
0xce: {  	v63 =	vperm.xlane v26, v2  }
0xcf: {  	v29 =	vsel vm1, v62, v29  }
0xd0: {  	v26 =	vadd.f32 v26, v63;
	v32 =	vperm.xlane v29, v2;
	_ =	sdelay $0x1  }
0xd1: {  	v33 =	vperm.xlane v26, v3;
	v29 =	vadd.f32 v29, v32;
	_ =	sdelay $0x1  }
0xd2: {  	v26 =	vadd.f32 v26, v33;
	v32 =	vperm.xlane v29, v3;
	_ =	sdelay $0x1  }
0xd3: {  	v29 =	vadd.f32 v29, v32;
	v26 =	vmul.f32 $1.562500000e-02, v26;
	_ =	sdelay $0x1  }
0xd4: {  	v29 =	vmul.f32 $1.562500000e-02, v29;
	v37 =	vmul.f32 v26, v26;
	_ =	sdelay $0x1  }
0xd5: {  	v29 =	vsub.f32 v29, v37;
	_ =	sdelay $0x1  }
0xd6: {  	v29 =	vadd.f32 $9.999999740e-06, v29;
	_ =	sdelay $0x1  }
0xd7: {  	v38 =	vshrl.u32 v29, $0x1;
	v29 =	vmul.f32 $5.000000000e-01, v29  }
0xd8: {  	v32 =	vsub.s32 $0x5F3759DF, v38  }
0xd9: {  	v39 =	vmul.f32 v32, v29;
	_ =	sdelay $0x1  }
0xda: {  	v33 =	vmul.f32 v32, v39;
	_ =	sdelay $0x1  }
0xdb: {  	v33 =	vsub.f32 $1.500000000e+00, v33;
	_ =	sdelay $0x1  }
0xdc: {  	v32 =	vmul.f32 v32, v33;
	_ =	sdelay $0x1  }
0xdd: {  	v29 =	vmul.f32 v32, v29  }
0xde: {  	v40 =	vperm.xlane v26, v4  }
0xdf: {  	v29 =	vmul.f32 v29, v32  }
0xe0: {  	v22 =	vsub.f32 v22, v40  }
0xe1: {  	v42 =	vperm.xlane v26, v5;
	v23 =	vsub.f32 v23, v40;
	v29 =	vsub.f32 $1.500000000e+00, v29  }
0xe2: {  	v44 =	vperm.xlane v26, v6;
	v24 =	vsub.f32 v24, v40;
	v18 =	vsub.f32 v18, v40  }
0xe3: {  	v27 =	vsub.f32 v27, v42;
	v28 =	vsub.f32 v28, v42;
	v29 =	vmul.f32 v29, v32  }
0xe4: {  	v26 =	vperm.xlane v26, v7;
	v30 =	vsub.f32 v30, v42;
	v31 =	vsub.f32 v31, v42  }
0xe5: {  	v35 =	vsub.f32 v35, v44;
	v47 =	vsub.f32 v36, v44;
	v41 =	vperm.xlane v29, v4  }
0xe6: {  	v20 =	vsub.f32 v20, v44;
	v16 =	vsub.f32 v16, v44;
	v43 =	vperm.xlane v29, v5  }
0xe7: {  	v25 =	vsub.f32 v25, v26;
	v45 =	vperm.xlane v29, v6;
	v22 =	vmul.f32 v41, v22  }
0xe8: {  	v21 =	vsub.f32 v21, v26;
	v57 =	vperm.xlane v29, v7;
	v23 =	vmul.f32 v41, v23  }
0xe9: {  	v19 =	vsub.f32 v19, v26;
	v24 =	vmul.f32 v41, v24;
	v22 =	vmul.f32 v22, v8  }
0xea: {  	v17 =	vsub.f32 v17, v26;
	v18 =	vmul.f32 v41, v18;
	v23 =	vmul.f32 v23, v9  }
0xeb: {  	v27 =	vmul.f32 v43, v27;
	v24 =	vmul.f32 v24, v10;
	v22 =	vadd.f32 v22, v12  }
0xec: {  	v28 =	vmul.f32 v43, v28;
	v18 =	vmul.f32 v18, v11;
	v23 =	vadd.f32 v23, v13  }
0xed: {  	v30 =	vmul.f32 v43, v30;
	v27 =	vmul.f32 v27, v8;
	v24 =	vadd.f32 v24, v14;
	[tilespmem:s16+$0x0] =	vst v22  }
0xee: {  	v31 =	vmul.f32 v43, v31;
	v28 =	vmul.f32 v28, v9;
	v18 =	vadd.f32 v18, v15;
	[tilespmem:s16+$0x10] =	vst v23  }
0xef: {  	v46 =	vmul.f32 v45, v35;
	v30 =	vmul.f32 v30, v10;
	v48 =	vadd.f32 v27, v12;
	[tilespmem:s16+$0x20] =	vst v24  }
0xf0: {  	v53 =	vmul.f32 v45, v47;
	v50 =	vmul.f32 v31, v11;
	v49 =	vadd.f32 v28, v13;
	[tilespmem:s16+$0x30] =	vst v18  }
0xf1: {  	v20 =	vmul.f32 v45, v20;
	v52 =	vmul.f32 v46, v8;
	v51 =	vadd.f32 v30, v14;
	[tilespmem:s16+$0x40] =	vst v48  }
0xf2: {  	v16 =	vmul.f32 v45, v16;
	v56 =	vmul.f32 v53, v9;
	v54 =	vadd.f32 v50, v15;
	[tilespmem:s16+$0x50] =	vst v49  }
0xf3: {  	v59 =	vmul.f32 v57, v25;
	v20 =	vmul.f32 v20, v10;
	v55 =	vadd.f32 v52, v12;
	[tilespmem:s16+$0x60] =	vst v51  }
0xf4: {  	v21 =	vmul.f32 v57, v21;
	v16 =	vmul.f32 v16, v11;
	v58 =	vadd.f32 v56, v13;
	[tilespmem:s16+$0x70] =	vst v54  }
0xf5: {  	v19 =	vmul.f32 v57, v19;
	v61 =	vmul.f32 v59, v8;
	v60 =	vadd.f32 v20, v14;
	[tilespmem:s16+$0x80] =	vst v55  }
0xf6: {  	s2 =	sadd.s32 $0x2, s2;
	v17 =	vmul.f32 v57, v17;
	v21 =	vmul.f32 v21, v9;
	v16 =	vadd.f32 v16, v15;
	[tilespmem:s16+$0x90] =	vst v58  }
0xf7: {  	p0 =	slt.u32 s2, $0x3E;
	v19 =	vmul.f32 v19, v10;
	v62 =	vadd.f32 v61, v12;
	[tilespmem:s16+$0xA0] =	vst v60  }
.Ltmp0:
0xf8: {  	v17 =	vmul.f32 v17, v11;
	[tilespmem:s16+$0xB0] =	vst v16;
	v16 =	vadd.f32 v21, v13;
	(pc) =	sbr.rel @p0 .LBB2_3-.Ltmp0, $4  }
0xf9: {  	v63 =	vadd.f32 v19, v14;
	[tilespmem:s16+$0xC0] =	vst v62  }
0xfa: {  	[tilespmem:s16+$0xD0] =	vst v16;
	v16 =	vadd.f32 v17, v15  }
0xfb: {  	[tilespmem:s16+$0xE0] =	vst v63  }
0xfc: {  	s30 =	sadd.s32 $0x8, s30;
	s17 =	sadd.s32 $0x400, s17;
	[tilespmem:s16+$0xF0] =	vst v16;
	s16 =	sadd.s32 $0x200, s16  }
0xfd: {  	s1 =	sshll.u32 s1, $0x3  }
0xfe: {  	p0 =	seq.s32 s4, $0x31;
	s1 =	sadd.s32 s3, s1  }
0xff: {  	[hbm4b:s1+s5] =	stream.linear.scatter [tilespmem:s23], [sflag:$0x3], $0x4000, $0x38;
	[tilespmem:$0x1D680] =	vst v63  }
0x100: {  	s1 =	sshll.u32 @!p0 s4, $0x9;
	_ =	swait.ge [sflag:s24], $0x8000  }
0x101: {  	s2 =	simm.s32 @!p0 $0x100;
	s1 =	sand.u32 @!p0 $0x3FFFFE00, s1;
	[sflag:s24] =	ssyncset.done $0x0  }
0x102: {  	s8 =	simm.s32 @!p0 $0x6400;
	s1 =	sadd.s32 @!p0 $0x200, s1;
	[sflag:s24] =	ssyncadd.s32 $0xFFFF8000  }
0x103: {  	[tilespmem:s8], [sflag:$0x1] =	stream.indirect.gather @!p0 [hbm4b:s7+s2], $0x80, s1, s2, $0xb8;
	[tilespmem:$0x1D680] =	vst v63  }
0x104: {  	s0 =	sadd.s32 s6, s0;
	_ =	swait.ge [sflag:s25], $0x4000  }
0x105: {  	s16 =	simm.s32 $0xE600;
	s17 =	smov.u32 s28;
	[sflag:s25] =	ssyncset.done $0x0  }
0x106: {  	s1 =	simm.s32 $0xFFFFFFFE;
	s2 =	simm.s32 $0x16500;
	[sflag:s25] =	ssyncadd.s32 $0xFFFFC000  }
.LBB2_5:
0x107: {  	v16 =	vld [tilespmem:s16+$0xFFFFFE00]  }
0x108: {  	v18 =	vld [tilespmem:s16+$0xFFFFFE10]  }
0x109: {  	v20 =	vld [tilespmem:s16+$0xFFFFFE20]  }
0x10a: {  	s8 =	rddreg [dreg:$0x6];
	v25 =	vld [tilespmem:s16+$0xFFFFFE30]  }
0x10b: {  	v27 =	vld [tilespmem:s16+$0xFFFFFE80];
	s20 =	sadd.s32 s17, s8  }
0x10c: {  	v29 =	vld [tilespmem:s16+$0xFFFFFE90];
	s8 =	sadd.s32 $0xFFFFFFF9, s20  }
0x10d: {  	v31 =	vld [tilespmem:s16+$0xFFFFFEA0];
	s9 =	sadd.s32 $0xFFFFFF31, s20;
	p0 =	slt.u32 s8, $0xC8  }
0x10e: {  	v33 =	vld [tilespmem:s16+$0xFFFFFEB0];
	s9 =	smov.u32 @p0 s8  }
0x10f: {  	v35 =	vld [tilespmem:s16+$0xFFFFFF00];
	s8 =	sshll.u32 s9, $0x6  }
0x110: {  	v37 =	vld [tilespmem:s16+$0xFFFFFF10];
	p1 =	slt.s32 s9, $0xC8;
	s9 =	sadd.s32 $0xFFFFCE00, s8  }
0x111: {  	v62 =	vld [tilespmem:s16+$0xFFFFFF20];
	s9 =	smov.u32 @p1 s8  }
0x112: {  	s10 =	sadd.s32 $0xFFFFFF32, s20;
	s8 =	sadd.s32 $0xFFFFFFFA, s20;
	v17 =	vld [tilespmem:s9+$0x1A400]  }
0x113: {  	v19 =	vld [tilespmem:s9+$0x1A410];
	s10 =	smov.u32 @p0 s8  }
0x114: {  	v23 =	vld [tilespmem:s9+$0x1A420];
	s8 =	sshll.u32 s10, $0x6  }
0x115: {  	v26 =	vld [tilespmem:s9+$0x1A430];
	p1 =	slt.s32 s10, $0xC8;
	s9 =	sadd.s32 $0xFFFFCE00, s8  }
0x116: {  	v38 =	vld [tilespmem:s16+$0xFFFFFF30];
	s9 =	smov.u32 @p1 s8  }
0x117: {  	s10 =	sadd.s32 $0xFFFFFF33, s20;
	s8 =	sadd.s32 $0xFFFFFFFB, s20;
	v28 =	vld [tilespmem:s9+$0x1A400]  }
0x118: {  	v30 =	vld [tilespmem:s9+$0x1A410];
	s10 =	smov.u32 @p0 s8  }
0x119: {  	v32 =	vld [tilespmem:s9+$0x1A420];
	s8 =	sshll.u32 s10, $0x6;
	v21 =	vadd.f32 v17, v16;
	v22 =	vadd.f32 v19, v18  }
0x11a: {  	v34 =	vld [tilespmem:s9+$0x1A430];
	p1 =	slt.s32 s10, $0xC8;
	v24 =	vadd.f32 v23, v20;
	v16 =	vadd.f32 v26, v25;
	s9 =	sadd.s32 $0xFFFFCE00, s8  }
0x11b: {  	v52 =	vld [tilespmem:s16+$0xFFFFFF80];
	s9 =	smov.u32 @p1 s8;
	v19 =	vadd.f32 v22, v21  }
0x11c: {  	v23 =	vadd.f32 v16, v24;
	v48 =	vmul.f32 v21, v21;
	v49 =	vmul.f32 v22, v22;
	v36 =	vld [tilespmem:s9+$0x1A400]  }
0x11d: {  	v17 =	vld [tilespmem:s9+$0x1A410]  }
0x11e: {  	s10 =	sadd.s32 $0xFFFFFF34, s20;
	s8 =	sadd.s32 $0xFFFFFFFC, s20;
	v51 =	vmul.f32 v24, v24;
	v63 =	vld [tilespmem:s9+$0x1A420];
	v40 =	vadd.f32 v23, v19;
	v50 =	vadd.f32 v49, v48  }
0x11f: {  	v53 =	vmul.f32 v16, v16;
	s10 =	smov.u32 @p0 s8;
	v39 =	vld [tilespmem:s9+$0x1A430];
	v27 =	vadd.f32 v28, v27;
	v28 =	vadd.f32 v30, v29  }
0x120: {  	v55 =	vld [tilespmem:s16+$0xFFFFFF90];
	s8 =	sshll.u32 s10, $0x6;
	v30 =	vadd.f32 v32, v31;
	v31 =	vadd.f32 v34, v33  }
0x121: {  	v44 =	vld [tilespmem:s16+$0xFFFFFFA0];
	p0 =	slt.s32 s10, $0xC8;
	v23 =	vadd.f32 v53, v51;
	s9 =	sadd.s32 $0xFFFFCE00, s8;
	v56 =	vadd.f32 v28, v27;
	v57 =	vmul.f32 v27, v27  }
0x122: {  	v60 =	vld [tilespmem:s16+$0xFFFFFFB0];
	s9 =	smov.u32 @p0 s8;
	v41 =	vadd.f32 v31, v30;
	v42 =	vmul.f32 v28, v28;
	v43 =	vmul.f32 v30, v30  }
0x123: {  	v45 =	vmul.f32 v31, v31;
	v54 =	vld [tilespmem:s9+$0x1A400];
	v35 =	vadd.f32 v36, v35;
	v36 =	vadd.f32 v17, v37  }
0x124: {  	v58 =	vld [tilespmem:s9+$0x1A410];
	v20 =	vadd.f32 v63, v62;
	v17 =	vadd.f32 v39, v38  }
0x125: {  	v59 =	vld [tilespmem:s9+$0x1A420];
	v33 =	vadd.f32 v42, v57;
	v61 =	vadd.f32 v45, v43  }
0x126: {  	v62 =	vld [tilespmem:s9+$0x1A430];
	v45 =	vadd.f32 v23, v50;
	v26 =	vadd.f32 v41, v56  }
0x127: {  	v63 =	vadd.f32 v36, v35;
	v48 =	vadd.f32 v17, v20  }
0x128: {  	v33 =	vadd.f32 v61, v33;
	v50 =	vmul.f32 v35, v35;
	v51 =	vmul.f32 v36, v36  }
0x129: {  	v53 =	vmul.f32 v17, v17;
	v49 =	vadd.f32 v48, v63;
	v25 =	vadd.f32 v54, v52  }
0x12a: {  	v23 =	vadd.f32 v58, v55;
	v19 =	vadd.f32 v59, v44;
	v52 =	vmul.f32 v20, v20  }
0x12b: {  	v29 =	vadd.f32 v51, v50;
	v63 =	vperm.xlane v26, v0;
	v18 =	vadd.f32 v62, v60  }
0x12c: {  	v54 =	vadd.f32 v23, v25;
	v55 =	vmul.f32 v25, v25;
	v56 =	vmul.f32 v23, v23  }
0x12d: {  	v57 =	vmul.f32 v19, v19;
	v39 =	vadd.f32 v18, v19;
	v58 =	vmul.f32 v18, v18  }
0x12e: {  	v62 =	vperm.xlane v40, v0;
	v32 =	vadd.f32 v53, v52;
	v60 =	vadd.f32 v56, v55  }
0x12f: {  	v50 =	vperm.xlane v45, v0;
	v59 =	vadd.f32 v39, v54;
	v61 =	vadd.f32 v58, v57  }
0x130: {  	v46 =	vperm.xlane v49, v0;
	v26 =	vadd.f32 v63, v26;
	v47 =	vadd.f32 v62, v40  }
0x131: {  	v29 =	vadd.f32 v32, v29;
	v37 =	vadd.f32 v61, v60;
	v48 =	vperm.xlane v59, v0  }
0x132: {  	v51 =	vperm.xlane v33, v0;
	v49 =	vadd.f32 v46, v49;
	v26 =	vsel vm0, v47, v26  }
0x133: {  	v52 =	vperm.xlane v29, v0;
	v34 =	vadd.f32 v48, v59;
	v53 =	vperm.xlane v37, v0  }
0x134: {  	v33 =	vadd.f32 v51, v33;
	v54 =	vadd.f32 v50, v45;
	v55 =	vperm.xlane v26, v1  }
0x135: {  	v29 =	vadd.f32 v52, v29;
	v32 =	vsel vm0, v49, v34;
	v37 =	vadd.f32 v53, v37  }
0x136: {  	v56 =	vperm.xlane v32, v1  }
0x137: {  	v33 =	vsel vm0, v54, v33;
	v26 =	vadd.f32 v55, v26;
	v29 =	vsel vm0, v29, v37  }
0x138: {  	v34 =	vperm.xlane v33, v1;
	v32 =	vadd.f32 v56, v32;
	v37 =	vperm.xlane v29, v1;
	_ =	sdelay $0x1  }
0x139: {  	v57 =	vadd.f32 v34, v33;
	v26 =	vsel vm1, v26, v32;
	v29 =	vadd.f32 v37, v29  }
0x13a: {  	v58 =	vperm.xlane v26, v2  }
0x13b: {  	v29 =	vsel vm1, v57, v29  }
0x13c: {  	v26 =	vadd.f32 v26, v58;
	v32 =	vperm.xlane v29, v2;
	_ =	sdelay $0x1  }
0x13d: {  	v33 =	vperm.xlane v26, v3;
	v29 =	vadd.f32 v29, v32;
	_ =	sdelay $0x1  }
0x13e: {  	v26 =	vadd.f32 v26, v33;
	v32 =	vperm.xlane v29, v3;
	_ =	sdelay $0x1  }
0x13f: {  	v29 =	vadd.f32 v29, v32;
	v26 =	vmul.f32 $1.562500000e-02, v26;
	_ =	sdelay $0x1  }
0x140: {  	v29 =	vmul.f32 $1.562500000e-02, v29;
	v59 =	vmul.f32 v26, v26;
	_ =	sdelay $0x1  }
0x141: {  	v29 =	vsub.f32 v29, v59;
	_ =	sdelay $0x1  }
0x142: {  	v29 =	vadd.f32 $9.999999740e-06, v29;
	_ =	sdelay $0x1  }
0x143: {  	v60 =	vshrl.u32 v29, $0x1;
	v29 =	vmul.f32 $5.000000000e-01, v29  }
0x144: {  	v32 =	vsub.s32 $0x5F3759DF, v60  }
0x145: {  	v61 =	vmul.f32 v32, v29;
	_ =	sdelay $0x1  }
0x146: {  	v33 =	vmul.f32 v32, v61;
	_ =	sdelay $0x1  }
0x147: {  	v33 =	vsub.f32 $1.500000000e+00, v33;
	_ =	sdelay $0x1  }
0x148: {  	v32 =	vmul.f32 v32, v33;
	_ =	sdelay $0x1  }
0x149: {  	v29 =	vmul.f32 v32, v29  }
0x14a: {  	v62 =	vperm.xlane v26, v4  }
0x14b: {  	v29 =	vmul.f32 v29, v32  }
0x14c: {  	v21 =	vsub.f32 v21, v62  }
0x14d: {  	v37 =	vperm.xlane v26, v5;
	v22 =	vsub.f32 v22, v62;
	v29 =	vsub.f32 $1.500000000e+00, v29  }
0x14e: {  	v39 =	vperm.xlane v26, v6;
	v24 =	vsub.f32 v24, v62;
	v16 =	vsub.f32 v16, v62  }
0x14f: {  	v27 =	vsub.f32 v27, v37;
	v28 =	vsub.f32 v28, v37;
	v29 =	vmul.f32 v29, v32  }
0x150: {  	v26 =	vperm.xlane v26, v7;
	v30 =	vsub.f32 v30, v37;
	v31 =	vsub.f32 v31, v37  }
0x151: {  	v35 =	vsub.f32 v35, v39;
	v42 =	vsub.f32 v36, v39;
	v63 =	vperm.xlane v29, v4  }
0x152: {  	v20 =	vsub.f32 v20, v39;
	v17 =	vsub.f32 v17, v39;
	v38 =	vperm.xlane v29, v5  }
0x153: {  	v25 =	vsub.f32 v25, v26;
	v40 =	vperm.xlane v29, v6;
	v21 =	vmul.f32 v63, v21  }
0x154: {  	v23 =	vsub.f32 v23, v26;
	v51 =	vperm.xlane v29, v7;
	v22 =	vmul.f32 v63, v22  }
0x155: {  	v19 =	vsub.f32 v19, v26;
	v24 =	vmul.f32 v63, v24;
	v21 =	vmul.f32 v21, v8  }
0x156: {  	v18 =	vsub.f32 v18, v26;
	v16 =	vmul.f32 v63, v16;
	v22 =	vmul.f32 v22, v9  }
0x157: {  	v27 =	vmul.f32 v38, v27;
	v24 =	vmul.f32 v24, v10;
	v21 =	vadd.f32 v21, v12  }
0x158: {  	v28 =	vmul.f32 v38, v28;
	v16 =	vmul.f32 v16, v11;
	v22 =	vadd.f32 v22, v13  }
0x159: {  	v30 =	vmul.f32 v38, v30;
	v27 =	vmul.f32 v27, v8;
	v24 =	vadd.f32 v24, v14;
	[tilespmem:s2+$0xFFFFFF00] =	vst v21  }
0x15a: {  	v31 =	vmul.f32 v38, v31;
	v28 =	vmul.f32 v28, v9;
	v16 =	vadd.f32 v16, v15;
	[tilespmem:s2+$0xFFFFFF10] =	vst v22  }
0x15b: {  	v48 =	vmul.f32 v40, v42;
	v30 =	vmul.f32 v30, v10;
	v43 =	vadd.f32 v27, v12;
	[tilespmem:s2+$0xFFFFFF20] =	vst v24  }
0x15c: {  	v41 =	vmul.f32 v40, v35;
	v45 =	vmul.f32 v31, v11;
	v44 =	vadd.f32 v28, v13;
	[tilespmem:s2+$0xFFFFFF30] =	vst v16  }
0x15d: {  	v17 =	vmul.f32 v40, v17;
	v50 =	vmul.f32 v48, v9;
	v46 =	vadd.f32 v30, v14;
	[tilespmem:s2+$0xFFFFFF40] =	vst v43  }
0x15e: {  	v20 =	vmul.f32 v40, v20;
	v47 =	vmul.f32 v41, v8;
	v49 =	vadd.f32 v45, v15;
	[tilespmem:s2+$0xFFFFFF50] =	vst v44  }
0x15f: {  	v23 =	vmul.f32 v51, v23;
	v17 =	vmul.f32 v17, v11;
	v52 =	vadd.f32 v50, v13;
	[tilespmem:s2+$0xFFFFFF60] =	vst v46  }
0x160: {  	v53 =	vmul.f32 v51, v25;
	v20 =	vmul.f32 v20, v10;
	v16 =	vadd.f32 v47, v12;
	[tilespmem:s2+$0xFFFFFF70] =	vst v49  }
0x161: {  	v18 =	vmul.f32 v51, v18;
	v55 =	vmul.f32 v23, v9;
	v17 =	vadd.f32 v17, v15;
	[tilespmem:s2+$0xFFFFFF90] =	vst v52  }
0x162: {  	v19 =	vmul.f32 v51, v19;
	v54 =	vmul.f32 v53, v8;
	[tilespmem:s2+$0xFFFFFF80] =	vst v16;
	v16 =	vadd.f32 v20, v14  }
0x163: {  	v18 =	vmul.f32 v18, v11;
	[tilespmem:s2+$0xFFFFFFB0] =	vst v17;
	v17 =	vadd.f32 v55, v13  }
0x164: {  	s8 =	sadd.s32 $0xFFFFFFFD, s20;
	v19 =	vmul.f32 v19, v10;
	[tilespmem:s2+$0xFFFFFFA0] =	vst v16;
	v16 =	vadd.f32 v54, v12  }
0x165: {  	p0 =	slt.u32 s8, $0xC8;
	s9 =	sadd.s32 $0xFFFFFF35, s20;
	[tilespmem:s2+$0xFFFFFFD0] =	vst v17;
	v17 =	vadd.f32 v18, v15  }
0x166: {  	s9 =	smov.u32 @p0 s8;
	[tilespmem:s2+$0xFFFFFFC0] =	vst v16;
	v16 =	vadd.f32 v19, v14  }
0x167: {  	s8 =	sshll.u32 s9, $0x6;
	[tilespmem:s2+$0xFFFFFFF0] =	vst v17  }
0x168: {  	p1 =	slt.s32 s9, $0xC8;
	s9 =	sadd.s32 $0xFFFFCE00, s8;
	[tilespmem:s2+$0xFFFFFFE0] =	vst v16  }
0x169: {  	s9 =	smov.u32 @p1 s8;
	v16 =	vld [tilespmem:s16+$0x0]  }
0x16a: {  	v17 =	vld [tilespmem:s9+$0x1A400]  }
0x16b: {  	v56 =	vld [tilespmem:s16+$0x10]  }
0x16c: {  	v57 =	vld [tilespmem:s9+$0x1A410]  }
0x16d: {  	v58 =	vld [tilespmem:s16+$0x20]  }
0x16e: {  	v59 =	vld [tilespmem:s9+$0x1A420]  }
0x16f: {  	v60 =	vld [tilespmem:s16+$0x30]  }
0x170: {  	v61 =	vld [tilespmem:s9+$0x1A430]  }
0x171: {  	v27 =	vld [tilespmem:s16+$0x80]  }
0x172: {  	v63 =	vld [tilespmem:s16+$0x90]  }
0x173: {  	v45 =	vld [tilespmem:s16+$0xA0]  }
0x174: {  	s10 =	sadd.s32 $0xFFFFFF36, s20;
	s8 =	sadd.s32 $0xFFFFFFFE, s20;
	v48 =	vld [tilespmem:s16+$0xB0]  }
0x175: {  	s10 =	smov.u32 @p0 s8;
	v35 =	vld [tilespmem:s16+$0x100]  }
0x176: {  	s8 =	sshll.u32 s10, $0x6;
	v49 =	vld [tilespmem:s16+$0x110]  }
0x177: {  	p1 =	slt.s32 s10, $0xC8;
	s9 =	sadd.s32 $0xFFFFCE00, s8;
	v52 =	vld [tilespmem:s16+$0x130]  }
0x178: {  	v25 =	vld [tilespmem:s16+$0x180];
	s9 =	smov.u32 @p1 s8  }
0x179: {  	s10 =	sadd.s32 $0xFFFFFF37, s20;
	s8 =	sadd.s32 $0xFFFFFFFF, s20;
	v62 =	vld [tilespmem:s9+$0x1A400]  }
0x17a: {  	v44 =	vld [tilespmem:s9+$0x1A410];
	s10 =	smov.u32 @p0 s8  }
0x17b: {  	v46 =	vld [tilespmem:s9+$0x1A420];
	s8 =	sshll.u32 s10, $0x6;
	v22 =	vadd.f32 v17, v16;
	v23 =	vadd.f32 v57, v56  }
0x17c: {  	v47 =	vld [tilespmem:s9+$0x1A430];
	p1 =	slt.s32 s10, $0xC8;
	s9 =	sadd.s32 $0xFFFFCE00, s8;
	v24 =	vadd.f32 v59, v58;
	v18 =	vadd.f32 v61, v60  }
0x17d: {  	s9 =	smov.u32 @p1 s8;
	v17 =	vld [tilespmem:s16+$0x120]  }
0x17e: {  	v36 =	vld [tilespmem:s9+$0x1A400];
	v19 =	vadd.f32 v23, v22;
	v21 =	vadd.f32 v18, v24;
	v50 =	vmul.f32 v22, v22  }
0x17f: {  	s8 =	sadd.s32 $0xFFFFFF38, s20;
	v16 =	vld [tilespmem:s9+$0x1A410];
	v51 =	vmul.f32 v23, v23;
	v54 =	vmul.f32 v24, v24;
	v27 =	vadd.f32 v62, v27  }
0x180: {  	v20 =	vld [tilespmem:s9+$0x1A420];
	s8 =	smov.u32 @p0 s20;
	v55 =	vmul.f32 v18, v18;
	v28 =	vadd.f32 v44, v63;
	v30 =	vadd.f32 v46, v45  }
0x181: {  	v53 =	vld [tilespmem:s9+$0x1A430];
	s10 =	sshll.u32 s8, $0x6;
	v31 =	vadd.f32 v47, v48;
	v40 =	vadd.f32 v21, v19  }
0x182: {  	v56 =	vld [tilespmem:s16+$0x190];
	p0 =	slt.s32 s8, $0xC8;
	s8 =	sadd.s32 $0xFFFFCE00, s10;
	v19 =	vadd.f32 v51, v50;
	v21 =	vadd.f32 v55, v54  }
0x183: {  	v63 =	vld [tilespmem:s16+$0x1A0];
	s8 =	smov.u32 @p0 s10;
	v57 =	vadd.f32 v28, v27;
	v58 =	vmul.f32 v27, v27;
	v60 =	vadd.f32 v31, v30  }
0x184: {  	v61 =	vmul.f32 v28, v28;
	v62 =	vmul.f32 v30, v30;
	v29 =	vld [tilespmem:s8+$0x1A400];
	v35 =	vadd.f32 v36, v35  }
0x185: {  	v48 =	vmul.f32 v31, v31;
	v59 =	vld [tilespmem:s8+$0x1A410];
	v36 =	vadd.f32 v16, v49;
	v20 =	vadd.f32 v20, v17  }
0x186: {  	v51 =	vld [tilespmem:s8+$0x1A430];
	v16 =	vadd.f32 v53, v52;
	v33 =	vadd.f32 v61, v58  }
0x187: {  	v49 =	vld [tilespmem:s8+$0x1A420];
	v50 =	vadd.f32 v48, v62;
	v26 =	vadd.f32 v60, v57  }
0x188: {  	v17 =	vld [tilespmem:s16+$0x1B0];
	v52 =	vadd.f32 v36, v35;
	v53 =	vadd.f32 v16, v20  }
0x189: {  	v45 =	vadd.f32 v21, v19;
	v33 =	vadd.f32 v50, v33;
	v57 =	vmul.f32 v20, v20  }
0x18a: {  	v58 =	vmul.f32 v16, v16;
	v50 =	vperm.xlane v26, v0;
	v54 =	vadd.f32 v53, v52  }
0x18b: {  	v25 =	vadd.f32 v29, v25;
	v21 =	vadd.f32 v59, v56  }
0x18c: {  	v55 =	vmul.f32 v35, v35;
	v32 =	vadd.f32 v58, v57;
	v26 =	vadd.f32 v50, v26  }
0x18d: {  	v56 =	vmul.f32 v36, v36;
	v19 =	vadd.f32 v49, v63;
	v17 =	vadd.f32 v51, v17  }
0x18e: {  	v59 =	vadd.f32 v21, v25;
	v60 =	vmul.f32 v25, v25;
	v61 =	vmul.f32 v21, v21  }
0x18f: {  	v39 =	vadd.f32 v17, v19;
	v62 =	vmul.f32 v19, v19;
	v63 =	vmul.f32 v17, v17  }
0x190: {  	v49 =	vperm.xlane v40, v0;
	v29 =	vadd.f32 v56, v55;
	v47 =	vadd.f32 v61, v60  }
0x191: {  	v46 =	vadd.f32 v39, v59;
	v48 =	vadd.f32 v63, v62  }
0x192: {  	v51 =	vperm.xlane v54, v0;
	v55 =	vperm.xlane v45, v0;
	v52 =	vadd.f32 v49, v40  }
0x193: {  	v29 =	vadd.f32 v32, v29;
	v37 =	vadd.f32 v48, v47;
	v53 =	vperm.xlane v46, v0  }
0x194: {  	v56 =	vperm.xlane v33, v0;
	v54 =	vadd.f32 v51, v54;
	v26 =	vsel vm0, v52, v26  }
0x195: {  	v57 =	vperm.xlane v29, v0;
	v34 =	vadd.f32 v53, v46;
	v58 =	vperm.xlane v37, v0  }
0x196: {  	v33 =	vadd.f32 v56, v33;
	v59 =	vadd.f32 v55, v45;
	v60 =	vperm.xlane v26, v1  }
0x197: {  	v29 =	vadd.f32 v57, v29;
	v32 =	vsel vm0, v54, v34;
	v37 =	vadd.f32 v58, v37  }
0x198: {  	v61 =	vperm.xlane v32, v1  }
0x199: {  	v33 =	vsel vm0, v59, v33;
	v26 =	vadd.f32 v60, v26;
	v29 =	vsel vm0, v29, v37  }
0x19a: {  	v34 =	vperm.xlane v33, v1;
	v32 =	vadd.f32 v61, v32;
	v37 =	vperm.xlane v29, v1;
	_ =	sdelay $0x1  }
0x19b: {  	v62 =	vadd.f32 v34, v33;
	v26 =	vsel vm1, v26, v32;
	v29 =	vadd.f32 v37, v29  }
0x19c: {  	v63 =	vperm.xlane v26, v2  }
0x19d: {  	v29 =	vsel vm1, v62, v29  }
0x19e: {  	v26 =	vadd.f32 v26, v63;
	v32 =	vperm.xlane v29, v2;
	_ =	sdelay $0x1  }
0x19f: {  	v33 =	vperm.xlane v26, v3;
	v29 =	vadd.f32 v29, v32;
	_ =	sdelay $0x1  }
0x1a0: {  	v26 =	vadd.f32 v26, v33;
	v32 =	vperm.xlane v29, v3;
	_ =	sdelay $0x1  }
0x1a1: {  	v29 =	vadd.f32 v29, v32;
	v26 =	vmul.f32 $1.562500000e-02, v26;
	_ =	sdelay $0x1  }
0x1a2: {  	v29 =	vmul.f32 $1.562500000e-02, v29;
	v37 =	vmul.f32 v26, v26;
	_ =	sdelay $0x1  }
0x1a3: {  	v29 =	vsub.f32 v29, v37;
	_ =	sdelay $0x1  }
0x1a4: {  	v29 =	vadd.f32 $9.999999740e-06, v29;
	_ =	sdelay $0x1  }
0x1a5: {  	v38 =	vshrl.u32 v29, $0x1;
	v29 =	vmul.f32 $5.000000000e-01, v29  }
0x1a6: {  	v32 =	vsub.s32 $0x5F3759DF, v38  }
0x1a7: {  	v39 =	vmul.f32 v32, v29;
	_ =	sdelay $0x1  }
0x1a8: {  	v33 =	vmul.f32 v32, v39;
	_ =	sdelay $0x1  }
0x1a9: {  	v33 =	vsub.f32 $1.500000000e+00, v33;
	_ =	sdelay $0x1  }
0x1aa: {  	v32 =	vmul.f32 v32, v33;
	_ =	sdelay $0x1  }
0x1ab: {  	v29 =	vmul.f32 v32, v29  }
0x1ac: {  	v40 =	vperm.xlane v26, v4  }
0x1ad: {  	v29 =	vmul.f32 v29, v32  }
0x1ae: {  	v22 =	vsub.f32 v22, v40  }
0x1af: {  	v42 =	vperm.xlane v26, v5;
	v23 =	vsub.f32 v23, v40;
	v29 =	vsub.f32 $1.500000000e+00, v29  }
0x1b0: {  	v44 =	vperm.xlane v26, v6;
	v24 =	vsub.f32 v24, v40;
	v18 =	vsub.f32 v18, v40  }
0x1b1: {  	v27 =	vsub.f32 v27, v42;
	v28 =	vsub.f32 v28, v42;
	v29 =	vmul.f32 v29, v32  }
0x1b2: {  	v26 =	vperm.xlane v26, v7;
	v30 =	vsub.f32 v30, v42;
	v31 =	vsub.f32 v31, v42  }
0x1b3: {  	v35 =	vsub.f32 v35, v44;
	v47 =	vsub.f32 v36, v44;
	v41 =	vperm.xlane v29, v4  }
0x1b4: {  	v20 =	vsub.f32 v20, v44;
	v16 =	vsub.f32 v16, v44;
	v43 =	vperm.xlane v29, v5  }
0x1b5: {  	v25 =	vsub.f32 v25, v26;
	v45 =	vperm.xlane v29, v6;
	v22 =	vmul.f32 v41, v22  }
0x1b6: {  	v21 =	vsub.f32 v21, v26;
	v57 =	vperm.xlane v29, v7;
	v23 =	vmul.f32 v41, v23  }
0x1b7: {  	v19 =	vsub.f32 v19, v26;
	v24 =	vmul.f32 v41, v24;
	v22 =	vmul.f32 v22, v8  }
0x1b8: {  	v17 =	vsub.f32 v17, v26;
	v18 =	vmul.f32 v41, v18;
	v23 =	vmul.f32 v23, v9  }
0x1b9: {  	v27 =	vmul.f32 v43, v27;
	v24 =	vmul.f32 v24, v10;
	v22 =	vadd.f32 v22, v12  }
0x1ba: {  	v28 =	vmul.f32 v43, v28;
	v18 =	vmul.f32 v18, v11;
	v23 =	vadd.f32 v23, v13  }
0x1bb: {  	v30 =	vmul.f32 v43, v30;
	v27 =	vmul.f32 v27, v8;
	v24 =	vadd.f32 v24, v14;
	[tilespmem:s2+$0x0] =	vst v22  }
0x1bc: {  	v31 =	vmul.f32 v43, v31;
	v28 =	vmul.f32 v28, v9;
	v18 =	vadd.f32 v18, v15;
	[tilespmem:s2+$0x10] =	vst v23  }
0x1bd: {  	v46 =	vmul.f32 v45, v35;
	v30 =	vmul.f32 v30, v10;
	v48 =	vadd.f32 v27, v12;
	[tilespmem:s2+$0x20] =	vst v24  }
0x1be: {  	v53 =	vmul.f32 v45, v47;
	v50 =	vmul.f32 v31, v11;
	v49 =	vadd.f32 v28, v13;
	[tilespmem:s2+$0x30] =	vst v18  }
0x1bf: {  	v20 =	vmul.f32 v45, v20;
	v52 =	vmul.f32 v46, v8;
	v51 =	vadd.f32 v30, v14;
	[tilespmem:s2+$0x40] =	vst v48  }
0x1c0: {  	v16 =	vmul.f32 v45, v16;
	v56 =	vmul.f32 v53, v9;
	v54 =	vadd.f32 v50, v15;
	[tilespmem:s2+$0x50] =	vst v49  }
0x1c1: {  	v59 =	vmul.f32 v57, v25;
	v20 =	vmul.f32 v20, v10;
	v55 =	vadd.f32 v52, v12;
	[tilespmem:s2+$0x60] =	vst v51  }
0x1c2: {  	v21 =	vmul.f32 v57, v21;
	v16 =	vmul.f32 v16, v11;
	v58 =	vadd.f32 v56, v13;
	[tilespmem:s2+$0x70] =	vst v54  }
0x1c3: {  	v19 =	vmul.f32 v57, v19;
	v61 =	vmul.f32 v59, v8;
	v60 =	vadd.f32 v20, v14;
	[tilespmem:s2+$0x80] =	vst v55  }
0x1c4: {  	s1 =	sadd.s32 $0x2, s1;
	v17 =	vmul.f32 v57, v17;
	v21 =	vmul.f32 v21, v9;
	v16 =	vadd.f32 v16, v15;
	[tilespmem:s2+$0x90] =	vst v58  }
0x1c5: {  	p0 =	slt.u32 s1, $0x3E;
	v19 =	vmul.f32 v19, v10;
	v62 =	vadd.f32 v61, v12;
	[tilespmem:s2+$0xA0] =	vst v60  }
.Ltmp1:
0x1c6: {  	v17 =	vmul.f32 v17, v11;
	[tilespmem:s2+$0xB0] =	vst v16;
	v16 =	vadd.f32 v21, v13;
	(pc) =	sbr.rel @p0 .LBB2_5-.Ltmp1, $4  }
0x1c7: {  	v63 =	vadd.f32 v19, v14;
	[tilespmem:s2+$0xC0] =	vst v62  }
0x1c8: {  	[tilespmem:s2+$0xD0] =	vst v16;
	v16 =	vadd.f32 v17, v15  }
0x1c9: {  	[tilespmem:s2+$0xE0] =	vst v63  }
0x1ca: {  	s17 =	sadd.s32 $0x8, s17;
	s16 =	sadd.s32 $0x400, s16;
	[tilespmem:s2+$0xF0] =	vst v16;
	s2 =	sadd.s32 $0x200, s2  }
0x1cb: {  	s4 =	sadd.s32 $0x1, s4  }
0x1cc: {  	p0 =	sne.s32 s4, $0x32  }
.Ltmp2:
0x1cd: {  	_ = 	snop;
	(pc) =	sbr.rel @p0 .LBB2_2-.Ltmp2, $4  }
0x1ce: {  	s0 =	sshll.u32 s0, $0x3  }
0x1cf: {  	s31 =	sadd.s32 $0x200, s31;
	s12 =	sadd.s32 $0x200, s12;
	s0 =	sand.u32 $0x1FFFF800, s0  }
0x1d0: {  	s29 =	sadd.s32 $0x200, s29;
	s28 =	sadd.s32 $0x200, s28;
	s0 =	sadd.s32 s3, s0  }
0x1d1: {  	[hbm4b:s0+s5] =	stream.linear.scatter [tilespmem:s23], [sflag:$0x3], $0x4000, $0x38;
	[tilespmem:$0x1D680] =	vst v63  }
0x1d2: {  	_ =	swait.ge [sflag:s25], $0x4000  }
0x1d3: {  	s26 =	sadd.s32 $0x1, s26;
	s0 =	rddreg [dreg:$0x9]  }
0x1d4: {  	p0 =	sne.s32 s26, s0  }
.Ltmp3:
0x1d5: {  	_ = 	snop;
	(pc) =	sbr.rel @p0 .LBB2_1-.Ltmp3, $3  }
0x1d6: {  	_ =	sdelay $0x1  }
0x1d7: {  	[sflag:s25] =	ssyncset.done $0x0  }
0x1d8: {  	[sflag:s25] =	ssyncadd.s32 $0xFFFFC000  }
0x1d9: {  	_ =	sfence.sel $0x180000  }
0x1da: {  	[bflag:$0x0] =	sbarrier.arrive $0xFFFF  }
0x1db: {  	_ =	strace $0x90000047  }
0x1dc: {  	s0 =	stileid.u32;
	[bflag:$0x2] =	sbarrier.arrive $0xFFFF  }
0x1dd: {  	p0 =	sne.s32 s0, $0x0;
	s0 =	rddreg [dreg:$0x4]  }
0x1de: {  	s0 =	sadd.s32 @!p0 $0x100000, s0  }
0x1df: {  	[sflag:s0] =	ssyncadd.tile.s32 @!p0 $0x1;
	_ =	shalt  }
.Lfunc_end2:
_tile_overlayer_lowered:
.L_overlay_start_2:
0x1e0: {  	(tag) =	ssettag $0x2  }
0x1e1: {  	s0 =	rddreg [dreg:$0x0];
	s2 =	stileid.u32  }
0x1e2: {  	s1 =	rddreg [dreg:$0x1];
	p0 =	sne.s32 s2, $0x0  }
0x1e3: {  	s3 =	rddreg [dreg:$0x2];
	[bflag:$0x3] =	sbarrier.arrive $0xFFFF;
	s2 =	simm.s32 @!p0 $0x1C04  }
0x1e4: {  	[timem:s3], [sflag:s2] =	dma.local @!p0 [hbm:s0], s1  }
0x1e5: {  	s0 =	simm.s32 @!p0 $0x4  }
0x1e6: {  	_ =	swait.ge @!p0 [sflag:s0], s1  }
0x1e7: {  	s1 =	ssub.s32 @!p0 $0x0, s1;
	[sflag:s0] =	ssyncset.done @!p0 $0x0  }
0x1e8: {  	[sflag:s0] =	ssyncadd.s32 @!p0 s1  }
0x1e9: {  	[bflag:$0x3] =	sbarrier.arrive $0xFFFF  }
0x1ea: {  	_ =	shalt  }

// kernel: sparse-core-data-format-call.cloned.1.call-start
scs
called_computation_lowered:
.L_overlay_start_0:
0x0: {  	s2 =	sld [smem:$0x3FD9]  }
0x1: {  	s3 =	sld [smem:$0x3FFE];
	_ =	sdelay $0x1  }
0x2: {  	s1 =	srdreg.scid  }
0x3: {  	s0 =	sand.u32 $0x1, s1  }
0x4: {  	s18 =	sshll.u32 s0, $0xA;
	s2 =	sadd.s32 s3, s2  }
0x5: {  	s2 =	sadd.s32 s2, s18  }
0x6: {  	[smem:$0x3FC3] =	sst s2  }
0x7: {  	_ = 	snop  }
0x8: {  	s2 =	sld [smem:$0x3FD0];
	(tm) =	ssettm $0x1  }
0x9: {  	s19 =	sld [smem:$0x3FFB];
	_ =	sdelay $0x3  }
0xa: {  	_ =	strace s19  }
0xb: {  	s3 =	sld [smem:$0x3FFC];
	_ =	sdelay $0x3  }
0xc: {  	_ =	strace s3  }
0xd: {  	s3 =	sld [smem:$0x3FFD];
	_ =	sdelay $0x3  }
0xe: {  	_ =	strace s3  }
0xf: {  	_ =	strace $0x8FFFFFFF  }
0x10: {  	s20 =	sld [smem:$0x3FDB];
	_ =	sdelay $0x1  }
0x11: {  	s4 =	simm.s32 $_scs_section_size  }
0x12: {  	s5 =	simm.s32 $_size__tile_overlayer_lowered;
	s6 =	simm.s32 $_tile_overlayer_lowered  }
0x13: {  	s23 =	simm.s32 $0x1BFF;
	s22 =	sshll.u32 s6, $0x1;
	s3 =	sadd.s32 s4, s20  }
0x14: {  	s7 =	simm.s32 $0x0;
	s21 =	sshll.u32 s5, $0x1;
	s5 =	sadd.s32 s22, s3  }
0x15: {  	[timem:s7], [sflag:s23] =	dma.local [hbm:s5], s21  }
0x16: {  	_ =	swait.ge [sflag:s23], s21  }
0x17: {  	s4 =	ssub.s32 $0x0, s21;
	[sflag:s23] =	ssyncset.done $0x0  }
0x18: {  	[sflag:s23] =	ssyncadd.s32 s4;
	_ =	sdelay $0x1  }
0x19: {  	s24 =	simm.s32 $0x1B8B  }
0x1a: {  	_ =	swait.ge [sflag:s24], $0x1  }
0x1b: {  	[sflag:s24] =	ssyncset.done $0x0  }
0x1c: {  	s26 =	simm.s32 $0x1B8E;
	s25 =	sld [smem:$0x3FFE];
	[sflag:s24] =	ssyncadd.s32 $0xFFFFFFFF  }
0x1d: {  	s27 =	simm.s32 $execute0_lowered;
	[smem:$0x3FD2] =	sst s26  }
0x1e: {  	s5 =	sshll.u32 s27, $0x1;
	_ =	strace $0x80000049;
	[dreg:$0x1] =	wrdreg $0xFFFFFFFF  }
0x1f: {  	s28 =	simm.s32 $_size_execute0_lowered;
	s3 =	sadd.s32 s3, s5;
	[dreg:$0x0] =	wrdreg $0x0  }
0x20: {  	s5 =	sshll.u32 s28, $0x1;
	[dreg:$0x2] =	wrdreg s3  }
0x21: {  	[dreg:$0x3] =	wrdreg s5  }
0x22: {  	[dreg:$0x4] =	wrdreg $0xC0  }
0x23: {  	_ =	task [dreg:s7], $0x5FFFF  }
0x24: {  	[dreg:$0x1] =	wrdreg $0xFFFFFFFF  }
0x25: {  	[dreg:$0x0] =	wrdreg $0x60  }
0x26: {  	[dreg:$0x2] =	wrdreg s25  }
0x27: {  	[dreg:$0x3] =	wrdreg s2  }
0x28: {  	[dreg:$0x4] =	wrdreg $0x9  }
0x29: {  	_ =	task.clear_ibuf [dreg:s7], $0x5FFFF;
	_ =	strace $0x90000049  }
0x2a: {  	s29 =	simm.s32 $0x9;
	_ =	strace $0x8000004B  }
0x2b: {  	_ =	swait.ge [sflag:s29], $0x1  }
0x2c: {  	[sflag:s29] =	ssyncadd.s32 $0xFFFFFFFF  }
0x2d: {  	_ =	strace $0x9000004B  }
0x2e: {  	_ =	sfence  }
0x2f: {  	s30 =	sld [smem:$0x0];
	_ =	sdelay $0x2  }
0x30: {  	s31 =	sshll.u32 s1, $0xD;
	s1 =	sshrl.u32 s1, $0x2  }
0x31: {  	s3 =	sand.u32 $0x4000, s31;
	s1 =	sadd.s32 s1, s30  }
0x32: {  	s0 =	sor.u32 s3, s0;
	s1 =	sshll.u32 s1, $0x11  }
0x33: {  	s0 =	sor.u32 s1, s0  }
0x34: {  	s0 =	sadd.s32 $0x8F2B, s0  }
0x35: {  	[sflag:s0] =	ssyncadd.remote.s32 $0x1  }
0x36: {  	_ =	sfence.sel $0xFFFF  }
0x37: {  	[dreg:$0x0] =	wrdreg $0xFFFFFFFF;
	(pc) =	sbr.abs _section_cstart, $3  }
0x38: {  	[dreg:$0x1] =	wrdreg $0xFFFFFFFF  }
0x39: {  	_ =	task.clear_ibuf [dreg:s7], $0x2FFFF;
	_ =	strace $0x9FFFFFFF  }
0x3a: {  	(tm) =	ssettm $0x7FFFFFFF  }
0x3b: {  	_ =	shalt  }
tec
execute0_lowered:
.L_overlay_start_1:
0x0: {  	(tag) =	ssettag $0x1  }
0x1: {  	s0 =	srdreg.scid  }
0x2: {  	s1 =	sshll.u32 s0, $0x4  }
0x3: {  	s0 =	stileid.u32;
	s1 =	sand.u32 $0x10, s1  }
0x4: {  	s1 =	sor.u32 s0, s1  }
0x5: {  	s6 =	rddreg [dreg:$0x0];
	s4 =	simm.s32 $0x1;
	s2 =	sshll.u32 s1, $0x7  }
0x6: {  	s7 =	simm.s32 $0x2;
	s12 =	simm.s32 $0x0;
	s1 =	ssub.s32 $0x1000, s2  }
0x7: {  	s8 =	simm.s32 $0x8000;
	s13 =	simm.s32 $0x0;
	s3 =	sand.u32 $0xF80, s1  }
0x8: {  	s9 =	simm.s32 $0x0;
	s5 =	sshrl.u32 s1, $0xC;
	p0 =	sne.s32 s3, $0x0  }
.Ltmp0:
0x9: {  	s1 =	rddreg [dreg:$0x2];
	s4 =	simm.s32 @!p0 $0x0;
	(pc) =	sbr.rel .LBB1_1-.Ltmp0, $4  }
0xa: {  	s11 =	simm.s32 $0x0;
	s3 =	rddreg [dreg:$0x1];
	s5 =	sadd.s32 s4, s5  }
0xb: {  	_ =	strace $0x8000004A;
	s4 =	simm.s32 $0x1;
	s5 =	smul.u32 $0xC8, s5  }
0xc: {  	s6 =	sadd.s32 $0xC00, s6;
	s10 =	smov.u32 s2;
	[sflag:s4] =	ssyncpa.u1 $0x0  }
0xd: {  	p0 =	por $0x0, $0x0;
	[sflag:s7] =	ssyncpa.u1 $0x0;
	s7 =	sor.u32 $0x1, s5  }
.LBB1_4:
0xe: {  	s16 =	sshll.u32 s13, $0x3;
	s17 =	sand.u32 $0x78, s13  }
0xf: {  	s30 =	sand.u32 $0x7E00, s13;
	s12 =	sshll.u32 s12, $0xF;
	s16 =	sand.u32 $0xC00, s16  }
0x10: {  	[tilespmem:s15+$0x810 ss:$0x81] =	vst.msk $0xffff, v2;
	s31 =	sand.u32 $0x7, s13;
	s16 =	sor.u32 s17, s16;
	s17 =	sadd.s32 s3, s30  }
0x11: {  	[tilespmem:s15+$0x1020 ss:$0x81] =	vst.msk $0xffff, v0;
	s13 =	sshll.u32 s31, $0x12;
	s12 =	sadd.s32 s12, s17;
	s16 =	sshrl.u32 s16, $0x3  }
0x12: {  	[tilespmem:s15+$0x0 ss:$0x81] =	vst.msk $0xffff, v1;
	s13 =	sor.u32 $0x400, s13;
	s12 =	sadd.s32 s16, s12  }
0x13: {  	[hbm4b:s12+s13] =	stream.strided.scatter [tilespmem:s14], [sflag:$0x2], $0x2000, s8, s13, $0x20;
	[tilespmem:$0x8080] =	vst v63  }
.LBB1_5:
0x14: {  	s14 =	sadd.s32 $0x1, s9  }
0x15: {  	s12 =	sadd.s32 $0x1000, s10;
	s16 =	smov.u32 s10;
	p2 =	sgt.s32 s14, $0xC7  }
0x16: {  	s16 =	smov.u32 @p2 s12  }
0x17: {  	s14 =	simm.s32 @p2 $0x0;
	p2 =	sgt.s32 s16, $0xFFF  }
0x18: {  	s16 =	smov.u32 @p2 s2;
	p2 =	sne.s32 s11, s7  }
.Ltmp1:
0x19: {  	p1 =	slt.u32 s11, $0x2;
	(pc) =	sbr.rel @!p2 .LBB1_6-.Ltmp1, $4  }
0x1a: {  	s15 =	simm.s32 @!p1 $0x2  }
0x1b: {  	s13 =	smov.u32 s10;
	p0 =	por !p0, !p0;
	_ =	swait.ge @!p1 [sflag:s15], $0x2000  }
0x1c: {  	s12 =	smov.u32 s9;
	[sflag:s15] =	ssyncset.done @!p1 $0x0;
	s9 =	smov.u32 s14  }
0x1d: {  	s11 =	sadd.s32 $0x1, s11;
	[sflag:s15] =	ssyncadd.s32 @!p1 $0xFFFFE000;
	s10 =	smov.u32 s16  }
.LBB1_1:
0x1e: {  	p1 =	sge.u32 s11, s5  }
0x1f: {  	s14 =	sand.u32 @!p1 $0x1FFFFFF, s9  }
0x20: {  	s15 =	smulhi.u32 @!p1 $0x147AE15, s14;
	_ =	sdelay $0x1  }
0x21: {  	s15 =	smul.u32 @!p1 $0xC8, s15  }
0x22: {  	s16 =	sxor.u32 @!p1 $0xFFFFFFFF, s11;
	s17 =	smul.u32 @!p1 $0xC80, s10  }
0x23: {  	s31 =	sadd.s32 $0xFFFFFFFF, s11;
	s16 =	sshll.u32 @!p1 s16, $0xD;
	s14 =	ssub.s32 @!p1 s14, s15  }
0x24: {  	s15 =	sand.u32 @!p1 $0x2000, s16;
	s16 =	sadd.s32 @!p1 s6, s17;
	s14 =	sshll.u32 @!p1 s14, $0x4  }
0x25: {  	s17 =	simm.s32 @!p1 $0x6400;
	s14 =	sadd.s32 @!p1 s14, s16;
	s16 =	simm.s32 @!p1 $0x40  }
0x26: {  	[tilespmem:s15], [sflag:$0x1] =	stream.strided.gather @!p1 [hbm4b:s14+s16], $0x2000, s17, s16, $0x38;
	[tilespmem:$0x8080] =	vst v63  }
0x27: {  	p1 =	sge.u32 s31, s5  }
.Ltmp2:
0x28: {  	_ = 	snop;
	(pc) =	sbr.rel @p1 .LBB1_5-.Ltmp2, $1  }
0x29: {  	_ =	sdelay $0x3  }
0x2a: {  	s14 =	simm.s32 $0x1  }
0x2b: {  	_ =	swait.ge [sflag:s4], $0x2000;
	s14 =	simm.s32 @!p0 $0x0  }
0x2c: {  	[sflag:s4] =	ssyncset.done $0x0;
	s15 =	sshll.u32 s14, $0xD  }
0x2d: {  	[sflag:s4] =	ssyncadd.s32 $0xFFFFE000;
	s18 =	sor.u32 $0x20, s15  }
0x2e: {  	s14 =	smul.u32 $0x8100, s14;
	v3 =	vld [tilespmem:s18+$0x10]  }
0x2f: {  	s30 =	sand.u32 $0x1, s11;
	v2 =	vld [tilespmem:s18+$0xFFFFFFF0]  }
0x30: {  	s15 =	smul.u32 $0x8100, s30;
	s14 =	sshrl.u32 s14, $0x2;
	v0 =	vld [tilespmem:s18+$0x0]  }
0x31: {  	v1 =	vld [tilespmem:s18+$0xFFFFFFE0];
	s16 =	sor.u32 $0x4000, s14  }
0x32: {  	s31 =	sshrl.u32 s15, $0x2;
	s15 =	sadd.s32 $0x0, s16  }
0x33: {  	s17 =	simm.s32 $0x4;
	s18 =	sadd.s32 $0x40, s18;
	s14 =	sor.u32 $0x4000, s31;
	[tilespmem:s15+$0x1830 ss:$0x81] =	vst.msk $0xffff, v3  }
.LBB1_3:
0x34: {  	v3 =	vld [tilespmem:s18+$0x10];
	p1 =	sne.s32 s17, $0x1FC;
	[tilespmem:s15+$0x810 ss:$0x81] =	vst.msk $0xffff, v2;
	s19 =	smov.u32 s17;
	s17 =	sadd.s32 $0x4, s17  }
.Ltmp3:
0x35: {  	v2 =	vld [tilespmem:s18+$0xFFFFFFF0];
	[tilespmem:s15+$0x1020 ss:$0x81] =	vst.msk $0xffff, v0;
	(pc) =	sbr.rel @p1 .LBB1_3-.Ltmp3, $4  }
0x36: {  	v0 =	vld [tilespmem:s18+$0x0];
	[tilespmem:s15+$0x0 ss:$0x81] =	vst.msk $0xffff, v1  }
0x37: {  	s15 =	sshra.s32 s19, $0x2;
	v1 =	vld [tilespmem:s18+$0xFFFFFFE0]  }
0x38: {  	s15 =	sadd.s32 s15, s16  }
0x39: {  	s18 =	sadd.s32 $0x40, s18;
	[tilespmem:s15+$0x1830 ss:$0x81] =	vst.msk $0xffff, v3  }
.Ltmp4:
0x3a: {  	_ = 	snop;
	(pc) =	sbr.rel .LBB1_4-.Ltmp4, $1  }
0x3b: {  	_ =	sdelay $0x3  }
.LBB1_6:
0x3c: {  	_ =	sfence.sel $0x180000  }
0x3d: {  	s2 =	simm.s32 $0x1;
	[bflag:$0x0] =	sbarrier.arrive $0xFFFF  }
0x3e: {  	s31 =	simm.s32 $0x2;
	[sflag:s2] =	ssyncpa.u1 $0x1  }
0x3f: {  	[sflag:s31] =	ssyncpa.u1 $0x1  }
0x40: {  	p0 =	sne.s32 s0, $0x0;
	_ =	strace $0x9000004A  }
0x41: {  	s0 =	sadd.s32 @!p0 $0x100000, s1;
	[bflag:$0x2] =	sbarrier.arrive $0xFFFF  }
0x42: {  	[sflag:s0] =	ssyncadd.tile.s32 @!p0 $0x1;
	_ =	shalt  }
.Lfunc_end1:
_tile_overlayer_lowered:
.L_overlay_start_2:
0x43: {  	(tag) =	ssettag $0x2  }
0x44: {  	s0 =	rddreg [dreg:$0x0];
	s2 =	stileid.u32  }
0x45: {  	s1 =	rddreg [dreg:$0x1];
	p0 =	sne.s32 s2, $0x0  }
0x46: {  	s3 =	rddreg [dreg:$0x2];
	[bflag:$0x3] =	sbarrier.arrive $0xFFFF;
	s2 =	simm.s32 @!p0 $0x1C01  }
0x47: {  	[timem:s3], [sflag:s2] =	dma.local @!p0 [hbm:s0], s1  }
0x48: {  	s0 =	simm.s32 @!p0 $0x1  }
0x49: {  	_ =	swait.ge @!p0 [sflag:s0], s1  }
0x4a: {  	s1 =	ssub.s32 @!p0 $0x0, s1;
	[sflag:s0] =	ssyncset.done @!p0 $0x0  }
0x4b: {  	[sflag:s0] =	ssyncadd.s32 @!p0 s1  }
0x4c: {  	[bflag:$0x3] =	sbarrier.arrive $0xFFFF  }
0x4d: {  	_ =	shalt  }

</sc_bundles>
